<compile_context>
chip_gen: v7x
topology: tpu7x:2x2x1
jax: 0.10.2.dev20260603
libtpu: 0.0.44.dev20260713+nightly
codegen_flags: <defaults>
</compile_context>

<pallas_src>
import functools

import jax
import jax.numpy as jnp
from jax import lax
from jax.experimental import pallas as pl
from jax.experimental.pallas import tpu as pltpu
from jax.experimental.pallas import tpu_sc as plsc

D = 32
B = 16384
S = 50
NC, NS = 2, 16
NW = NC * NS
BW = B // NW
FW = BW * S


def _make_kernel():
    mesh = plsc.VectorSubcoreMesh(core_axis_name="c", subcore_axis_name="s")

    @functools.partial(
        pl.kernel,
        mesh=mesh,
        out_type=jax.ShapeDtypeStruct((S, D, B), jnp.float32),
        scratch_types=[
            pltpu.VMEM((FW,), jnp.int32),
            pltpu.VMEM((BW,), jnp.int32),
            pltpu.VMEM((BW,), jnp.int32),
            pltpu.VMEM((BW, D), jnp.float32),
            pltpu.VMEM((BW, D), jnp.float32),
            pltpu.VMEM((D, BW + 1), jnp.float32),
            pltpu.VMEM((D, BW + 1), jnp.float32),
            pltpu.SemaphoreType.DMA,
            pltpu.SemaphoreType.DMA,
            pltpu.SemaphoreType.DMA,
            pltpu.SemaphoreType.DMA,
        ],
        compiler_params=pltpu.CompilerParams(
            use_tc_tiling_on_sc=False, needs_layout_passes=False
        ),
    )
    def gather_kernel(idx_hbm, table_hbm, out_hbm, ids_v,
                      sidx0, sidx1, d0, d1, e0, e1, sem0, sem1, wsem0, wsem1):
        wid = lax.axis_index("s") * NC + lax.axis_index("c")
        b0 = wid * BW
        pltpu.sync_copy(idx_hbm.at[pl.ds(wid * FW, FW)], ids_v)

        iota = lax.iota(jnp.int32, 16)

        def out_slice(s):
            return out_hbm.at[s].at[:, pl.ds(b0, BW)]

        def compact(s, sidx):
            @plsc.parallel_loop(0, BW, step=16, unroll=2)
            def cbody(r0):
                rvec = iota + r0
                vis = plsc.load_gather(ids_v, [rvec * S + s])
                plsc.store_scatter(sidx, [rvec], vis)

        iota_hi = iota + 16

        def transpose(d_v, e_v):
            @plsc.parallel_loop(0, BW, step=8, unroll=2)
            def tbody(r0):
                for j in range(8):
                    r = r0 + j
                    rs = lax.broadcast(r, (16,))
                    x0 = d_v[r, pl.ds(0, 16)]
                    plsc.store_scatter(e_v, [iota, rs], x0)
                    x1 = d_v[r, pl.ds(16, 16)]
                    plsc.store_scatter(e_v, [iota_hi, rs], x1)

        compact(0, sidx0)
        pltpu.async_copy(table_hbm.at[sidx0], d0, sem0)

        def body(tt, carry):
            s = 2 * tt
            compact(s + 1, sidx1)
            pltpu.async_copy(table_hbm.at[sidx1], d1, sem1)
            pltpu.make_async_copy(table_hbm.at[sidx0], d0, sem0).wait()

            @pl.when(tt > 0)
            def _():
                pltpu.make_async_copy(e0.at[:, pl.ds(0, BW)], out_slice(0), wsem0).wait()

            transpose(d0, e0)
            pltpu.async_copy(e0.at[:, pl.ds(0, BW)], out_slice(s), wsem0)
            compact(s + 2, sidx0)
            pltpu.async_copy(table_hbm.at[sidx0], d0, sem0)
            pltpu.make_async_copy(table_hbm.at[sidx1], d1, sem1).wait()

            @pl.when(tt > 0)
            def _():
                pltpu.make_async_copy(e1.at[:, pl.ds(0, BW)], out_slice(0), wsem1).wait()

            transpose(d1, e1)
            pltpu.async_copy(e1.at[:, pl.ds(0, BW)], out_slice(s + 1), wsem1)
            return carry

        lax.fori_loop(0, S // 2 - 1, body, 0)
        compact(S - 1, sidx1)
        pltpu.async_copy(table_hbm.at[sidx1], d1, sem1)
        pltpu.make_async_copy(table_hbm.at[sidx0], d0, sem0).wait()
        pltpu.make_async_copy(e0.at[:, pl.ds(0, BW)], out_slice(0), wsem0).wait()
        transpose(d0, e0)
        pltpu.async_copy(e0.at[:, pl.ds(0, BW)], out_slice(S - 2), wsem0)
        pltpu.make_async_copy(table_hbm.at[sidx1], d1, sem1).wait()
        pltpu.make_async_copy(e1.at[:, pl.ds(0, BW)], out_slice(0), wsem1).wait()
        transpose(d1, e1)
        pltpu.async_copy(e1.at[:, pl.ds(0, BW)], out_slice(S - 1), wsem1)
        pltpu.make_async_copy(e0.at[:, pl.ds(0, BW)], out_slice(0), wsem0).wait()
        pltpu.make_async_copy(e1.at[:, pl.ds(0, BW)], out_slice(0), wsem1).wait()

    return gather_kernel


_GATHER = _make_kernel()


def kernel(element_ids, weight):
    idx = element_ids.reshape(-1)
    out = _GATHER(idx, weight)
    return out.transpose(2, 0, 1)

# --- scband reference (transcript-rebuilt; emitter-appended) ---
"""Pipeline reference for scband-element-embedding-12902081757463 (READ-ONLY COPY).

The authoritative reference and input builder live on the scoring server;
editing this copy changes nothing except your own understanding.
"""

import jax, jax.numpy as jnp
import numpy as np

NUM_ELEMENTS = 1000000
EMBEDDING_DIM = 32

def setup_inputs(seed: int = 0) -> dict:
    key = jax.random.key(seed)
    k1, k2 = jax.random.split(key)
    element_ids = jax.random.randint(k1, (16384, 50), 0, NUM_ELEMENTS, dtype=jnp.int64 if jax.config.jax_enable_x64 else jnp.int32)
    # Embedding table initialized like nn.Embedding default: N(0, 1)
    weight = jax.random.normal(k2, (NUM_ELEMENTS, EMBEDDING_DIM), dtype=jnp.float32)
    return {"element_ids": element_ids, "weight": weight}

def reference(element_ids, weight):
    # nn.Embedding forward: gather rows of the table by index
    return jnp.take(weight, element_ids, axis=0)

if __name__ == "__main__":
    import jax
    _d = setup_inputs()
    print(jax.jit(kernel)(*tuple(_d.values())))

</pallas_src>

<mosaic_0001>
#map = affine_map<(d0, d1) -> (0)>
#map1 = affine_map<(d0, d1) -> (0, 0)>
#map2 = affine_map<(d0, d1) -> (0, 0, 0)>
module attributes {stable_mosaic.version = 14 : i64} {
  func.func @gather_kernel(%arg0: i32, %arg1: i32, %arg2: memref<819200xi32, #tpu.memory_space<hbm>>, %arg3: memref<1000000x32xf32, #tpu.memory_space<hbm>>, %arg4: memref<50x32x16384xf32, #tpu.memory_space<hbm>>, %arg5: memref<25600xi32, #tpu.memory_space<vmem>>, %arg6: memref<512xi32, #tpu.memory_space<vmem>>, %arg7: memref<512xi32, #tpu.memory_space<vmem>>, %arg8: memref<512x32xf32, #tpu.memory_space<vmem>>, %arg9: memref<512x32xf32, #tpu.memory_space<vmem>>, %arg10: memref<32x513xf32, #tpu.memory_space<vmem>>, %arg11: memref<32x513xf32, #tpu.memory_space<vmem>>, %arg12: memref<!tpu.dma_semaphore, #tpu.memory_space<semaphore_mem>>, %arg13: memref<!tpu.dma_semaphore, #tpu.memory_space<semaphore_mem>>, %arg14: memref<!tpu.dma_semaphore, #tpu.memory_space<semaphore_mem>>, %arg15: memref<!tpu.dma_semaphore, #tpu.memory_space<semaphore_mem>>) attributes {dimension_semantics = [#tpu.dimension_semantics<core_parallel>, #tpu.dimension_semantics<subcore_parallel>], iteration_bounds = array<i64: 2, 16>, scalar_prefetch = 0 : i64, scratch_operands = 11 : i64, tpu.core_type = #tpu.core_type<sc_vector_subcore>, window_params = [{transform_indices = #map}, {transform_indices = #map1}, {transform_indices = #map2}]} {
    %mul3A = arith.constant 2 : i32
    %mul3A_0 = arith.muli %arg1, %mul3A : i32
    %add3A = arith.addi %mul3A_0, %arg0 : i32
    %mul3A_1 = arith.constant 512 : i32
    %mul3A_2 = arith.muli %add3A, %mul3A_1 : i32
    %mul3A_3 = arith.constant 25600 : i32
    %mul3A_4 = arith.muli %add3A, %mul3A_3 : i32
    "tpu.region"() ({
      %run_scoped3A = tpu.sem_alloc : memref<!tpu.dma_semaphore, #tpu.memory_space<semaphore_mem>>
      %dma_start3A_148 = tpu.memref_slice %arg2[%mul3A_4] : memref<819200xi32, #tpu.memory_space<hbm>> -> memref<25600xi32, #tpu.memory_space<hbm>>
      %dma_start3A_149 = tpu.memref_slice %arg2[%mul3A_4] : memref<819200xi32, #tpu.memory_space<hbm>> -> memref<25600xi32, #tpu.memory_space<hbm>>
      tpu.enqueue_dma source(%dma_start3A_149 : memref<25600xi32, #tpu.memory_space<hbm>>) target(%arg5 : memref<25600xi32, #tpu.memory_space<vmem>>) target_semaphore(%run_scoped3A : memref<!tpu.dma_semaphore, #tpu.memory_space<semaphore_mem>>)
      %dma_wait3A_150 = tpu.memref_slice %arg2[%mul3A_4] : memref<819200xi32, #tpu.memory_space<hbm>> -> memref<25600xi32, #tpu.memory_space<hbm>>
      %dma_wait3A_151 = tpu.memref_slice %arg2[%mul3A_4] : memref<819200xi32, #tpu.memory_space<hbm>> -> memref<25600xi32, #tpu.memory_space<hbm>>
      tpu.wait_dma2 semaphore(%run_scoped3A : memref<!tpu.dma_semaphore, #tpu.memory_space<semaphore_mem>>) src(%dma_wait3A_151 : memref<25600xi32, #tpu.memory_space<hbm>>) dst(%arg5 : memref<25600xi32, #tpu.memory_space<vmem>>)
      tpu.yield
    }) : () -> ()
    %iota3A = tpu.iota {dimensions = array<i32: 0>} : vector<16xi32>
    %add3A_5 = arith.constant 16 : i32
    %add3A_6 = vector.broadcast %add3A_5 : i32 to vector<16xi32>
    %add3A_7 = arith.addi %iota3A, %add3A_6 : vector<16xi32>
    %parallel_loop3A = arith.constant 0 : i32
    %parallel_loop3A_8 = arith.constant 512 : i32
    %parallel_loop3A_9 = arith.constant 16 : i32
    scf.for %parallel_loop3A_148 = %parallel_loop3A to %parallel_loop3A_8 step %parallel_loop3A_9  : i32 {
      %parallel_loop3A_149 = vector.broadcast %parallel_loop3A_148 : i32 to vector<16xi32>
      %parallel_loop3A_150 = arith.addi %iota3A, %parallel_loop3A_149 : vector<16xi32>
      %parallel_loop3A_151 = arith.constant 50 : i32
      %parallel_loop3A_152 = vector.broadcast %parallel_loop3A_151 : i32 to vector<16xi32>
      %parallel_loop3A_153 = arith.muli %parallel_loop3A_150, %parallel_loop3A_152 : vector<16xi32>
      %parallel_loop3A_154 = arith.constant 0 : i32
      %parallel_loop3A_155 = vector.broadcast %parallel_loop3A_154 : i32 to vector<16xi32>
      %parallel_loop3A_156 = arith.addi %parallel_loop3A_153, %parallel_loop3A_155 : vector<16xi32>
      %parallel_loop3A_157 = tpu.vector_load_idx %arg5[%parallel_loop3A_156] : memref<25600xi32, #tpu.memory_space<vmem>>[vector<16xi32>], vector<16xi32>,
      tpu.vector_store_idx %arg6[%parallel_loop3A_150], %parallel_loop3A_157 : memref<512xi32, #tpu.memory_space<vmem>>[vector<16xi32>], vector<16xi32>,
    } {sc.loop_unroll_factor = 2 : i64, sc.parallel_access}
    %dma_start3A = arith.constant 0 : i32
    %dma_start3A_10 = arith.constant 0 : i32
    %dma_start3A_11 = tpu.memref_slice %arg3[%dma_start3A, %dma_start3A_10] : memref<1000000x32xf32, #tpu.memory_space<hbm>> -> memref<1000000x32xf32, #tpu.memory_space<hbm>>
    tpu.enqueue_indirect_dma source(%dma_start3A_11 : memref<1000000x32xf32, #tpu.memory_space<hbm>>) target(%arg8 : memref<512x32xf32, #tpu.memory_space<vmem>>) offsets(%arg6 : memref<512xi32, #tpu.memory_space<vmem>>) semaphore(%arg12 : memref<!tpu.dma_semaphore, #tpu.memory_space<semaphore_mem>>)
    %scan3A = arith.constant 0 : i32
    %scan3A_12 = arith.constant 0 : i32
    %scan3A_13 = arith.constant 24 : i32
    %scan3A_14 = arith.addi %scan3A_12, %scan3A_13 : i32
    %scan3A_15 = arith.constant 1 : i32
    scf.for %scan3A_148 = %scan3A_12 to %scan3A_14 step %scan3A_15  : i32 {
      %mul3A_149 = arith.constant 2 : i32
      %mul3A_150 = arith.muli %mul3A_149, %scan3A_148 : i32
      %add3A_151 = arith.constant 1 : i32
      %add3A_152 = arith.addi %mul3A_150, %add3A_151 : i32
      %parallel_loop3A_153 = arith.constant 0 : i32
      %parallel_loop3A_154 = arith.constant 512 : i32
      %parallel_loop3A_155 = arith.constant 16 : i32
      scf.for %parallel_loop3A_224 = %parallel_loop3A_153 to %parallel_loop3A_154 step %parallel_loop3A_155  : i32 {
        %parallel_loop3A_225 = vector.broadcast %parallel_loop3A_224 : i32 to vector<16xi32>
        %parallel_loop3A_226 = arith.addi %iota3A, %parallel_loop3A_225 : vector<16xi32>
        %parallel_loop3A_227 = arith.constant 50 : i32
        %parallel_loop3A_228 = vector.broadcast %parallel_loop3A_227 : i32 to vector<16xi32>
        %parallel_loop3A_229 = arith.muli %parallel_loop3A_226, %parallel_loop3A_228 : vector<16xi32>
        %parallel_loop3A_230 = vector.broadcast %add3A_152 : i32 to vector<16xi32>
        %parallel_loop3A_231 = arith.addi %parallel_loop3A_229, %parallel_loop3A_230 : vector<16xi32>
        %parallel_loop3A_232 = tpu.vector_load_idx %arg5[%parallel_loop3A_231] : memref<25600xi32, #tpu.memory_space<vmem>>[vector<16xi32>], vector<16xi32>,
        tpu.vector_store_idx %arg7[%parallel_loop3A_226], %parallel_loop3A_232 : memref<512xi32, #tpu.memory_space<vmem>>[vector<16xi32>], vector<16xi32>,
      } {sc.loop_unroll_factor = 2 : i64, sc.parallel_access}
      %dma_start3A_156 = arith.constant 0 : i32
      %dma_start3A_157 = arith.constant 0 : i32
      %dma_start3A_158 = tpu.memref_slice %arg3[%dma_start3A_156, %dma_start3A_157] : memref<1000000x32xf32, #tpu.memory_space<hbm>> -> memref<1000000x32xf32, #tpu.memory_space<hbm>>
      tpu.enqueue_indirect_dma source(%dma_start3A_158 : memref<1000000x32xf32, #tpu.memory_space<hbm>>) target(%arg9 : memref<512x32xf32, #tpu.memory_space<vmem>>) offsets(%arg7 : memref<512xi32, #tpu.memory_space<vmem>>) semaphore(%arg13 : memref<!tpu.dma_semaphore, #tpu.memory_space<semaphore_mem>>)
      %dma_wait3A_159 = arith.constant 0 : i32
      %dma_wait3A_160 = arith.constant 0 : i32
      %dma_wait3A_161 = tpu.memref_slice %arg3[%dma_wait3A_159, %dma_wait3A_160] : memref<1000000x32xf32, #tpu.memory_space<hbm>> -> memref<1000000x32xf32, #tpu.memory_space<hbm>>
      tpu.wait_indirect_dma semaphore(%arg12 : memref<!tpu.dma_semaphore, #tpu.memory_space<semaphore_mem>>) src(%dma_wait3A_161 : memref<1000000x32xf32, #tpu.memory_space<hbm>>) dst(%arg8 : memref<512x32xf32, #tpu.memory_space<vmem>>)
      %gt3A = arith.constant 0 : i32
      %gt3A_162 = arith.cmpi sgt, %scan3A_148, %gt3A : i32
      %convert_element_type3A = arith.extui %gt3A_162 : i1 to i32
      %cond3A = arith.constant 0 : i32
      %cond3A_163 = arith.cmpi ne, %convert_element_type3A, %cond3A : i32
      scf.if %cond3A_163 {
        %dma_wait3A_224 = arith.constant 0 : i32
        %dma_wait3A_225 = arith.constant 0 : i32
        %dma_wait3A_226 = arith.constant 0 : i32
        %dma_wait3A_227 = tpu.memref_slice %arg10[%dma_wait3A_225, %dma_wait3A_226] : memref<32x513xf32, #tpu.memory_space<vmem>> -> memref<32x512xf32, #tpu.memory_space<vmem>>
        %dma_wait3A_228 = arith.constant 0 : i32
        %dma_wait3A_229 = arith.constant 0 : i32
        %dma_wait3A_230 = tpu.memref_slice %arg4[%dma_wait3A_224, %dma_wait3A_228, %dma_wait3A_229] : memref<50x32x16384xf32, #tpu.memory_space<hbm>> -> memref<1x32x16384xf32, #tpu.memory_space<hbm>>
        %dma_wait3A_231 = tpu.memref_squeeze %dma_wait3A_230 : memref<1x32x16384xf32, #tpu.memory_space<hbm>> -> memref<32x16384xf32, #tpu.memory_space<hbm>>
        %dma_wait3A_232 = arith.constant 0 : i32
        %dma_wait3A_233 = tpu.memref_slice %dma_wait3A_231[%dma_wait3A_232, %mul3A_2] : memref<32x16384xf32, #tpu.memory_space<hbm>> -> memref<32x512xf32, #tpu.memory_space<hbm>>
        %dma_wait3A_234 = arith.constant 0 : i32
        %dma_wait3A_235 = arith.constant 0 : i32
        %dma_wait3A_236 = tpu.memref_slice %arg4[%dma_wait3A_224, %dma_wait3A_234, %dma_wait3A_235] : memref<50x32x16384xf32, #tpu.memory_space<hbm>> -> memref<1x32x16384xf32, #tpu.memory_space<hbm>>
        %dma_wait3A_237 = tpu.memref_squeeze %dma_wait3A_236 : memref<1x32x16384xf32, #tpu.memory_space<hbm>> -> memref<32x16384xf32, #tpu.memory_space<hbm>>
        %dma_wait3A_238 = arith.constant 0 : i32
        %dma_wait3A_239 = tpu.memref_slice %dma_wait3A_237[%dma_wait3A_238, %mul3A_2] : memref<32x16384xf32, #tpu.memory_space<hbm>> -> memref<32x512xf32, #tpu.memory_space<hbm>>
        %dma_wait3A_240 = arith.constant 0 : i32
        %dma_wait3A_241 = arith.constant 0 : i32
        %dma_wait3A_242 = tpu.memref_slice %arg10[%dma_wait3A_240, %dma_wait3A_241] : memref<32x513xf32, #tpu.memory_space<vmem>> -> memref<32x512xf32, #tpu.memory_space<vmem>>
        tpu.wait_dma2 semaphore(%arg14 : memref<!tpu.dma_semaphore, #tpu.memory_space<semaphore_mem>>) src(%dma_wait3A_242 : memref<32x512xf32, #tpu.memory_space<vmem>>) dst(%dma_wait3A_239 : memref<32x512xf32, #tpu.memory_space<hbm>>)
      } else {
      }
      %parallel_loop3A_164 = arith.constant 0 : i32
      %parallel_loop3A_165 = arith.constant 512 : i32
      %parallel_loop3A_166 = arith.constant 8 : i32
      scf.for %parallel_loop3A_224 = %parallel_loop3A_164 to %parallel_loop3A_165 step %parallel_loop3A_166  : i32 {
        %parallel_loop3A_225 = arith.constant 0 : i32
        %parallel_loop3A_226 = arith.addi %parallel_loop3A_224, %parallel_loop3A_225 : i32
        %parallel_loop3A_227 = vector.broadcast %parallel_loop3A_226 : i32 to vector<16xi32>
        %parallel_loop3A_228 = arith.index_cast %parallel_loop3A_226 : i32 to index
        %parallel_loop3A_229 = arith.constant 0 : index
        %parallel_loop3A_230 = tpu.vector_load %arg8[%parallel_loop3A_228, %parallel_loop3A_229] {strides = array<i32>} : memref<512x32xf32, #tpu.memory_space<vmem>>, vector<16xf32>,
        tpu.vector_store_idx %arg10[%iota3A, %parallel_loop3A_227], %parallel_loop3A_230 : memref<32x513xf32, #tpu.memory_space<vmem>>[vector<16xi32>, vector<16xi32>], vector<16xf32>,
        %parallel_loop3A_231 = arith.index_cast %parallel_loop3A_226 : i32 to index
        %parallel_loop3A_232 = arith.constant 16 : index
        %parallel_loop3A_233 = tpu.vector_load %arg8[%parallel_loop3A_231, %parallel_loop3A_232] {strides = array<i32>} : memref<512x32xf32, #tpu.memory_space<vmem>>, vector<16xf32>,
        tpu.vector_store_idx %arg10[%add3A_7, %parallel_loop3A_227], %parallel_loop3A_233 : memref<32x513xf32, #tpu.memory_space<vmem>>[vector<16xi32>, vector<16xi32>], vector<16xf32>,
        %parallel_loop3A_234 = arith.constant 1 : i32
        %parallel_loop3A_235 = arith.addi %parallel_loop3A_224, %parallel_loop3A_234 : i32
        %parallel_loop3A_236 = vector.broadcast %parallel_loop3A_235 : i32 to vector<16xi32>
        %parallel_loop3A_237 = arith.index_cast %parallel_loop3A_235 : i32 to index
        %parallel_loop3A_238 = arith.constant 0 : index
        %parallel_loop3A_239 = tpu.vector_load %arg8[%parallel_loop3A_237, %parallel_loop3A_238] {strides = array<i32>} : memref<512x32xf32, #tpu.memory_space<vmem>>, vector<16xf32>,
        tpu.vector_store_idx %arg10[%iota3A, %parallel_loop3A_236], %parallel_loop3A_239 : memref<32x513xf32, #tpu.memory_space<vmem>>[vector<16xi32>, vector<16xi32>], vector<16xf32>,
        %parallel_loop3A_240 = arith.index_cast %parallel_loop3A_235 : i32 to index
        %parallel_loop3A_241 = arith.constant 16 : index
        %parallel_loop3A_242 = tpu.vector_load %arg8[%parallel_loop3A_240, %parallel_loop3A_241] {strides = array<i32>} : memref<512x32xf32, #tpu.memory_space<vmem>>, vector<16xf32>,
        tpu.vector_store_idx %arg10[%add3A_7, %parallel_loop3A_236], %parallel_loop3A_242 : memref<32x513xf32, #tpu.memory_space<vmem>>[vector<16xi32>, vector<16xi32>], vector<16xf32>,
        %parallel_loop3A_243 = arith.constant 2 : i32
        %parallel_loop3A_244 = arith.addi %parallel_loop3A_224, %parallel_loop3A_243 : i32
        %parallel_loop3A_245 = vector.broadcast %parallel_loop3A_244 : i32 to vector<16xi32>
        %parallel_loop3A_246 = arith.index_cast %parallel_loop3A_244 : i32 to index
        %parallel_loop3A_247 = arith.constant 0 : index
        %parallel_loop3A_248 = tpu.vector_load %arg8[%parallel_loop3A_246, %parallel_loop3A_247] {strides = array<i32>} : memref<512x32xf32, #tpu.memory_space<vmem>>, vector<16xf32>,
        tpu.vector_store_idx %arg10[%iota3A, %parallel_loop3A_245], %parallel_loop3A_248 : memref<32x513xf32, #tpu.memory_space<vmem>>[vector<16xi32>, vector<16xi32>], vector<16xf32>,
        %parallel_loop3A_249 = arith.index_cast %parallel_loop3A_244 : i32 to index
        %parallel_loop3A_250 = arith.constant 16 : index
        %parallel_loop3A_251 = tpu.vector_load %arg8[%parallel_loop3A_249, %parallel_loop3A_250] {strides = array<i32>} : memref<512x32xf32, #tpu.memory_space<vmem>>, vector<16xf32>,
        tpu.vector_store_idx %arg10[%add3A_7, %parallel_loop3A_245], %parallel_loop3A_251 : memref<32x513xf32, #tpu.memory_space<vmem>>[vector<16xi32>, vector<16xi32>], vector<16xf32>,
        %parallel_loop3A_252 = arith.constant 3 : i32
        %parallel_loop3A_253 = arith.addi %parallel_loop3A_224, %parallel_loop3A_252 : i32
        %parallel_loop3A_254 = vector.broadcast %parallel_loop3A_253 : i32 to vector<16xi32>
        %parallel_loop3A_255 = arith.index_cast %parallel_loop3A_253 : i32 to index
        %parallel_loop3A_256 = arith.constant 0 : index
        %parallel_loop3A_257 = tpu.vector_load %arg8[%parallel_loop3A_255, %parallel_loop3A_256] {strides = array<i32>} : memref<512x32xf32, #tpu.memory_space<vmem>>, vector<16xf32>,
        tpu.vector_store_idx %arg10[%iota3A, %parallel_loop3A_254], %parallel_loop3A_257 : memref<32x513xf32, #tpu.memory_space<vmem>>[vector<16xi32>, vector<16xi32>], vector<16xf32>,
        %parallel_loop3A_258 = arith.index_cast %parallel_loop3A_253 : i32 to index
        %parallel_loop3A_259 = arith.constant 16 : index
        %parallel_loop3A_260 = tpu.vector_load %arg8[%parallel_loop3A_258, %parallel_loop3A_259] {strides = array<i32>} : memref<512x32xf32, #tpu.memory_space<vmem>>, vector<16xf32>,
        tpu.vector_store_idx %arg10[%add3A_7, %parallel_loop3A_254], %parallel_loop3A_260 : memref<32x513xf32, #tpu.memory_space<vmem>>[vector<16xi32>, vector<16xi32>], vector<16xf32>,
        %parallel_loop3A_261 = arith.constant 4 : i32
        %parallel_loop3A_262 = arith.addi %parallel_loop3A_224, %parallel_loop3A_261 : i32
        %parallel_loop3A_263 = vector.broadcast %parallel_loop3A_262 : i32 to vector<16xi32>
        %parallel_loop3A_264 = arith.index_cast %parallel_loop3A_262 : i32 to index
        %parallel_loop3A_265 = arith.constant 0 : index
        %parallel_loop3A_266 = tpu.vector_load %arg8[%parallel_loop3A_264, %parallel_loop3A_265] {strides = array<i32>} : memref<512x32xf32, #tpu.memory_space<vmem>>, vector<16xf32>,
        tpu.vector_store_idx %arg10[%iota3A, %parallel_loop3A_263], %parallel_loop3A_266 : memref<32x513xf32, #tpu.memory_space<vmem>>[vector<16xi32>, vector<16xi32>], vector<16xf32>,
        %parallel_loop3A_267 = arith.index_cast %parallel_loop3A_262 : i32 to index
        %parallel_loop3A_268 = arith.constant 16 : index
        %parallel_loop3A_269 = tpu.vector_load %arg8[%parallel_loop3A_267, %parallel_loop3A_268] {strides = array<i32>} : memref<512x32xf32, #tpu.memory_space<vmem>>, vector<16xf32>,
        tpu.vector_store_idx %arg10[%add3A_7, %parallel_loop3A_263], %parallel_loop3A_269 : memref<32x513xf32, #tpu.memory_space<vmem>>[vector<16xi32>, vector<16xi32>], vector<16xf32>,
        %parallel_loop3A_270 = arith.constant 5 : i32
        %parallel_loop3A_271 = arith.addi %parallel_loop3A_224, %parallel_loop3A_270 : i32
        %parallel_loop3A_272 = vector.broadcast %parallel_loop3A_271 : i32 to vector<16xi32>
        %parallel_loop3A_273 = arith.index_cast %parallel_loop3A_271 : i32 to index
        %parallel_loop3A_274 = arith.constant 0 : index
        %parallel_loop3A_275 = tpu.vector_load %arg8[%parallel_loop3A_273, %parallel_loop3A_274] {strides = array<i32>} : memref<512x32xf32, #tpu.memory_space<vmem>>, vector<16xf32>,
        tpu.vector_store_idx %arg10[%iota3A, %parallel_loop3A_272], %parallel_loop3A_275 : memref<32x513xf32, #tpu.memory_space<vmem>>[vector<16xi32>, vector<16xi32>], vector<16xf32>,
        %parallel_loop3A_276 = arith.index_cast %parallel_loop3A_271 : i32 to index
        %parallel_loop3A_277 = arith.constant 16 : index
        %parallel_loop3A_278 = tpu.vector_load %arg8[%parallel_loop3A_276, %parallel_loop3A_277] {strides = array<i32>} : memref<512x32xf32, #tpu.memory_space<vmem>>, vector<16xf32>,
        tpu.vector_store_idx %arg10[%add3A_7, %parallel_loop3A_272], %parallel_loop3A_278 : memref<32x513xf32, #tpu.memory_space<vmem>>[vector<16xi32>, vector<16xi32>], vector<16xf32>,
        %parallel_loop3A_279 = arith.constant 6 : i32
        %parallel_loop3A_280 = arith.addi %parallel_loop3A_224, %parallel_loop3A_279 : i32
        %parallel_loop3A_281 = vector.broadcast %parallel_loop3A_280 : i32 to vector<16xi32>
        %parallel_loop3A_282 = arith.index_cast %parallel_loop3A_280 : i32 to index
        %parallel_loop3A_283 = arith.constant 0 : index
        %parallel_loop3A_284 = tpu.vector_load %arg8[%parallel_loop3A_282, %parallel_loop3A_283] {strides = array<i32>} : memref<512x32xf32, #tpu.memory_space<vmem>>, vector<16xf32>,
        tpu.vector_store_idx %arg10[%iota3A, %parallel_loop3A_281], %parallel_loop3A_284 : memref<32x513xf32, #tpu.memory_space<vmem>>[vector<16xi32>, vector<16xi32>], vector<16xf32>,
        %parallel_loop3A_285 = arith.index_cast %parallel_loop3A_280 : i32 to index
        %parallel_loop3A_286 = arith.constant 16 : index
        %parallel_loop3A_287 = tpu.vector_load %arg8[%parallel_loop3A_285, %parallel_loop3A_286] {strides = array<i32>} : memref<512x32xf32, #tpu.memory_space<vmem>>, vector<16xf32>,
        tpu.vector_store_idx %arg10[%add3A_7, %parallel_loop3A_281], %parallel_loop3A_287 : memref<32x513xf32, #tpu.memory_space<vmem>>[vector<16xi32>, vector<16xi32>], vector<16xf32>,
        %parallel_loop3A_288 = arith.constant 7 : i32
        %parallel_loop3A_289 = arith.addi %parallel_loop3A_224, %parallel_loop3A_288 : i32
        %parallel_loop3A_290 = vector.broadcast %parallel_loop3A_289 : i32 to vector<16xi32>
        %parallel_loop3A_291 = arith.index_cast %parallel_loop3A_289 : i32 to index
        %parallel_loop3A_292 = arith.constant 0 : index
        %parallel_loop3A_293 = tpu.vector_load %arg8[%parallel_loop3A_291, %parallel_loop3A_292] {strides = array<i32>} : memref<512x32xf32, #tpu.memory_space<vmem>>, vector<16xf32>,
        tpu.vector_store_idx %arg10[%iota3A, %parallel_loop3A_290], %parallel_loop3A_293 : memref<32x513xf32, #tpu.memory_space<vmem>>[vector<16xi32>, vector<16xi32>], vector<16xf32>,
        %parallel_loop3A_294 = arith.index_cast %parallel_loop3A_289 : i32 to index
        %parallel_loop3A_295 = arith.constant 16 : index
        %parallel_loop3A_296 = tpu.vector_load %arg8[%parallel_loop3A_294, %parallel_loop3A_295] {strides = array<i32>} : memref<512x32xf32, #tpu.memory_space<vmem>>, vector<16xf32>,
        tpu.vector_store_idx %arg10[%add3A_7, %parallel_loop3A_290], %parallel_loop3A_296 : memref<32x513xf32, #tpu.memory_space<vmem>>[vector<16xi32>, vector<16xi32>], vector<16xf32>,
      } {sc.loop_unroll_factor = 2 : i64, sc.parallel_access}
      %dma_start3A_167 = arith.constant 0 : i32
      %dma_start3A_168 = arith.constant 0 : i32
      %dma_start3A_169 = tpu.memref_slice %arg10[%dma_start3A_167, %dma_start3A_168] : memref<32x513xf32, #tpu.memory_space<vmem>> -> memref<32x512xf32, #tpu.memory_space<vmem>>
      %dma_start3A_170 = arith.constant 0 : i32
      %dma_start3A_171 = arith.constant 0 : i32
      %dma_start3A_172 = tpu.memref_slice %arg4[%mul3A_150, %dma_start3A_170, %dma_start3A_171] : memref<50x32x16384xf32, #tpu.memory_space<hbm>> -> memref<1x32x16384xf32, #tpu.memory_space<hbm>>
      %dma_start3A_173 = tpu.memref_squeeze %dma_start3A_172 : memref<1x32x16384xf32, #tpu.memory_space<hbm>> -> memref<32x16384xf32, #tpu.memory_space<hbm>>
      %dma_start3A_174 = arith.constant 0 : i32
      %dma_start3A_175 = tpu.memref_slice %dma_start3A_173[%dma_start3A_174, %mul3A_2] : memref<32x16384xf32, #tpu.memory_space<hbm>> -> memref<32x512xf32, #tpu.memory_space<hbm>>
      %dma_start3A_176 = arith.constant 0 : i32
      %dma_start3A_177 = arith.constant 0 : i32
      %dma_start3A_178 = tpu.memref_slice %arg4[%mul3A_150, %dma_start3A_176, %dma_start3A_177] : memref<50x32x16384xf32, #tpu.memory_space<hbm>> -> memref<1x32x16384xf32, #tpu.memory_space<hbm>>
      %dma_start3A_179 = tpu.memref_squeeze %dma_start3A_178 : memref<1x32x16384xf32, #tpu.memory_space<hbm>> -> memref<32x16384xf32, #tpu.memory_space<hbm>>
      %dma_start3A_180 = arith.constant 0 : i32
      %dma_start3A_181 = tpu.memref_slice %dma_start3A_179[%dma_start3A_180, %mul3A_2] : memref<32x16384xf32, #tpu.memory_space<hbm>> -> memref<32x512xf32, #tpu.memory_space<hbm>>
      %dma_start3A_182 = arith.constant 0 : i32
      %dma_start3A_183 = arith.constant 0 : i32
      %dma_start3A_184 = tpu.memref_slice %arg10[%dma_start3A_182, %dma_start3A_183] : memref<32x513xf32, #tpu.memory_space<vmem>> -> memref<32x512xf32, #tpu.memory_space<vmem>>
      tpu.enqueue_dma source(%dma_start3A_184 : memref<32x512xf32, #tpu.memory_space<vmem>>) target(%dma_start3A_181 : memref<32x512xf32, #tpu.memory_space<hbm>>) target_semaphore(%arg14 : memref<!tpu.dma_semaphore, #tpu.memory_space<semaphore_mem>>)
      %add3A_185 = arith.constant 2 : i32
      %add3A_186 = arith.addi %mul3A_150, %add3A_185 : i32
      %parallel_loop3A_187 = arith.constant 0 : i32
      %parallel_loop3A_188 = arith.constant 512 : i32
      %parallel_loop3A_189 = arith.constant 16 : i32
      scf.for %parallel_loop3A_224 = %parallel_loop3A_187 to %parallel_loop3A_188 step %parallel_loop3A_189  : i32 {
        %parallel_loop3A_225 = vector.broadcast %parallel_loop3A_224 : i32 to vector<16xi32>
        %parallel_loop3A_226 = arith.addi %iota3A, %parallel_loop3A_225 : vector<16xi32>
        %parallel_loop3A_227 = arith.constant 50 : i32
        %parallel_loop3A_228 = vector.broadcast %parallel_loop3A_227 : i32 to vector<16xi32>
        %parallel_loop3A_229 = arith.muli %parallel_loop3A_226, %parallel_loop3A_228 : vector<16xi32>
        %parallel_loop3A_230 = vector.broadcast %add3A_186 : i32 to vector<16xi32>
        %parallel_loop3A_231 = arith.addi %parallel_loop3A_229, %parallel_loop3A_230 : vector<16xi32>
        %parallel_loop3A_232 = tpu.vector_load_idx %arg5[%parallel_loop3A_231] : memref<25600xi32, #tpu.memory_space<vmem>>[vector<16xi32>], vector<16xi32>,
        tpu.vector_store_idx %arg6[%parallel_loop3A_226], %parallel_loop3A_232 : memref<512xi32, #tpu.memory_space<vmem>>[vector<16xi32>], vector<16xi32>,
      } {sc.loop_unroll_factor = 2 : i64, sc.parallel_access}
      %dma_start3A_190 = arith.constant 0 : i32
      %dma_start3A_191 = arith.constant 0 : i32
      %dma_start3A_192 = tpu.memref_slice %arg3[%dma_start3A_190, %dma_start3A_191] : memref<1000000x32xf32, #tpu.memory_space<hbm>> -> memref<1000000x32xf32, #tpu.memory_space<hbm>>
      tpu.enqueue_indirect_dma source(%dma_start3A_192 : memref<1000000x32xf32, #tpu.memory_space<hbm>>) target(%arg8 : memref<512x32xf32, #tpu.memory_space<vmem>>) offsets(%arg6 : memref<512xi32, #tpu.memory_space<vmem>>) semaphore(%arg12 : memref<!tpu.dma_semaphore, #tpu.memory_space<semaphore_mem>>)
      %dma_wait3A_193 = arith.constant 0 : i32
      %dma_wait3A_194 = arith.constant 0 : i32
      %dma_wait3A_195 = tpu.memref_slice %arg3[%dma_wait3A_193, %dma_wait3A_194] : memref<1000000x32xf32, #tpu.memory_space<hbm>> -> memref<1000000x32xf32, #tpu.memory_space<hbm>>
      tpu.wait_indirect_dma semaphore(%arg13 : memref<!tpu.dma_semaphore, #tpu.memory_space<semaphore_mem>>) src(%dma_wait3A_195 : memref<1000000x32xf32, #tpu.memory_space<hbm>>) dst(%arg9 : memref<512x32xf32, #tpu.memory_space<vmem>>)
      %gt3A_196 = arith.constant 0 : i32
      %gt3A_197 = arith.cmpi sgt, %scan3A_148, %gt3A_196 : i32
      %convert_element_type3A_198 = arith.extui %gt3A_197 : i1 to i32
      %cond3A_199 = arith.constant 0 : i32
      %cond3A_200 = arith.cmpi ne, %convert_element_type3A_198, %cond3A_199 : i32
      scf.if %cond3A_200 {
        %dma_wait3A_224 = arith.constant 0 : i32
        %dma_wait3A_225 = arith.constant 0 : i32
        %dma_wait3A_226 = arith.constant 0 : i32
        %dma_wait3A_227 = tpu.memref_slice %arg11[%dma_wait3A_225, %dma_wait3A_226] : memref<32x513xf32, #tpu.memory_space<vmem>> -> memref<32x512xf32, #tpu.memory_space<vmem>>
        %dma_wait3A_228 = arith.constant 0 : i32
        %dma_wait3A_229 = arith.constant 0 : i32
        %dma_wait3A_230 = tpu.memref_slice %arg4[%dma_wait3A_224, %dma_wait3A_228, %dma_wait3A_229] : memref<50x32x16384xf32, #tpu.memory_space<hbm>> -> memref<1x32x16384xf32, #tpu.memory_space<hbm>>
        %dma_wait3A_231 = tpu.memref_squeeze %dma_wait3A_230 : memref<1x32x16384xf32, #tpu.memory_space<hbm>> -> memref<32x16384xf32, #tpu.memory_space<hbm>>
        %dma_wait3A_232 = arith.constant 0 : i32
        %dma_wait3A_233 = tpu.memref_slice %dma_wait3A_231[%dma_wait3A_232, %mul3A_2] : memref<32x16384xf32, #tpu.memory_space<hbm>> -> memref<32x512xf32, #tpu.memory_space<hbm>>
        %dma_wait3A_234 = arith.constant 0 : i32
        %dma_wait3A_235 = arith.constant 0 : i32
        %dma_wait3A_236 = tpu.memref_slice %arg4[%dma_wait3A_224, %dma_wait3A_234, %dma_wait3A_235] : memref<50x32x16384xf32, #tpu.memory_space<hbm>> -> memref<1x32x16384xf32, #tpu.memory_space<hbm>>
        %dma_wait3A_237 = tpu.memref_squeeze %dma_wait3A_236 : memref<1x32x16384xf32, #tpu.memory_space<hbm>> -> memref<32x16384xf32, #tpu.memory_space<hbm>>
        %dma_wait3A_238 = arith.constant 0 : i32
        %dma_wait3A_239 = tpu.memref_slice %dma_wait3A_237[%dma_wait3A_238, %mul3A_2] : memref<32x16384xf32, #tpu.memory_space<hbm>> -> memref<32x512xf32, #tpu.memory_space<hbm>>
        %dma_wait3A_240 = arith.constant 0 : i32
        %dma_wait3A_241 = arith.constant 0 : i32
        %dma_wait3A_242 = tpu.memref_slice %arg11[%dma_wait3A_240, %dma_wait3A_241] : memref<32x513xf32, #tpu.memory_space<vmem>> -> memref<32x512xf32, #tpu.memory_space<vmem>>
        tpu.wait_dma2 semaphore(%arg15 : memref<!tpu.dma_semaphore, #tpu.memory_space<semaphore_mem>>) src(%dma_wait3A_242 : memref<32x512xf32, #tpu.memory_space<vmem>>) dst(%dma_wait3A_239 : memref<32x512xf32, #tpu.memory_space<hbm>>)
      } else {
      }
      %parallel_loop3A_201 = arith.constant 0 : i32
      %parallel_loop3A_202 = arith.constant 512 : i32
      %parallel_loop3A_203 = arith.constant 8 : i32
      scf.for %parallel_loop3A_224 = %parallel_loop3A_201 to %parallel_loop3A_202 step %parallel_loop3A_203  : i32 {
        %parallel_loop3A_225 = arith.constant 0 : i32
        %parallel_loop3A_226 = arith.addi %parallel_loop3A_224, %parallel_loop3A_225 : i32
        %parallel_loop3A_227 = vector.broadcast %parallel_loop3A_226 : i32 to vector<16xi32>
        %parallel_loop3A_228 = arith.index_cast %parallel_loop3A_226 : i32 to index
        %parallel_loop3A_229 = arith.constant 0 : index
        %parallel_loop3A_230 = tpu.vector_load %arg9[%parallel_loop3A_228, %parallel_loop3A_229] {strides = array<i32>} : memref<512x32xf32, #tpu.memory_space<vmem>>, vector<16xf32>,
        tpu.vector_store_idx %arg11[%iota3A, %parallel_loop3A_227], %parallel_loop3A_230 : memref<32x513xf32, #tpu.memory_space<vmem>>[vector<16xi32>, vector<16xi32>], vector<16xf32>,
        %parallel_loop3A_231 = arith.index_cast %parallel_loop3A_226 : i32 to index
        %parallel_loop3A_232 = arith.constant 16 : index
        %parallel_loop3A_233 = tpu.vector_load %arg9[%parallel_loop3A_231, %parallel_loop3A_232] {strides = array<i32>} : memref<512x32xf32, #tpu.memory_space<vmem>>, vector<16xf32>,
        tpu.vector_store_idx %arg11[%add3A_7, %parallel_loop3A_227], %parallel_loop3A_233 : memref<32x513xf32, #tpu.memory_space<vmem>>[vector<16xi32>, vector<16xi32>], vector<16xf32>,
        %parallel_loop3A_234 = arith.constant 1 : i32
        %parallel_loop3A_235 = arith.addi %parallel_loop3A_224, %parallel_loop3A_234 : i32
        %parallel_loop3A_236 = vector.broadcast %parallel_loop3A_235 : i32 to vector<16xi32>
        %parallel_loop3A_237 = arith.index_cast %parallel_loop3A_235 : i32 to index
        %parallel_loop3A_238 = arith.constant 0 : index
        %parallel_loop3A_239 = tpu.vector_load %arg9[%parallel_loop3A_237, %parallel_loop3A_238] {strides = array<i32>} : memref<512x32xf32, #tpu.memory_space<vmem>>, vector<16xf32>,
        tpu.vector_store_idx %arg11[%iota3A, %parallel_loop3A_236], %parallel_loop3A_239 : memref<32x513xf32, #tpu.memory_space<vmem>>[vector<16xi32>, vector<16xi32>], vector<16xf32>,
        %parallel_loop3A_240 = arith.index_cast %parallel_loop3A_235 : i32 to index
        %parallel_loop3A_241 = arith.constant 16 : index
        %parallel_loop3A_242 = tpu.vector_load %arg9[%parallel_loop3A_240, %parallel_loop3A_241] {strides = array<i32>} : memref<512x32xf32, #tpu.memory_space<vmem>>, vector<16xf32>,
        tpu.vector_store_idx %arg11[%add3A_7, %parallel_loop3A_236], %parallel_loop3A_242 : memref<32x513xf32, #tpu.memory_space<vmem>>[vector<16xi32>, vector<16xi32>], vector<16xf32>,
        %parallel_loop3A_243 = arith.constant 2 : i32
        %parallel_loop3A_244 = arith.addi %parallel_loop3A_224, %parallel_loop3A_243 : i32
        %parallel_loop3A_245 = vector.broadcast %parallel_loop3A_244 : i32 to vector<16xi32>
        %parallel_loop3A_246 = arith.index_cast %parallel_loop3A_244 : i32 to index
        %parallel_loop3A_247 = arith.constant 0 : index
        %parallel_loop3A_248 = tpu.vector_load %arg9[%parallel_loop3A_246, %parallel_loop3A_247] {strides = array<i32>} : memref<512x32xf32, #tpu.memory_space<vmem>>, vector<16xf32>,
        tpu.vector_store_idx %arg11[%iota3A, %parallel_loop3A_245], %parallel_loop3A_248 : memref<32x513xf32, #tpu.memory_space<vmem>>[vector<16xi32>, vector<16xi32>], vector<16xf32>,
        %parallel_loop3A_249 = arith.index_cast %parallel_loop3A_244 : i32 to index
        %parallel_loop3A_250 = arith.constant 16 : index
        %parallel_loop3A_251 = tpu.vector_load %arg9[%parallel_loop3A_249, %parallel_loop3A_250] {strides = array<i32>} : memref<512x32xf32, #tpu.memory_space<vmem>>, vector<16xf32>,
        tpu.vector_store_idx %arg11[%add3A_7, %parallel_loop3A_245], %parallel_loop3A_251 : memref<32x513xf32, #tpu.memory_space<vmem>>[vector<16xi32>, vector<16xi32>], vector<16xf32>,
        %parallel_loop3A_252 = arith.constant 3 : i32
        %parallel_loop3A_253 = arith.addi %parallel_loop3A_224, %parallel_loop3A_252 : i32
        %parallel_loop3A_254 = vector.broadcast %parallel_loop3A_253 : i32 to vector<16xi32>
        %parallel_loop3A_255 = arith.index_cast %parallel_loop3A_253 : i32 to index
        %parallel_loop3A_256 = arith.constant 0 : index
        %parallel_loop3A_257 = tpu.vector_load %arg9[%parallel_loop3A_255, %parallel_loop3A_256] {strides = array<i32>} : memref<512x32xf32, #tpu.memory_space<vmem>>, vector<16xf32>,
        tpu.vector_store_idx %arg11[%iota3A, %parallel_loop3A_254], %parallel_loop3A_257 : memref<32x513xf32, #tpu.memory_space<vmem>>[vector<16xi32>, vector<16xi32>], vector<16xf32>,
        %parallel_loop3A_258 = arith.index_cast %parallel_loop3A_253 : i32 to index
        %parallel_loop3A_259 = arith.constant 16 : index
        %parallel_loop3A_260 = tpu.vector_load %arg9[%parallel_loop3A_258, %parallel_loop3A_259] {strides = array<i32>} : memref<512x32xf32, #tpu.memory_space<vmem>>, vector<16xf32>,
        tpu.vector_store_idx %arg11[%add3A_7, %parallel_loop3A_254], %parallel_loop3A_260 : memref<32x513xf32, #tpu.memory_space<vmem>>[vector<16xi32>, vector<16xi32>], vector<16xf32>,
        %parallel_loop3A_261 = arith.constant 4 : i32
        %parallel_loop3A_262 = arith.addi %parallel_loop3A_224, %parallel_loop3A_261 : i32
        %parallel_loop3A_263 = vector.broadcast %parallel_loop3A_262 : i32 to vector<16xi32>
        %parallel_loop3A_264 = arith.index_cast %parallel_loop3A_262 : i32 to index
        %parallel_loop3A_265 = arith.constant 0 : index
        %parallel_loop3A_266 = tpu.vector_load %arg9[%parallel_loop3A_264, %parallel_loop3A_265] {strides = array<i32>} : memref<512x32xf32, #tpu.memory_space<vmem>>, vector<16xf32>,
        tpu.vector_store_idx %arg11[%iota3A, %parallel_loop3A_263], %parallel_loop3A_266 : memref<32x513xf32, #tpu.memory_space<vmem>>[vector<16xi32>, vector<16xi32>], vector<16xf32>,
        %parallel_loop3A_267 = arith.index_cast %parallel_loop3A_262 : i32 to index
        %parallel_loop3A_268 = arith.constant 16 : index
        %parallel_loop3A_269 = tpu.vector_load %arg9[%parallel_loop3A_267, %parallel_loop3A_268] {strides = array<i32>} : memref<512x32xf32, #tpu.memory_space<vmem>>, vector<16xf32>,
        tpu.vector_store_idx %arg11[%add3A_7, %parallel_loop3A_263], %parallel_loop3A_269 : memref<32x513xf32, #tpu.memory_space<vmem>>[vector<16xi32>, vector<16xi32>], vector<16xf32>,
        %parallel_loop3A_270 = arith.constant 5 : i32
        %parallel_loop3A_271 = arith.addi %parallel_loop3A_224, %parallel_loop3A_270 : i32
        %parallel_loop3A_272 = vector.broadcast %parallel_loop3A_271 : i32 to vector<16xi32>
        %parallel_loop3A_273 = arith.index_cast %parallel_loop3A_271 : i32 to index
        %parallel_loop3A_274 = arith.constant 0 : index
        %parallel_loop3A_275 = tpu.vector_load %arg9[%parallel_loop3A_273, %parallel_loop3A_274] {strides = array<i32>} : memref<512x32xf32, #tpu.memory_space<vmem>>, vector<16xf32>,
        tpu.vector_store_idx %arg11[%iota3A, %parallel_loop3A_272], %parallel_loop3A_275 : memref<32x513xf32, #tpu.memory_space<vmem>>[vector<16xi32>, vector<16xi32>], vector<16xf32>,
        %parallel_loop3A_276 = arith.index_cast %parallel_loop3A_271 : i32 to index
        %parallel_loop3A_277 = arith.constant 16 : index
        %parallel_loop3A_278 = tpu.vector_load %arg9[%parallel_loop3A_276, %parallel_loop3A_277] {strides = array<i32>} : memref<512x32xf32, #tpu.memory_space<vmem>>, vector<16xf32>,
        tpu.vector_store_idx %arg11[%add3A_7, %parallel_loop3A_272], %parallel_loop3A_278 : memref<32x513xf32, #tpu.memory_space<vmem>>[vector<16xi32>, vector<16xi32>], vector<16xf32>,
        %parallel_loop3A_279 = arith.constant 6 : i32
        %parallel_loop3A_280 = arith.addi %parallel_loop3A_224, %parallel_loop3A_279 : i32
        %parallel_loop3A_281 = vector.broadcast %parallel_loop3A_280 : i32 to vector<16xi32>
        %parallel_loop3A_282 = arith.index_cast %parallel_loop3A_280 : i32 to index
        %parallel_loop3A_283 = arith.constant 0 : index
        %parallel_loop3A_284 = tpu.vector_load %arg9[%parallel_loop3A_282, %parallel_loop3A_283] {strides = array<i32>} : memref<512x32xf32, #tpu.memory_space<vmem>>, vector<16xf32>,
        tpu.vector_store_idx %arg11[%iota3A, %parallel_loop3A_281], %parallel_loop3A_284 : memref<32x513xf32, #tpu.memory_space<vmem>>[vector<16xi32>, vector<16xi32>], vector<16xf32>,
        %parallel_loop3A_285 = arith.index_cast %parallel_loop3A_280 : i32 to index
        %parallel_loop3A_286 = arith.constant 16 : index
        %parallel_loop3A_287 = tpu.vector_load %arg9[%parallel_loop3A_285, %parallel_loop3A_286] {strides = array<i32>} : memref<512x32xf32, #tpu.memory_space<vmem>>, vector<16xf32>,
        tpu.vector_store_idx %arg11[%add3A_7, %parallel_loop3A_281], %parallel_loop3A_287 : memref<32x513xf32, #tpu.memory_space<vmem>>[vector<16xi32>, vector<16xi32>], vector<16xf32>,
        %parallel_loop3A_288 = arith.constant 7 : i32
        %parallel_loop3A_289 = arith.addi %parallel_loop3A_224, %parallel_loop3A_288 : i32
        %parallel_loop3A_290 = vector.broadcast %parallel_loop3A_289 : i32 to vector<16xi32>
        %parallel_loop3A_291 = arith.index_cast %parallel_loop3A_289 : i32 to index
        %parallel_loop3A_292 = arith.constant 0 : index
        %parallel_loop3A_293 = tpu.vector_load %arg9[%parallel_loop3A_291, %parallel_loop3A_292] {strides = array<i32>} : memref<512x32xf32, #tpu.memory_space<vmem>>, vector<16xf32>,
        tpu.vector_store_idx %arg11[%iota3A, %parallel_loop3A_290], %parallel_loop3A_293 : memref<32x513xf32, #tpu.memory_space<vmem>>[vector<16xi32>, vector<16xi32>], vector<16xf32>,
        %parallel_loop3A_294 = arith.index_cast %parallel_loop3A_289 : i32 to index
        %parallel_loop3A_295 = arith.constant 16 : index
        %parallel_loop3A_296 = tpu.vector_load %arg9[%parallel_loop3A_294, %parallel_loop3A_295] {strides = array<i32>} : memref<512x32xf32, #tpu.memory_space<vmem>>, vector<16xf32>,
        tpu.vector_store_idx %arg11[%add3A_7, %parallel_loop3A_290], %parallel_loop3A_296 : memref<32x513xf32, #tpu.memory_space<vmem>>[vector<16xi32>, vector<16xi32>], vector<16xf32>,
      } {sc.loop_unroll_factor = 2 : i64, sc.parallel_access}
      %add3A_204 = arith.constant 1 : i32
      %add3A_205 = arith.addi %mul3A_150, %add3A_204 : i32
      %dma_start3A_206 = arith.constant 0 : i32
      %dma_start3A_207 = arith.constant 0 : i32
      %dma_start3A_208 = tpu.memref_slice %arg11[%dma_start3A_206, %dma_start3A_207] : memref<32x513xf32, #tpu.memory_space<vmem>> -> memref<32x512xf32, #tpu.memory_space<vmem>>
      %dma_start3A_209 = arith.constant 0 : i32
      %dma_start3A_210 = arith.constant 0 : i32
      %dma_start3A_211 = tpu.memref_slice %arg4[%add3A_205, %dma_start3A_209, %dma_start3A_210] : memref<50x32x16384xf32, #tpu.memory_space<hbm>> -> memref<1x32x16384xf32, #tpu.memory_space<hbm>>
      %dma_start3A_212 = tpu.memref_squeeze %dma_start3A_211 : memref<1x32x16384xf32, #tpu.memory_space<hbm>> -> memref<32x16384xf32, #tpu.memory_space<hbm>>
      %dma_start3A_213 = arith.constant 0 : i32
      %dma_start3A_214 = tpu.memref_slice %dma_start3A_212[%dma_start3A_213, %mul3A_2] : memref<32x16384xf32, #tpu.memory_space<hbm>> -> memref<32x512xf32, #tpu.memory_space<hbm>>
      %dma_start3A_215 = arith.constant 0 : i32
      %dma_start3A_216 = arith.constant 0 : i32
      %dma_start3A_217 = tpu.memref_slice %arg4[%add3A_205, %dma_start3A_215, %dma_start3A_216] : memref<50x32x16384xf32, #tpu.memory_space<hbm>> -> memref<1x32x16384xf32, #tpu.memory_space<hbm>>
      %dma_start3A_218 = tpu.memref_squeeze %dma_start3A_217 : memref<1x32x16384xf32, #tpu.memory_space<hbm>> -> memref<32x16384xf32, #tpu.memory_space<hbm>>
      %dma_start3A_219 = arith.constant 0 : i32
      %dma_start3A_220 = tpu.memref_slice %dma_start3A_218[%dma_start3A_219, %mul3A_2] : memref<32x16384xf32, #tpu.memory_space<hbm>> -> memref<32x512xf32, #tpu.memory_space<hbm>>
      %dma_start3A_221 = arith.constant 0 : i32
      %dma_start3A_222 = arith.constant 0 : i32
      %dma_start3A_223 = tpu.memref_slice %arg11[%dma_start3A_221, %dma_start3A_222] : memref<32x513xf32, #tpu.memory_space<vmem>> -> memref<32x512xf32, #tpu.memory_space<vmem>>
      tpu.enqueue_dma source(%dma_start3A_223 : memref<32x512xf32, #tpu.memory_space<vmem>>) target(%dma_start3A_220 : memref<32x512xf32, #tpu.memory_space<hbm>>) target_semaphore(%arg15 : memref<!tpu.dma_semaphore, #tpu.memory_space<semaphore_mem>>)
    }
    %scan3A_16 = arith.constant 24 : i32
    %parallel_loop3A_17 = arith.constant 0 : i32
    %parallel_loop3A_18 = arith.constant 512 : i32
    %parallel_loop3A_19 = arith.constant 16 : i32
    scf.for %parallel_loop3A_148 = %parallel_loop3A_17 to %parallel_loop3A_18 step %parallel_loop3A_19  : i32 {
      %parallel_loop3A_149 = vector.broadcast %parallel_loop3A_148 : i32 to vector<16xi32>
      %parallel_loop3A_150 = arith.addi %iota3A, %parallel_loop3A_149 : vector<16xi32>
      %parallel_loop3A_151 = arith.constant 50 : i32
      %parallel_loop3A_152 = vector.broadcast %parallel_loop3A_151 : i32 to vector<16xi32>
      %parallel_loop3A_153 = arith.muli %parallel_loop3A_150, %parallel_loop3A_152 : vector<16xi32>
      %parallel_loop3A_154 = arith.constant 49 : i32
      %parallel_loop3A_155 = vector.broadcast %parallel_loop3A_154 : i32 to vector<16xi32>
      %parallel_loop3A_156 = arith.addi %parallel_loop3A_153, %parallel_loop3A_155 : vector<16xi32>
      %parallel_loop3A_157 = tpu.vector_load_idx %arg5[%parallel_loop3A_156] : memref<25600xi32, #tpu.memory_space<vmem>>[vector<16xi32>], vector<16xi32>,
      tpu.vector_store_idx %arg7[%parallel_loop3A_150], %parallel_loop3A_157 : memref<512xi32, #tpu.memory_space<vmem>>[vector<16xi32>], vector<16xi32>,
    } {sc.loop_unroll_factor = 2 : i64, sc.parallel_access}
    %dma_start3A_20 = arith.constant 0 : i32
    %dma_start3A_21 = arith.constant 0 : i32
    %dma_start3A_22 = tpu.memref_slice %arg3[%dma_start3A_20, %dma_start3A_21] : memref<1000000x32xf32, #tpu.memory_space<hbm>> -> memref<1000000x32xf32, #tpu.memory_space<hbm>>
    tpu.enqueue_indirect_dma source(%dma_start3A_22 : memref<1000000x32xf32, #tpu.memory_space<hbm>>) target(%arg9 : memref<512x32xf32, #tpu.memory_space<vmem>>) offsets(%arg7 : memref<512xi32, #tpu.memory_space<vmem>>) semaphore(%arg13 : memref<!tpu.dma_semaphore, #tpu.memory_space<semaphore_mem>>)
    %dma_wait3A = arith.constant 0 : i32
    %dma_wait3A_23 = arith.constant 0 : i32
    %dma_wait3A_24 = tpu.memref_slice %arg3[%dma_wait3A, %dma_wait3A_23] : memref<1000000x32xf32, #tpu.memory_space<hbm>> -> memref<1000000x32xf32, #tpu.memory_space<hbm>>
    tpu.wait_indirect_dma semaphore(%arg12 : memref<!tpu.dma_semaphore, #tpu.memory_space<semaphore_mem>>) src(%dma_wait3A_24 : memref<1000000x32xf32, #tpu.memory_space<hbm>>) dst(%arg8 : memref<512x32xf32, #tpu.memory_space<vmem>>)
    %dma_wait3A_25 = arith.constant 0 : i32
    %dma_wait3A_26 = arith.constant 0 : i32
    %dma_wait3A_27 = arith.constant 0 : i32
    %dma_wait3A_28 = tpu.memref_slice %arg10[%dma_wait3A_26, %dma_wait3A_27] : memref<32x513xf32, #tpu.memory_space<vmem>> -> memref<32x512xf32, #tpu.memory_space<vmem>>
    %dma_wait3A_29 = arith.constant 0 : i32
    %dma_wait3A_30 = arith.constant 0 : i32
    %dma_wait3A_31 = tpu.memref_slice %arg4[%dma_wait3A_25, %dma_wait3A_29, %dma_wait3A_30] : memref<50x32x16384xf32, #tpu.memory_space<hbm>> -> memref<1x32x16384xf32, #tpu.memory_space<hbm>>
    %dma_wait3A_32 = tpu.memref_squeeze %dma_wait3A_31 : memref<1x32x16384xf32, #tpu.memory_space<hbm>> -> memref<32x16384xf32, #tpu.memory_space<hbm>>
    %dma_wait3A_33 = arith.constant 0 : i32
    %dma_wait3A_34 = tpu.memref_slice %dma_wait3A_32[%dma_wait3A_33, %mul3A_2] : memref<32x16384xf32, #tpu.memory_space<hbm>> -> memref<32x512xf32, #tpu.memory_space<hbm>>
    %dma_wait3A_35 = arith.constant 0 : i32
    %dma_wait3A_36 = arith.constant 0 : i32
    %dma_wait3A_37 = tpu.memref_slice %arg4[%dma_wait3A_25, %dma_wait3A_35, %dma_wait3A_36] : memref<50x32x16384xf32, #tpu.memory_space<hbm>> -> memref<1x32x16384xf32, #tpu.memory_space<hbm>>
    %dma_wait3A_38 = tpu.memref_squeeze %dma_wait3A_37 : memref<1x32x16384xf32, #tpu.memory_space<hbm>> -> memref<32x16384xf32, #tpu.memory_space<hbm>>
    %dma_wait3A_39 = arith.constant 0 : i32
    %dma_wait3A_40 = tpu.memref_slice %dma_wait3A_38[%dma_wait3A_39, %mul3A_2] : memref<32x16384xf32, #tpu.memory_space<hbm>> -> memref<32x512xf32, #tpu.memory_space<hbm>>
    %dma_wait3A_41 = arith.constant 0 : i32
    %dma_wait3A_42 = arith.constant 0 : i32
    %dma_wait3A_43 = tpu.memref_slice %arg10[%dma_wait3A_41, %dma_wait3A_42] : memref<32x513xf32, #tpu.memory_space<vmem>> -> memref<32x512xf32, #tpu.memory_space<vmem>>
    tpu.wait_dma2 semaphore(%arg14 : memref<!tpu.dma_semaphore, #tpu.memory_space<semaphore_mem>>) src(%dma_wait3A_43 : memref<32x512xf32, #tpu.memory_space<vmem>>) dst(%dma_wait3A_40 : memref<32x512xf32, #tpu.memory_space<hbm>>)
    %parallel_loop3A_44 = arith.constant 0 : i32
    %parallel_loop3A_45 = arith.constant 512 : i32
    %parallel_loop3A_46 = arith.constant 8 : i32
    scf.for %parallel_loop3A_148 = %parallel_loop3A_44 to %parallel_loop3A_45 step %parallel_loop3A_46  : i32 {
      %parallel_loop3A_149 = arith.constant 0 : i32
      %parallel_loop3A_150 = arith.addi %parallel_loop3A_148, %parallel_loop3A_149 : i32
      %parallel_loop3A_151 = vector.broadcast %parallel_loop3A_150 : i32 to vector<16xi32>
      %parallel_loop3A_152 = arith.index_cast %parallel_loop3A_150 : i32 to index
      %parallel_loop3A_153 = arith.constant 0 : index
      %parallel_loop3A_154 = tpu.vector_load %arg8[%parallel_loop3A_152, %parallel_loop3A_153] {strides = array<i32>} : memref<512x32xf32, #tpu.memory_space<vmem>>, vector<16xf32>,
      tpu.vector_store_idx %arg10[%iota3A, %parallel_loop3A_151], %parallel_loop3A_154 : memref<32x513xf32, #tpu.memory_space<vmem>>[vector<16xi32>, vector<16xi32>], vector<16xf32>,
      %parallel_loop3A_155 = arith.index_cast %parallel_loop3A_150 : i32 to index
      %parallel_loop3A_156 = arith.constant 16 : index
      %parallel_loop3A_157 = tpu.vector_load %arg8[%parallel_loop3A_155, %parallel_loop3A_156] {strides = array<i32>} : memref<512x32xf32, #tpu.memory_space<vmem>>, vector<16xf32>,
      tpu.vector_store_idx %arg10[%add3A_7, %parallel_loop3A_151], %parallel_loop3A_157 : memref<32x513xf32, #tpu.memory_space<vmem>>[vector<16xi32>, vector<16xi32>], vector<16xf32>,
      %parallel_loop3A_158 = arith.constant 1 : i32
      %parallel_loop3A_159 = arith.addi %parallel_loop3A_148, %parallel_loop3A_158 : i32
      %parallel_loop3A_160 = vector.broadcast %parallel_loop3A_159 : i32 to vector<16xi32>
      %parallel_loop3A_161 = arith.index_cast %parallel_loop3A_159 : i32 to index
      %parallel_loop3A_162 = arith.constant 0 : index
      %parallel_loop3A_163 = tpu.vector_load %arg8[%parallel_loop3A_161, %parallel_loop3A_162] {strides = array<i32>} : memref<512x32xf32, #tpu.memory_space<vmem>>, vector<16xf32>,
      tpu.vector_store_idx %arg10[%iota3A, %parallel_loop3A_160], %parallel_loop3A_163 : memref<32x513xf32, #tpu.memory_space<vmem>>[vector<16xi32>, vector<16xi32>], vector<16xf32>,
      %parallel_loop3A_164 = arith.index_cast %parallel_loop3A_159 : i32 to index
      %parallel_loop3A_165 = arith.constant 16 : index
      %parallel_loop3A_166 = tpu.vector_load %arg8[%parallel_loop3A_164, %parallel_loop3A_165] {strides = array<i32>} : memref<512x32xf32, #tpu.memory_space<vmem>>, vector<16xf32>,
      tpu.vector_store_idx %arg10[%add3A_7, %parallel_loop3A_160], %parallel_loop3A_166 : memref<32x513xf32, #tpu.memory_space<vmem>>[vector<16xi32>, vector<16xi32>], vector<16xf32>,
      %parallel_loop3A_167 = arith.constant 2 : i32
      %parallel_loop3A_168 = arith.addi %parallel_loop3A_148, %parallel_loop3A_167 : i32
      %parallel_loop3A_169 = vector.broadcast %parallel_loop3A_168 : i32 to vector<16xi32>
      %parallel_loop3A_170 = arith.index_cast %parallel_loop3A_168 : i32 to index
      %parallel_loop3A_171 = arith.constant 0 : index
      %parallel_loop3A_172 = tpu.vector_load %arg8[%parallel_loop3A_170, %parallel_loop3A_171] {strides = array<i32>} : memref<512x32xf32, #tpu.memory_space<vmem>>, vector<16xf32>,
      tpu.vector_store_idx %arg10[%iota3A, %parallel_loop3A_169], %parallel_loop3A_172 : memref<32x513xf32, #tpu.memory_space<vmem>>[vector<16xi32>, vector<16xi32>], vector<16xf32>,
      %parallel_loop3A_173 = arith.index_cast %parallel_loop3A_168 : i32 to index
      %parallel_loop3A_174 = arith.constant 16 : index
      %parallel_loop3A_175 = tpu.vector_load %arg8[%parallel_loop3A_173, %parallel_loop3A_174] {strides = array<i32>} : memref<512x32xf32, #tpu.memory_space<vmem>>, vector<16xf32>,
      tpu.vector_store_idx %arg10[%add3A_7, %parallel_loop3A_169], %parallel_loop3A_175 : memref<32x513xf32, #tpu.memory_space<vmem>>[vector<16xi32>, vector<16xi32>], vector<16xf32>,
      %parallel_loop3A_176 = arith.constant 3 : i32
      %parallel_loop3A_177 = arith.addi %parallel_loop3A_148, %parallel_loop3A_176 : i32
      %parallel_loop3A_178 = vector.broadcast %parallel_loop3A_177 : i32 to vector<16xi32>
      %parallel_loop3A_179 = arith.index_cast %parallel_loop3A_177 : i32 to index
      %parallel_loop3A_180 = arith.constant 0 : index
      %parallel_loop3A_181 = tpu.vector_load %arg8[%parallel_loop3A_179, %parallel_loop3A_180] {strides = array<i32>} : memref<512x32xf32, #tpu.memory_space<vmem>>, vector<16xf32>,
      tpu.vector_store_idx %arg10[%iota3A, %parallel_loop3A_178], %parallel_loop3A_181 : memref<32x513xf32, #tpu.memory_space<vmem>>[vector<16xi32>, vector<16xi32>], vector<16xf32>,
      %parallel_loop3A_182 = arith.index_cast %parallel_loop3A_177 : i32 to index
      %parallel_loop3A_183 = arith.constant 16 : index
      %parallel_loop3A_184 = tpu.vector_load %arg8[%parallel_loop3A_182, %parallel_loop3A_183] {strides = array<i32>} : memref<512x32xf32, #tpu.memory_space<vmem>>, vector<16xf32>,
      tpu.vector_store_idx %arg10[%add3A_7, %parallel_loop3A_178], %parallel_loop3A_184 : memref<32x513xf32, #tpu.memory_space<vmem>>[vector<16xi32>, vector<16xi32>], vector<16xf32>,
      %parallel_loop3A_185 = arith.constant 4 : i32
      %parallel_loop3A_186 = arith.addi %parallel_loop3A_148, %parallel_loop3A_185 : i32
      %parallel_loop3A_187 = vector.broadcast %parallel_loop3A_186 : i32 to vector<16xi32>
      %parallel_loop3A_188 = arith.index_cast %parallel_loop3A_186 : i32 to index
      %parallel_loop3A_189 = arith.constant 0 : index
      %parallel_loop3A_190 = tpu.vector_load %arg8[%parallel_loop3A_188, %parallel_loop3A_189] {strides = array<i32>} : memref<512x32xf32, #tpu.memory_space<vmem>>, vector<16xf32>,
      tpu.vector_store_idx %arg10[%iota3A, %parallel_loop3A_187], %parallel_loop3A_190 : memref<32x513xf32, #tpu.memory_space<vmem>>[vector<16xi32>, vector<16xi32>], vector<16xf32>,
      %parallel_loop3A_191 = arith.index_cast %parallel_loop3A_186 : i32 to index
      %parallel_loop3A_192 = arith.constant 16 : index
      %parallel_loop3A_193 = tpu.vector_load %arg8[%parallel_loop3A_191, %parallel_loop3A_192] {strides = array<i32>} : memref<512x32xf32, #tpu.memory_space<vmem>>, vector<16xf32>,
      tpu.vector_store_idx %arg10[%add3A_7, %parallel_loop3A_187], %parallel_loop3A_193 : memref<32x513xf32, #tpu.memory_space<vmem>>[vector<16xi32>, vector<16xi32>], vector<16xf32>,
      %parallel_loop3A_194 = arith.constant 5 : i32
      %parallel_loop3A_195 = arith.addi %parallel_loop3A_148, %parallel_loop3A_194 : i32
      %parallel_loop3A_196 = vector.broadcast %parallel_loop3A_195 : i32 to vector<16xi32>
      %parallel_loop3A_197 = arith.index_cast %parallel_loop3A_195 : i32 to index
      %parallel_loop3A_198 = arith.constant 0 : index
      %parallel_loop3A_199 = tpu.vector_load %arg8[%parallel_loop3A_197, %parallel_loop3A_198] {strides = array<i32>} : memref<512x32xf32, #tpu.memory_space<vmem>>, vector<16xf32>,
      tpu.vector_store_idx %arg10[%iota3A, %parallel_loop3A_196], %parallel_loop3A_199 : memref<32x513xf32, #tpu.memory_space<vmem>>[vector<16xi32>, vector<16xi32>], vector<16xf32>,
      %parallel_loop3A_200 = arith.index_cast %parallel_loop3A_195 : i32 to index
      %parallel_loop3A_201 = arith.constant 16 : index
      %parallel_loop3A_202 = tpu.vector_load %arg8[%parallel_loop3A_200, %parallel_loop3A_201] {strides = array<i32>} : memref<512x32xf32, #tpu.memory_space<vmem>>, vector<16xf32>,
      tpu.vector_store_idx %arg10[%add3A_7, %parallel_loop3A_196], %parallel_loop3A_202 : memref<32x513xf32, #tpu.memory_space<vmem>>[vector<16xi32>, vector<16xi32>], vector<16xf32>,
      %parallel_loop3A_203 = arith.constant 6 : i32
      %parallel_loop3A_204 = arith.addi %parallel_loop3A_148, %parallel_loop3A_203 : i32
      %parallel_loop3A_205 = vector.broadcast %parallel_loop3A_204 : i32 to vector<16xi32>
      %parallel_loop3A_206 = arith.index_cast %parallel_loop3A_204 : i32 to index
      %parallel_loop3A_207 = arith.constant 0 : index
      %parallel_loop3A_208 = tpu.vector_load %arg8[%parallel_loop3A_206, %parallel_loop3A_207] {strides = array<i32>} : memref<512x32xf32, #tpu.memory_space<vmem>>, vector<16xf32>,
      tpu.vector_store_idx %arg10[%iota3A, %parallel_loop3A_205], %parallel_loop3A_208 : memref<32x513xf32, #tpu.memory_space<vmem>>[vector<16xi32>, vector<16xi32>], vector<16xf32>,
      %parallel_loop3A_209 = arith.index_cast %parallel_loop3A_204 : i32 to index
      %parallel_loop3A_210 = arith.constant 16 : index
      %parallel_loop3A_211 = tpu.vector_load %arg8[%parallel_loop3A_209, %parallel_loop3A_210] {strides = array<i32>} : memref<512x32xf32, #tpu.memory_space<vmem>>, vector<16xf32>,
      tpu.vector_store_idx %arg10[%add3A_7, %parallel_loop3A_205], %parallel_loop3A_211 : memref<32x513xf32, #tpu.memory_space<vmem>>[vector<16xi32>, vector<16xi32>], vector<16xf32>,
      %parallel_loop3A_212 = arith.constant 7 : i32
      %parallel_loop3A_213 = arith.addi %parallel_loop3A_148, %parallel_loop3A_212 : i32
      %parallel_loop3A_214 = vector.broadcast %parallel_loop3A_213 : i32 to vector<16xi32>
      %parallel_loop3A_215 = arith.index_cast %parallel_loop3A_213 : i32 to index
      %parallel_loop3A_216 = arith.constant 0 : index
      %parallel_loop3A_217 = tpu.vector_load %arg8[%parallel_loop3A_215, %parallel_loop3A_216] {strides = array<i32>} : memref<512x32xf32, #tpu.memory_space<vmem>>, vector<16xf32>,
      tpu.vector_store_idx %arg10[%iota3A, %parallel_loop3A_214], %parallel_loop3A_217 : memref<32x513xf32, #tpu.memory_space<vmem>>[vector<16xi32>, vector<16xi32>], vector<16xf32>,
      %parallel_loop3A_218 = arith.index_cast %parallel_loop3A_213 : i32 to index
      %parallel_loop3A_219 = arith.constant 16 : index
      %parallel_loop3A_220 = tpu.vector_load %arg8[%parallel_loop3A_218, %parallel_loop3A_219] {strides = array<i32>} : memref<512x32xf32, #tpu.memory_space<vmem>>, vector<16xf32>,
      tpu.vector_store_idx %arg10[%add3A_7, %parallel_loop3A_214], %parallel_loop3A_220 : memref<32x513xf32, #tpu.memory_space<vmem>>[vector<16xi32>, vector<16xi32>], vector<16xf32>,
    } {sc.loop_unroll_factor = 2 : i64, sc.parallel_access}
    %dma_start3A_47 = arith.constant 48 : i32
    %dma_start3A_48 = arith.constant 0 : i32
    %dma_start3A_49 = arith.constant 0 : i32
    %dma_start3A_50 = tpu.memref_slice %arg10[%dma_start3A_48, %dma_start3A_49] : memref<32x513xf32, #tpu.memory_space<vmem>> -> memref<32x512xf32, #tpu.memory_space<vmem>>
    %dma_start3A_51 = arith.constant 0 : i32
    %dma_start3A_52 = arith.constant 0 : i32
    %dma_start3A_53 = tpu.memref_slice %arg4[%dma_start3A_47, %dma_start3A_51, %dma_start3A_52] : memref<50x32x16384xf32, #tpu.memory_space<hbm>> -> memref<1x32x16384xf32, #tpu.memory_space<hbm>>
    %dma_start3A_54 = tpu.memref_squeeze %dma_start3A_53 : memref<1x32x16384xf32, #tpu.memory_space<hbm>> -> memref<32x16384xf32, #tpu.memory_space<hbm>>
    %dma_start3A_55 = arith.constant 0 : i32
    %dma_start3A_56 = tpu.memref_slice %dma_start3A_54[%dma_start3A_55, %mul3A_2] : memref<32x16384xf32, #tpu.memory_space<hbm>> -> memref<32x512xf32, #tpu.memory_space<hbm>>
    %dma_start3A_57 = arith.constant 0 : i32
    %dma_start3A_58 = arith.constant 0 : i32
    %dma_start3A_59 = tpu.memref_slice %arg4[%dma_start3A_47, %dma_start3A_57, %dma_start3A_58] : memref<50x32x16384xf32, #tpu.memory_space<hbm>> -> memref<1x32x16384xf32, #tpu.memory_space<hbm>>
    %dma_start3A_60 = tpu.memref_squeeze %dma_start3A_59 : memref<1x32x16384xf32, #tpu.memory_space<hbm>> -> memref<32x16384xf32, #tpu.memory_space<hbm>>
    %dma_start3A_61 = arith.constant 0 : i32
    %dma_start3A_62 = tpu.memref_slice %dma_start3A_60[%dma_start3A_61, %mul3A_2] : memref<32x16384xf32, #tpu.memory_space<hbm>> -> memref<32x512xf32, #tpu.memory_space<hbm>>
    %dma_start3A_63 = arith.constant 0 : i32
    %dma_start3A_64 = arith.constant 0 : i32
    %dma_start3A_65 = tpu.memref_slice %arg10[%dma_start3A_63, %dma_start3A_64] : memref<32x513xf32, #tpu.memory_space<vmem>> -> memref<32x512xf32, #tpu.memory_space<vmem>>
    tpu.enqueue_dma source(%dma_start3A_65 : memref<32x512xf32, #tpu.memory_space<vmem>>) target(%dma_start3A_62 : memref<32x512xf32, #tpu.memory_space<hbm>>) target_semaphore(%arg14 : memref<!tpu.dma_semaphore, #tpu.memory_space<semaphore_mem>>)
    %dma_wait3A_66 = arith.constant 0 : i32
    %dma_wait3A_67 = arith.constant 0 : i32
    %dma_wait3A_68 = tpu.memref_slice %arg3[%dma_wait3A_66, %dma_wait3A_67] : memref<1000000x32xf32, #tpu.memory_space<hbm>> -> memref<1000000x32xf32, #tpu.memory_space<hbm>>
    tpu.wait_indirect_dma semaphore(%arg13 : memref<!tpu.dma_semaphore, #tpu.memory_space<semaphore_mem>>) src(%dma_wait3A_68 : memref<1000000x32xf32, #tpu.memory_space<hbm>>) dst(%arg9 : memref<512x32xf32, #tpu.memory_space<vmem>>)
    %dma_wait3A_69 = arith.constant 0 : i32
    %dma_wait3A_70 = arith.constant 0 : i32
    %dma_wait3A_71 = arith.constant 0 : i32
    %dma_wait3A_72 = tpu.memref_slice %arg11[%dma_wait3A_70, %dma_wait3A_71] : memref<32x513xf32, #tpu.memory_space<vmem>> -> memref<32x512xf32, #tpu.memory_space<vmem>>
    %dma_wait3A_73 = arith.constant 0 : i32
    %dma_wait3A_74 = arith.constant 0 : i32
    %dma_wait3A_75 = tpu.memref_slice %arg4[%dma_wait3A_69, %dma_wait3A_73, %dma_wait3A_74] : memref<50x32x16384xf32, #tpu.memory_space<hbm>> -> memref<1x32x16384xf32, #tpu.memory_space<hbm>>
    %dma_wait3A_76 = tpu.memref_squeeze %dma_wait3A_75 : memref<1x32x16384xf32, #tpu.memory_space<hbm>> -> memref<32x16384xf32, #tpu.memory_space<hbm>>
    %dma_wait3A_77 = arith.constant 0 : i32
    %dma_wait3A_78 = tpu.memref_slice %dma_wait3A_76[%dma_wait3A_77, %mul3A_2] : memref<32x16384xf32, #tpu.memory_space<hbm>> -> memref<32x512xf32, #tpu.memory_space<hbm>>
    %dma_wait3A_79 = arith.constant 0 : i32
    %dma_wait3A_80 = arith.constant 0 : i32
    %dma_wait3A_81 = tpu.memref_slice %arg4[%dma_wait3A_69, %dma_wait3A_79, %dma_wait3A_80] : memref<50x32x16384xf32, #tpu.memory_space<hbm>> -> memref<1x32x16384xf32, #tpu.memory_space<hbm>>
    %dma_wait3A_82 = tpu.memref_squeeze %dma_wait3A_81 : memref<1x32x16384xf32, #tpu.memory_space<hbm>> -> memref<32x16384xf32, #tpu.memory_space<hbm>>
    %dma_wait3A_83 = arith.constant 0 : i32
    %dma_wait3A_84 = tpu.memref_slice %dma_wait3A_82[%dma_wait3A_83, %mul3A_2] : memref<32x16384xf32, #tpu.memory_space<hbm>> -> memref<32x512xf32, #tpu.memory_space<hbm>>
    %dma_wait3A_85 = arith.constant 0 : i32
    %dma_wait3A_86 = arith.constant 0 : i32
    %dma_wait3A_87 = tpu.memref_slice %arg11[%dma_wait3A_85, %dma_wait3A_86] : memref<32x513xf32, #tpu.memory_space<vmem>> -> memref<32x512xf32, #tpu.memory_space<vmem>>
    tpu.wait_dma2 semaphore(%arg15 : memref<!tpu.dma_semaphore, #tpu.memory_space<semaphore_mem>>) src(%dma_wait3A_87 : memref<32x512xf32, #tpu.memory_space<vmem>>) dst(%dma_wait3A_84 : memref<32x512xf32, #tpu.memory_space<hbm>>)
    %parallel_loop3A_88 = arith.constant 0 : i32
    %parallel_loop3A_89 = arith.constant 512 : i32
    %parallel_loop3A_90 = arith.constant 8 : i32
    scf.for %parallel_loop3A_148 = %parallel_loop3A_88 to %parallel_loop3A_89 step %parallel_loop3A_90  : i32 {
      %parallel_loop3A_149 = arith.constant 0 : i32
      %parallel_loop3A_150 = arith.addi %parallel_loop3A_148, %parallel_loop3A_149 : i32
      %parallel_loop3A_151 = vector.broadcast %parallel_loop3A_150 : i32 to vector<16xi32>
      %parallel_loop3A_152 = arith.index_cast %parallel_loop3A_150 : i32 to index
      %parallel_loop3A_153 = arith.constant 0 : index
      %parallel_loop3A_154 = tpu.vector_load %arg9[%parallel_loop3A_152, %parallel_loop3A_153] {strides = array<i32>} : memref<512x32xf32, #tpu.memory_space<vmem>>, vector<16xf32>,
      tpu.vector_store_idx %arg11[%iota3A, %parallel_loop3A_151], %parallel_loop3A_154 : memref<32x513xf32, #tpu.memory_space<vmem>>[vector<16xi32>, vector<16xi32>], vector<16xf32>,
      %parallel_loop3A_155 = arith.index_cast %parallel_loop3A_150 : i32 to index
      %parallel_loop3A_156 = arith.constant 16 : index
      %parallel_loop3A_157 = tpu.vector_load %arg9[%parallel_loop3A_155, %parallel_loop3A_156] {strides = array<i32>} : memref<512x32xf32, #tpu.memory_space<vmem>>, vector<16xf32>,
      tpu.vector_store_idx %arg11[%add3A_7, %parallel_loop3A_151], %parallel_loop3A_157 : memref<32x513xf32, #tpu.memory_space<vmem>>[vector<16xi32>, vector<16xi32>], vector<16xf32>,
      %parallel_loop3A_158 = arith.constant 1 : i32
      %parallel_loop3A_159 = arith.addi %parallel_loop3A_148, %parallel_loop3A_158 : i32
      %parallel_loop3A_160 = vector.broadcast %parallel_loop3A_159 : i32 to vector<16xi32>
      %parallel_loop3A_161 = arith.index_cast %parallel_loop3A_159 : i32 to index
      %parallel_loop3A_162 = arith.constant 0 : index
      %parallel_loop3A_163 = tpu.vector_load %arg9[%parallel_loop3A_161, %parallel_loop3A_162] {strides = array<i32>} : memref<512x32xf32, #tpu.memory_space<vmem>>, vector<16xf32>,
      tpu.vector_store_idx %arg11[%iota3A, %parallel_loop3A_160], %parallel_loop3A_163 : memref<32x513xf32, #tpu.memory_space<vmem>>[vector<16xi32>, vector<16xi32>], vector<16xf32>,
      %parallel_loop3A_164 = arith.index_cast %parallel_loop3A_159 : i32 to index
      %parallel_loop3A_165 = arith.constant 16 : index
      %parallel_loop3A_166 = tpu.vector_load %arg9[%parallel_loop3A_164, %parallel_loop3A_165] {strides = array<i32>} : memref<512x32xf32, #tpu.memory_space<vmem>>, vector<16xf32>,
      tpu.vector_store_idx %arg11[%add3A_7, %parallel_loop3A_160], %parallel_loop3A_166 : memref<32x513xf32, #tpu.memory_space<vmem>>[vector<16xi32>, vector<16xi32>], vector<16xf32>,
      %parallel_loop3A_167 = arith.constant 2 : i32
      %parallel_loop3A_168 = arith.addi %parallel_loop3A_148, %parallel_loop3A_167 : i32
      %parallel_loop3A_169 = vector.broadcast %parallel_loop3A_168 : i32 to vector<16xi32>
      %parallel_loop3A_170 = arith.index_cast %parallel_loop3A_168 : i32 to index
      %parallel_loop3A_171 = arith.constant 0 : index
      %parallel_loop3A_172 = tpu.vector_load %arg9[%parallel_loop3A_170, %parallel_loop3A_171] {strides = array<i32>} : memref<512x32xf32, #tpu.memory_space<vmem>>, vector<16xf32>,
      tpu.vector_store_idx %arg11[%iota3A, %parallel_loop3A_169], %parallel_loop3A_172 : memref<32x513xf32, #tpu.memory_space<vmem>>[vector<16xi32>, vector<16xi32>], vector<16xf32>,
      %parallel_loop3A_173 = arith.index_cast %parallel_loop3A_168 : i32 to index
      %parallel_loop3A_174 = arith.constant 16 : index
      %parallel_loop3A_175 = tpu.vector_load %arg9[%parallel_loop3A_173, %parallel_loop3A_174] {strides = array<i32>} : memref<512x32xf32, #tpu.memory_space<vmem>>, vector<16xf32>,
      tpu.vector_store_idx %arg11[%add3A_7, %parallel_loop3A_169], %parallel_loop3A_175 : memref<32x513xf32, #tpu.memory_space<vmem>>[vector<16xi32>, vector<16xi32>], vector<16xf32>,
      %parallel_loop3A_176 = arith.constant 3 : i32
      %parallel_loop3A_177 = arith.addi %parallel_loop3A_148, %parallel_loop3A_176 : i32
      %parallel_loop3A_178 = vector.broadcast %parallel_loop3A_177 : i32 to vector<16xi32>
      %parallel_loop3A_179 = arith.index_cast %parallel_loop3A_177 : i32 to index
      %parallel_loop3A_180 = arith.constant 0 : index
      %parallel_loop3A_181 = tpu.vector_load %arg9[%parallel_loop3A_179, %parallel_loop3A_180] {strides = array<i32>} : memref<512x32xf32, #tpu.memory_space<vmem>>, vector<16xf32>,
      tpu.vector_store_idx %arg11[%iota3A, %parallel_loop3A_178], %parallel_loop3A_181 : memref<32x513xf32, #tpu.memory_space<vmem>>[vector<16xi32>, vector<16xi32>], vector<16xf32>,
      %parallel_loop3A_182 = arith.index_cast %parallel_loop3A_177 : i32 to index
      %parallel_loop3A_183 = arith.constant 16 : index
      %parallel_loop3A_184 = tpu.vector_load %arg9[%parallel_loop3A_182, %parallel_loop3A_183] {strides = array<i32>} : memref<512x32xf32, #tpu.memory_space<vmem>>, vector<16xf32>,
      tpu.vector_store_idx %arg11[%add3A_7, %parallel_loop3A_178], %parallel_loop3A_184 : memref<32x513xf32, #tpu.memory_space<vmem>>[vector<16xi32>, vector<16xi32>], vector<16xf32>,
      %parallel_loop3A_185 = arith.constant 4 : i32
      %parallel_loop3A_186 = arith.addi %parallel_loop3A_148, %parallel_loop3A_185 : i32
      %parallel_loop3A_187 = vector.broadcast %parallel_loop3A_186 : i32 to vector<16xi32>
      %parallel_loop3A_188 = arith.index_cast %parallel_loop3A_186 : i32 to index
      %parallel_loop3A_189 = arith.constant 0 : index
      %parallel_loop3A_190 = tpu.vector_load %arg9[%parallel_loop3A_188, %parallel_loop3A_189] {strides = array<i32>} : memref<512x32xf32, #tpu.memory_space<vmem>>, vector<16xf32>,
      tpu.vector_store_idx %arg11[%iota3A, %parallel_loop3A_187], %parallel_loop3A_190 : memref<32x513xf32, #tpu.memory_space<vmem>>[vector<16xi32>, vector<16xi32>], vector<16xf32>,
      %parallel_loop3A_191 = arith.index_cast %parallel_loop3A_186 : i32 to index
      %parallel_loop3A_192 = arith.constant 16 : index
      %parallel_loop3A_193 = tpu.vector_load %arg9[%parallel_loop3A_191, %parallel_loop3A_192] {strides = array<i32>} : memref<512x32xf32, #tpu.memory_space<vmem>>, vector<16xf32>,
      tpu.vector_store_idx %arg11[%add3A_7, %parallel_loop3A_187], %parallel_loop3A_193 : memref<32x513xf32, #tpu.memory_space<vmem>>[vector<16xi32>, vector<16xi32>], vector<16xf32>,
      %parallel_loop3A_194 = arith.constant 5 : i32
      %parallel_loop3A_195 = arith.addi %parallel_loop3A_148, %parallel_loop3A_194 : i32
      %parallel_loop3A_196 = vector.broadcast %parallel_loop3A_195 : i32 to vector<16xi32>
      %parallel_loop3A_197 = arith.index_cast %parallel_loop3A_195 : i32 to index
      %parallel_loop3A_198 = arith.constant 0 : index
      %parallel_loop3A_199 = tpu.vector_load %arg9[%parallel_loop3A_197, %parallel_loop3A_198] {strides = array<i32>} : memref<512x32xf32, #tpu.memory_space<vmem>>, vector<16xf32>,
      tpu.vector_store_idx %arg11[%iota3A, %parallel_loop3A_196], %parallel_loop3A_199 : memref<32x513xf32, #tpu.memory_space<vmem>>[vector<16xi32>, vector<16xi32>], vector<16xf32>,
      %parallel_loop3A_200 = arith.index_cast %parallel_loop3A_195 : i32 to index
      %parallel_loop3A_201 = arith.constant 16 : index
      %parallel_loop3A_202 = tpu.vector_load %arg9[%parallel_loop3A_200, %parallel_loop3A_201] {strides = array<i32>} : memref<512x32xf32, #tpu.memory_space<vmem>>, vector<16xf32>,
      tpu.vector_store_idx %arg11[%add3A_7, %parallel_loop3A_196], %parallel_loop3A_202 : memref<32x513xf32, #tpu.memory_space<vmem>>[vector<16xi32>, vector<16xi32>], vector<16xf32>,
      %parallel_loop3A_203 = arith.constant 6 : i32
      %parallel_loop3A_204 = arith.addi %parallel_loop3A_148, %parallel_loop3A_203 : i32
      %parallel_loop3A_205 = vector.broadcast %parallel_loop3A_204 : i32 to vector<16xi32>
      %parallel_loop3A_206 = arith.index_cast %parallel_loop3A_204 : i32 to index
      %parallel_loop3A_207 = arith.constant 0 : index
      %parallel_loop3A_208 = tpu.vector_load %arg9[%parallel_loop3A_206, %parallel_loop3A_207] {strides = array<i32>} : memref<512x32xf32, #tpu.memory_space<vmem>>, vector<16xf32>,
      tpu.vector_store_idx %arg11[%iota3A, %parallel_loop3A_205], %parallel_loop3A_208 : memref<32x513xf32, #tpu.memory_space<vmem>>[vector<16xi32>, vector<16xi32>], vector<16xf32>,
      %parallel_loop3A_209 = arith.index_cast %parallel_loop3A_204 : i32 to index
      %parallel_loop3A_210 = arith.constant 16 : index
      %parallel_loop3A_211 = tpu.vector_load %arg9[%parallel_loop3A_209, %parallel_loop3A_210] {strides = array<i32>} : memref<512x32xf32, #tpu.memory_space<vmem>>, vector<16xf32>,
      tpu.vector_store_idx %arg11[%add3A_7, %parallel_loop3A_205], %parallel_loop3A_211 : memref<32x513xf32, #tpu.memory_space<vmem>>[vector<16xi32>, vector<16xi32>], vector<16xf32>,
      %parallel_loop3A_212 = arith.constant 7 : i32
      %parallel_loop3A_213 = arith.addi %parallel_loop3A_148, %parallel_loop3A_212 : i32
      %parallel_loop3A_214 = vector.broadcast %parallel_loop3A_213 : i32 to vector<16xi32>
      %parallel_loop3A_215 = arith.index_cast %parallel_loop3A_213 : i32 to index
      %parallel_loop3A_216 = arith.constant 0 : index
      %parallel_loop3A_217 = tpu.vector_load %arg9[%parallel_loop3A_215, %parallel_loop3A_216] {strides = array<i32>} : memref<512x32xf32, #tpu.memory_space<vmem>>, vector<16xf32>,
      tpu.vector_store_idx %arg11[%iota3A, %parallel_loop3A_214], %parallel_loop3A_217 : memref<32x513xf32, #tpu.memory_space<vmem>>[vector<16xi32>, vector<16xi32>], vector<16xf32>,
      %parallel_loop3A_218 = arith.index_cast %parallel_loop3A_213 : i32 to index
      %parallel_loop3A_219 = arith.constant 16 : index
      %parallel_loop3A_220 = tpu.vector_load %arg9[%parallel_loop3A_218, %parallel_loop3A_219] {strides = array<i32>} : memref<512x32xf32, #tpu.memory_space<vmem>>, vector<16xf32>,
      tpu.vector_store_idx %arg11[%add3A_7, %parallel_loop3A_214], %parallel_loop3A_220 : memref<32x513xf32, #tpu.memory_space<vmem>>[vector<16xi32>, vector<16xi32>], vector<16xf32>,
    } {sc.loop_unroll_factor = 2 : i64, sc.parallel_access}
    %dma_start3A_91 = arith.constant 49 : i32
    %dma_start3A_92 = arith.constant 0 : i32
    %dma_start3A_93 = arith.constant 0 : i32
    %dma_start3A_94 = tpu.memref_slice %arg11[%dma_start3A_92, %dma_start3A_93] : memref<32x513xf32, #tpu.memory_space<vmem>> -> memref<32x512xf32, #tpu.memory_space<vmem>>
    %dma_start3A_95 = arith.constant 0 : i32
    %dma_start3A_96 = arith.constant 0 : i32
    %dma_start3A_97 = tpu.memref_slice %arg4[%dma_start3A_91, %dma_start3A_95, %dma_start3A_96] : memref<50x32x16384xf32, #tpu.memory_space<hbm>> -> memref<1x32x16384xf32, #tpu.memory_space<hbm>>
    %dma_start3A_98 = tpu.memref_squeeze %dma_start3A_97 : memref<1x32x16384xf32, #tpu.memory_space<hbm>> -> memref<32x16384xf32, #tpu.memory_space<hbm>>
    %dma_start3A_99 = arith.constant 0 : i32
    %dma_start3A_100 = tpu.memref_slice %dma_start3A_98[%dma_start3A_99, %mul3A_2] : memref<32x16384xf32, #tpu.memory_space<hbm>> -> memref<32x512xf32, #tpu.memory_space<hbm>>
    %dma_start3A_101 = arith.constant 0 : i32
    %dma_start3A_102 = arith.constant 0 : i32
    %dma_start3A_103 = tpu.memref_slice %arg4[%dma_start3A_91, %dma_start3A_101, %dma_start3A_102] : memref<50x32x16384xf32, #tpu.memory_space<hbm>> -> memref<1x32x16384xf32, #tpu.memory_space<hbm>>
    %dma_start3A_104 = tpu.memref_squeeze %dma_start3A_103 : memref<1x32x16384xf32, #tpu.memory_space<hbm>> -> memref<32x16384xf32, #tpu.memory_space<hbm>>
    %dma_start3A_105 = arith.constant 0 : i32
    %dma_start3A_106 = tpu.memref_slice %dma_start3A_104[%dma_start3A_105, %mul3A_2] : memref<32x16384xf32, #tpu.memory_space<hbm>> -> memref<32x512xf32, #tpu.memory_space<hbm>>
    %dma_start3A_107 = arith.constant 0 : i32
    %dma_start3A_108 = arith.constant 0 : i32
    %dma_start3A_109 = tpu.memref_slice %arg11[%dma_start3A_107, %dma_start3A_108] : memref<32x513xf32, #tpu.memory_space<vmem>> -> memref<32x512xf32, #tpu.memory_space<vmem>>
    tpu.enqueue_dma source(%dma_start3A_109 : memref<32x512xf32, #tpu.memory_space<vmem>>) target(%dma_start3A_106 : memref<32x512xf32, #tpu.memory_space<hbm>>) target_semaphore(%arg15 : memref<!tpu.dma_semaphore, #tpu.memory_space<semaphore_mem>>)
    %dma_wait3A_110 = arith.constant 0 : i32
    %dma_wait3A_111 = arith.constant 0 : i32
    %dma_wait3A_112 = arith.constant 0 : i32
    %dma_wait3A_113 = tpu.memref_slice %arg10[%dma_wait3A_111, %dma_wait3A_112] : memref<32x513xf32, #tpu.memory_space<vmem>> -> memref<32x512xf32, #tpu.memory_space<vmem>>
    %dma_wait3A_114 = arith.constant 0 : i32
    %dma_wait3A_115 = arith.constant 0 : i32
    %dma_wait3A_116 = tpu.memref_slice %arg4[%dma_wait3A_110, %dma_wait3A_114, %dma_wait3A_115] : memref<50x32x16384xf32, #tpu.memory_space<hbm>> -> memref<1x32x16384xf32, #tpu.memory_space<hbm>>
    %dma_wait3A_117 = tpu.memref_squeeze %dma_wait3A_116 : memref<1x32x16384xf32, #tpu.memory_space<hbm>> -> memref<32x16384xf32, #tpu.memory_space<hbm>>
    %dma_wait3A_118 = arith.constant 0 : i32
    %dma_wait3A_119 = tpu.memref_slice %dma_wait3A_117[%dma_wait3A_118, %mul3A_2] : memref<32x16384xf32, #tpu.memory_space<hbm>> -> memref<32x512xf32, #tpu.memory_space<hbm>>
    %dma_wait3A_120 = arith.constant 0 : i32
    %dma_wait3A_121 = arith.constant 0 : i32
    %dma_wait3A_122 = tpu.memref_slice %arg4[%dma_wait3A_110, %dma_wait3A_120, %dma_wait3A_121] : memref<50x32x16384xf32, #tpu.memory_space<hbm>> -> memref<1x32x16384xf32, #tpu.memory_space<hbm>>
    %dma_wait3A_123 = tpu.memref_squeeze %dma_wait3A_122 : memref<1x32x16384xf32, #tpu.memory_space<hbm>> -> memref<32x16384xf32, #tpu.memory_space<hbm>>
    %dma_wait3A_124 = arith.constant 0 : i32
    %dma_wait3A_125 = tpu.memref_slice %dma_wait3A_123[%dma_wait3A_124, %mul3A_2] : memref<32x16384xf32, #tpu.memory_space<hbm>> -> memref<32x512xf32, #tpu.memory_space<hbm>>
    %dma_wait3A_126 = arith.constant 0 : i32
    %dma_wait3A_127 = arith.constant 0 : i32
    %dma_wait3A_128 = tpu.memref_slice %arg10[%dma_wait3A_126, %dma_wait3A_127] : memref<32x513xf32, #tpu.memory_space<vmem>> -> memref<32x512xf32, #tpu.memory_space<vmem>>
    tpu.wait_dma2 semaphore(%arg14 : memref<!tpu.dma_semaphore, #tpu.memory_space<semaphore_mem>>) src(%dma_wait3A_128 : memref<32x512xf32, #tpu.memory_space<vmem>>) dst(%dma_wait3A_125 : memref<32x512xf32, #tpu.memory_space<hbm>>)
    %dma_wait3A_129 = arith.constant 0 : i32
    %dma_wait3A_130 = arith.constant 0 : i32
    %dma_wait3A_131 = arith.constant 0 : i32
    %dma_wait3A_132 = tpu.memref_slice %arg11[%dma_wait3A_130, %dma_wait3A_131] : memref<32x513xf32, #tpu.memory_space<vmem>> -> memref<32x512xf32, #tpu.memory_space<vmem>>
    %dma_wait3A_133 = arith.constant 0 : i32
    %dma_wait3A_134 = arith.constant 0 : i32
    %dma_wait3A_135 = tpu.memref_slice %arg4[%dma_wait3A_129, %dma_wait3A_133, %dma_wait3A_134] : memref<50x32x16384xf32, #tpu.memory_space<hbm>> -> memref<1x32x16384xf32, #tpu.memory_space<hbm>>
    %dma_wait3A_136 = tpu.memref_squeeze %dma_wait3A_135 : memref<1x32x16384xf32, #tpu.memory_space<hbm>> -> memref<32x16384xf32, #tpu.memory_space<hbm>>
    %dma_wait3A_137 = arith.constant 0 : i32
    %dma_wait3A_138 = tpu.memref_slice %dma_wait3A_136[%dma_wait3A_137, %mul3A_2] : memref<32x16384xf32, #tpu.memory_space<hbm>> -> memref<32x512xf32, #tpu.memory_space<hbm>>
    %dma_wait3A_139 = arith.constant 0 : i32
    %dma_wait3A_140 = arith.constant 0 : i32
    %dma_wait3A_141 = tpu.memref_slice %arg4[%dma_wait3A_129, %dma_wait3A_139, %dma_wait3A_140] : memref<50x32x16384xf32, #tpu.memory_space<hbm>> -> memref<1x32x16384xf32, #tpu.memory_space<hbm>>
    %dma_wait3A_142 = tpu.memref_squeeze %dma_wait3A_141 : memref<1x32x16384xf32, #tpu.memory_space<hbm>> -> memref<32x16384xf32, #tpu.memory_space<hbm>>
    %dma_wait3A_143 = arith.constant 0 : i32
    %dma_wait3A_144 = tpu.memref_slice %dma_wait3A_142[%dma_wait3A_143, %mul3A_2] : memref<32x16384xf32, #tpu.memory_space<hbm>> -> memref<32x512xf32, #tpu.memory_space<hbm>>
    %dma_wait3A_145 = arith.constant 0 : i32
    %dma_wait3A_146 = arith.constant 0 : i32
    %dma_wait3A_147 = tpu.memref_slice %arg11[%dma_wait3A_145, %dma_wait3A_146] : memref<32x513xf32, #tpu.memory_space<vmem>> -> memref<32x512xf32, #tpu.memory_space<vmem>>
    tpu.wait_dma2 semaphore(%arg15 : memref<!tpu.dma_semaphore, #tpu.memory_space<semaphore_mem>>) src(%dma_wait3A_147 : memref<32x512xf32, #tpu.memory_space<vmem>>) dst(%dma_wait3A_144 : memref<32x512xf32, #tpu.memory_space<hbm>>)
    return
  }
}

</mosaic_0001>

<sc_bundles>
// kernel: kernel.3.cloned.1.call-start
scs
__scs_entry_jumppad:
0x0: {  	(pc) =	sbr.rel $0x88, $3  }
0x1: {  	(tag) =	ssettag $0x0;
	lr =	simm.s32 $0x1  }
0x2: {  	[smem:$0x3F9F] =	sst lr;
	_ =	strace $0xD0000000  }
0x3: {  	_ = 	snop  }
0x4: {  	_ = 	snop  }
0x5: {  	_ = 	snop  }
0x6: {  	_ = 	snop  }
0x7: {  	_ = 	snop  }
__scs_overlays_trampoline_lowered:
0x8: {  	[smem:$0x3FAE] =	sst s0  }
0x9: {  	[smem:$0x3FAF] =	sst s1  }
0xa: {  	[smem:$0x3FB0] =	sst s2  }
0xb: {  	[smem:$0x3FB1] =	sst s3  }
0xc: {  	[smem:$0x3FB2] =	sst s4  }
0xd: {  	[smem:$0x3FB3] =	sst s5  }
0xe: {  	[smem:$0x3FB4] =	sst s6  }
0xf: {  	[smem:$0x3FB5] =	sst s7  }
0x10: {  	[smem:$0x3FB6] =	sst s8  }
0x11: {  	[smem:$0x3FB7] =	sst s9;
	s0 =	simm.s32 @!p0 $0x0  }
0x12: {  	s1 =	sld [smem:$0x3F9D];
	s0 =	simm.s32 @p0 $0x1  }
0x13: {  	[smem:$0x3FB8] =	sst s0;
	s0 =	simm.s32 @!p1 $0x0  }
0x14: {  	s2 =	sld [smem:$0x3F9C];
	s0 =	simm.s32 @p1 $0x1  }
0x15: {  	[smem:$0x3FB9] =	sst s0;
	s0 =	simm.s32 @!p2 $0x0  }
0x16: {  	s3 =	sld [smem:$0x3FDB];
	s0 =	simm.s32 @p2 $0x1  }
0x17: {  	s4 =	simm.s32 $0x1BF5;
	[smem:$0x3FBB] =	sst s0  }
0x18: {  	s0 =	sld [smem:$0x3F9E];
	_ =	swait.ge [sflag:s4], $0x0  }
0x19: {  	s7 =	sld [smem:$0x3F9F]  }
0x1a: {  	s8 =	sadd.s32 $0xFFFFE003, lr  }
0x1b: {  	s9 =	sadd.s32 $0xFFFFFEF7, lr;
	s5 =	simm.s32 $0xFFFFFFFF;
	p2 =	slt.u32 s8, $0xFFFFF086  }
0x1c: {  	p1 =	slt.u32 s9, $0xF7A;
	s5 =	simm.s32 @!p2 $0x0  }
0x1d: {  	s5 =	simm.s32 @p1 $0x1;
	p0 =	seq.s32 s7, s2  }
0x1e: {  	s7 =	smul.u32 @!p0 $0xF7A, s2;
	p2 =	seq.s32 @!p0 s5, $0x0  }
0x1f: {  	s9 =	smul.u32 $0xF7A, s1;
	s8 =	simm.s32 @!p0 $0x1BF5;
	p2 =	por !p2, p0  }
0x20: {  	[sflag:s8] =	ssyncset.s32 @!p0 $0xFFFFF086;
	s6 =	sadd.s32 @!p0 s3, s7;
	s7 =	simm.s32 @!p0 $0x108  }
0x21: {  	s3 =	sadd.s32 s3, s9;
	s6 =	sadd.s32 @!p0 $0x88, s6;
	s7 =	simm.s32 @p2 $0x1082  }
0x22: {  	[simem:s7], [sflag:s8] =	dma.local @!p0 [hbm:s6], $0xF7A  }
0x23: {  	s9 =	sor.u32 $0xD0000000, s2;
	s6 =	simm.s32 $0x108;
	_ =	swait.ge @!p0 [sflag:s8], $0x0  }
0x24: {  	s3 =	sadd.s32 $0x88, s3;
	s6 =	simm.s32 @!p1 $0x1082;
	[sflag:s4] =	ssyncset.s32 $0xFFFFF086  }
0x25: {  	[simem:s6], [sflag:s4] =	dma.local [hbm:s3], $0xF7A  }
0x26: {  	[smem:$0x3F9F] =	sst s1;
	(tag) =	ssettag s2;
	_ =	strace s9  }
0x27: {  	s1 =	sld [smem:$0x3FAF]  }
0x28: {  	s2 =	sld [smem:$0x3FB0]  }
0x29: {  	s4 =	sld [smem:$0x3FB2]  }
0x2a: {  	p0 =	seq.s32 s5, $0x0;
	s5 =	sld [smem:$0x3FB3]  }
0x2b: {  	s6 =	sld [smem:$0x3FB4]  }
0x2c: {  	s7 =	sld [smem:$0x3FB5]  }
0x2d: {  	s3 =	simm.s32 $0x108;
	s8 =	sld [smem:$0x3FB6]  }
0x2e: {  	s3 =	simm.s32 @!p0 $0x1082;
	s9 =	sld [smem:$0x3FB7]  }
0x2f: {  	lr =	sadd.s32 s0, s3;
	s0 =	sld [smem:$0x3FAE]  }
0x30: {  	s3 =	sld [smem:$0x3FB1]  }
0x31: {  	[smem:$0x3FBA] =	sst s10  }
0x32: {  	s10 =	sld [smem:$0x3FB8];
	_ =	sdelay $0x3  }
0x33: {  	p0 =	seq.s32 s10, $0x1;
	s10 =	sld [smem:$0x3FBA];
	_ =	sdelay $0x3  }
0x34: {  	[smem:$0x3FBA] =	sst s10  }
0x35: {  	s10 =	sld [smem:$0x3FB9];
	_ =	sdelay $0x3  }
0x36: {  	p1 =	seq.s32 s10, $0x1;
	s10 =	sld [smem:$0x3FBA];
	_ =	sdelay $0x3  }
0x37: {  	[smem:$0x3FBA] =	sst s10  }
0x38: {  	s10 =	sld [smem:$0x3FBB]  }
0x39: {  	_ = 	snop;
	(pc) =	sbr.ind lr, $3  }
0x3a: {  	_ = 	snop  }
0x3b: {  	_ = 	snop  }
0x3c: {  	p2 =	seq.s32 s10, $0x1;
	s10 =	sld [smem:$0x3FBA]  }
0x3d: {  	_ =	shalt  }
0x3e: {  	_ =	shalt  }
0x3f: {  	_ =	shalt  }
0x40: {  	_ =	shalt  }
0x41: {  	_ =	shalt  }
0x42: {  	_ =	shalt  }
0x43: {  	_ =	shalt  }
0x44: {  	_ =	shalt  }
0x45: {  	_ =	shalt  }
0x46: {  	_ =	shalt  }
0x47: {  	_ =	shalt  }
0x48: {  	_ =	shalt  }
0x49: {  	_ =	shalt  }
0x4a: {  	_ =	shalt  }
0x4b: {  	_ =	shalt  }
0x4c: {  	_ =	shalt  }
0x4d: {  	_ =	shalt  }
0x4e: {  	_ =	shalt  }
0x4f: {  	_ =	shalt  }
0x50: {  	_ =	shalt  }
0x51: {  	_ =	shalt  }
0x52: {  	_ =	shalt  }
0x53: {  	_ =	shalt  }
0x54: {  	_ =	shalt  }
0x55: {  	_ =	shalt  }
0x56: {  	_ =	shalt  }
0x57: {  	_ =	shalt  }
0x58: {  	_ =	shalt  }
0x59: {  	_ =	shalt  }
0x5a: {  	_ =	shalt  }
0x5b: {  	_ =	shalt  }
0x5c: {  	_ =	shalt  }
0x5d: {  	_ =	shalt  }
0x5e: {  	_ =	shalt  }
0x5f: {  	_ =	shalt  }
0x60: {  	_ =	shalt  }
0x61: {  	_ =	shalt  }
0x62: {  	_ =	shalt  }
0x63: {  	_ =	shalt  }
0x64: {  	_ =	shalt  }
0x65: {  	_ =	shalt  }
0x66: {  	_ =	shalt  }
0x67: {  	_ =	shalt  }
0x68: {  	_ =	shalt  }
0x69: {  	_ =	shalt  }
0x6a: {  	_ =	shalt  }
0x6b: {  	_ =	shalt  }
0x6c: {  	_ =	shalt  }
0x6d: {  	_ =	shalt  }
0x6e: {  	_ =	shalt  }
0x6f: {  	_ =	shalt  }
0x70: {  	_ =	shalt  }
0x71: {  	_ =	shalt  }
0x72: {  	_ =	shalt  }
0x73: {  	_ =	shalt  }
0x74: {  	_ =	shalt  }
0x75: {  	_ =	shalt  }
0x76: {  	_ =	shalt  }
0x77: {  	_ =	shalt  }
0x78: {  	_ =	shalt  }
0x79: {  	_ =	shalt  }
0x7a: {  	_ =	shalt  }
0x7b: {  	_ =	shalt  }
0x7c: {  	_ =	shalt  }
0x7d: {  	_ =	shalt  }
0x7e: {  	_ =	shalt  }
0x7f: {  	_ =	shalt  }
0x80: {  	_ =	shalt  }
0x81: {  	_ =	shalt  }
0x82: {  	_ =	shalt  }
0x83: {  	_ =	shalt  }
0x84: {  	_ =	shalt  }
0x85: {  	_ =	shalt  }
0x86: {  	_ =	shalt  }
0x87: {  	_ =	shalt  }
.Lfunc_end0:
.L_simem_size_0:
called_computation_lowered:
.L_overlay_start_0:
0x88: {  	s2 =	sld [smem:$0x3FD9]  }
0x89: {  	s3 =	sld [smem:$0x3FFE];
	_ =	sdelay $0x1  }
0x8a: {  	s1 =	srdreg.scid  }
0x8b: {  	s0 =	sand.u32 $0x1, s1  }
0x8c: {  	s17 =	sshll.u32 s0, $0xA;
	s2 =	sadd.s32 s3, s2  }
0x8d: {  	s2 =	sadd.s32 s2, s17  }
0x8e: {  	[smem:$0x3FC6] =	sst s2  }
0x8f: {  	_ = 	snop  }
0x90: {  	s2 =	sld [smem:$0x3FD0];
	(tm) =	ssettm $0x1  }
0x91: {  	s18 =	sld [smem:$0x3FFB];
	_ =	sdelay $0x3  }
0x92: {  	_ =	strace s18  }
0x93: {  	s3 =	sld [smem:$0x3FFC];
	_ =	sdelay $0x3  }
0x94: {  	_ =	strace s3  }
0x95: {  	s3 =	sld [smem:$0x3FFD];
	_ =	sdelay $0x3  }
0x96: {  	_ =	strace s3  }
0x97: {  	_ =	strace $0x8FFFFFFF  }
0x98: {  	s19 =	sld [smem:$0x3FDB];
	_ =	sdelay $0x1  }
0x99: {  	s4 =	simm.s32 $_scs_section_size  }
0x9a: {  	s5 =	simm.s32 $_size__tile_overlayer_lowered;
	s6 =	simm.s32 $_tile_overlayer_lowered  }
0x9b: {  	s22 =	simm.s32 $0x1BFF;
	s21 =	sshll.u32 s6, $0x1;
	s3 =	sadd.s32 s4, s19  }
0x9c: {  	s7 =	simm.s32 $0x0;
	s20 =	sshll.u32 s5, $0x1;
	s5 =	sadd.s32 s21, s3  }
0x9d: {  	[timem:s7], [sflag:s22] =	dma.local [hbm:s5], s20  }
0x9e: {  	_ =	swait.ge [sflag:s22], s20  }
0x9f: {  	s4 =	ssub.s32 $0x0, s20;
	[sflag:s22] =	ssyncset.done $0x0  }
0xa0: {  	[sflag:s22] =	ssyncadd.s32 s4;
	_ =	sdelay $0x1  }
0xa1: {  	s23 =	simm.s32 $0x1B8B  }
0xa2: {  	_ =	swait.ge [sflag:s23], $0x1  }
0xa3: {  	[sflag:s23] =	ssyncset.done $0x0  }
0xa4: {  	s25 =	simm.s32 $0x1B8E;
	s24 =	sld [smem:$0x3FFE];
	[sflag:s23] =	ssyncadd.s32 $0xFFFFFFFF  }
0xa5: {  	s26 =	simm.s32 $execute0_lowered;
	[smem:$0x3FD2] =	sst s25  }
0xa6: {  	s5 =	sshll.u32 s26, $0x1;
	_ =	strace $0x80000046;
	[dreg:$0x1] =	wrdreg $0xFFFFFFFF  }
0xa7: {  	s28 =	simm.s32 $_size_execute0_lowered;
	s3 =	sadd.s32 s3, s5;
	[dreg:$0x0] =	wrdreg $0x0  }
0xa8: {  	s5 =	sshll.u32 s28, $0x1;
	[dreg:$0x2] =	wrdreg s3  }
0xa9: {  	[dreg:$0x3] =	wrdreg s5  }
0xaa: {  	[dreg:$0x4] =	wrdreg $0xC0  }
0xab: {  	_ =	task [dreg:s7], $0x5FFFF  }
0xac: {  	[dreg:$0x1] =	wrdreg $0xFFFFFFFF  }
0xad: {  	[dreg:$0x0] =	wrdreg $0x60  }
0xae: {  	[dreg:$0x2] =	wrdreg s2  }
0xaf: {  	[dreg:$0x3] =	wrdreg s24  }
0xb0: {  	[dreg:$0x4] =	wrdreg $0x9  }
0xb1: {  	_ =	task.clear_ibuf [dreg:s7], $0x5FFFF;
	_ =	strace $0x90000046  }
0xb2: {  	s29 =	simm.s32 $0x9;
	_ =	strace $0x80000048  }
0xb3: {  	_ =	swait.ge [sflag:s29], $0x1  }
0xb4: {  	[sflag:s29] =	ssyncadd.s32 $0xFFFFFFFF  }
0xb5: {  	_ =	strace $0x90000048  }
0xb6: {  	_ =	sfence  }
0xb7: {  	s30 =	sld [smem:$0x0];
	_ =	sdelay $0x2  }
0xb8: {  	s31 =	sshll.u32 s1, $0xD;
	s1 =	sshrl.u32 s1, $0x2  }
0xb9: {  	s3 =	sand.u32 $0x4000, s31;
	s1 =	sadd.s32 s1, s30  }
0xba: {  	s0 =	sor.u32 s3, s0;
	s1 =	sshll.u32 s1, $0x11  }
0xbb: {  	s0 =	sor.u32 s1, s0  }
0xbc: {  	s0 =	sadd.s32 $0x8F2B, s0  }
0xbd: {  	[sflag:s0] =	ssyncadd.remote.s32 $0x1  }
0xbe: {  	_ =	sfence.sel $0xFFFF  }
0xbf: {  	[dreg:$0x0] =	wrdreg $0xFFFFFFFF;
	(pc) =	sbr.abs _section_cstart, $3  }
0xc0: {  	[dreg:$0x1] =	wrdreg $0xFFFFFFFF  }
0xc1: {  	_ =	task.clear_ibuf [dreg:s7], $0x2FFFF;
	_ =	strace $0x9FFFFFFF  }
0xc2: {  	(tm) =	ssettm $0x7FFFFFFF  }
0xc3: {  	_ =	shalt  }
tec
execute0_lowered:
.L_overlay_start_1:
0x0: {  	(tag) =	ssettag $0x1  }
0x1: {  	s0 =	rddreg [dreg:$0x0]  }
0x2: {  	s1 =	rddreg [dreg:$0x1]  }
0x3: {  	s3 =	srdreg.scid;
	s4 =	stileid.u32  }
0x4: {  	s2 =	simm.s32 $0x0;
	s9 =	simm.s32 $0x6400;
	s10 =	simm.s32 $0x200  }
0x5: {  	s11 =	simm.s32 $0x6800;
	s12 =	simm.s32 $0x6600;
	s13 =	simm.s32 $0xA800  }
0x6: {  	s14 =	simm.s32 $0x1;
	s15 =	simm.s32 $0xE800;
	s16 =	simm.s32 $0x2  }
0x7: {  	v0 =	vlaneseq.u32;
	s17 =	simm.s32 $0x12900;
	s18 =	simm.s32 $0x3;
	s20 =	simm.s32 $0x4  }
0x8: {  	v4 =	vimm.s32 $0x0;
	vm0 =	vcmask $0x300;
	s22 =	simm.s32 $0x0;
	s3 =	sand.u32 $0x1, s3;
	s4 =	sshll.u32 s4, $0x1;
	v1 =	vmul.u32 $0x208, v0  }
0x9: {  	[smem:$0x7FF] =	sst s2;
	s31 =	sadd.s32 $0x300600, s1;
	v2 =	vor.u32 $0xFFFFFFE8, v0;
	v3 =	vor.u32 $0xFFFFFFF8, v0;
	v4 =	vsel vm0, $0x3, v4;
	s5 =	sor.u32 s3, s4  }
0xa: {  	_ =	strace $0x80000047;
	s6 =	ssub.s32 $0x2, s3;
	s7 =	smul.u32 $0xC80, s5;
	v5 =	vadd.s32 $0x2080, v1;
	v6 =	vor.u32 $0x1, v1;
	v7 =	vadd.s32 $0x2081, v1  }
0xb: {  	s3 =	sadd.s32 $0xF42A00, s1;
	s4 =	sadd.s32 $0x600, s1;
	s8 =	sshrl.u32 s6, $0x1;
	v8 =	vor.u32 $0x2, v1;
	v9 =	vadd.s32 $0x2082, v1;
	v10 =	vor.u32 $0x3, v1  }
0xc: {  	s1 =	sadd.s32 $0x310600, s1;
	v11 =	vadd.s32 $0x2083, v1;
	v12 =	vor.u32 $0x4, v1;
	v13 =	vadd.s32 $0x2084, v1;
	s6 =	ssub.s32 s6, s8;
	s0 =	sadd.s32 s0, s7  }
0xd: {  	s5 =	sshll.u32 s5, $0x6;
	v14 =	vor.u32 $0x5, v1;
	v15 =	vadd.s32 $0x2085, v1;
	v16 =	vor.u32 $0x6, v1;
	s6 =	smax.u32 s6, $0x1;
	[dreg:$0x3] =	wrdreg s0  }
0xe: {  	v17 =	vadd.s32 $0x2086, v1;
	v18 =	vor.u32 $0x7, v1;
	v19 =	vadd.s32 $0x2087, v1;
	s19 =	sadd.s32 s5, s31;
	s21 =	sadd.s32 s5, s1;
	[dreg:$0x4] =	wrdreg s6  }
.LBB2_1:
0xf: {  	v24 =	vor.u32 s2, v0;
	s0 =	simm.s32 $0x10  }
0x10: {  	v21 =	vmul.u32 $0x32, v24;
	v27 =	vor.u32 s0, v0  }
0x11: {  	s29 =	rddreg [dreg:$0x3];
	s1 =	simm.s32 $0x5;
	v28 =	vmul.u32 $0x32, v27  }
0x12: {  	[tilespmem:s2], [sflag:$0x5] =	stream.linear.gather [hbm4b:s29+s2], $0x6400, $0x38;
	[tilespmem:$0x16A00] =	vst v63  }
0x13: {  	_ =	swait.ge [sflag:s1], $0x6400  }
0x14: {  	[sflag:s1] =	ssyncset.done $0x0  }
0x15: {  	s30 =	simm.s32 $0x20;
	s31 =	simm.s32 $0x30;
	[sflag:s1] =	ssyncadd.s32 $0xFFFF9C00  }
0x16: {  	v22 =	vor.u32 s30, v0;
	v20 =	vor.u32 s31, v0;
	v26 =	vand.u32 v2, v24;
	v21 =	vld.idx.msk [tilespmem:v21+s2+$0x0], $0xffff  }
0x17: {  	s0 =	simm.s32 $0x40;
	v23 =	vmul.u32 $0x32, v22;
	v25 =	vmul.u32 $0x32, v20;
	v27 =	vand.u32 v3, v27;
	v24 =	vld.idx.msk [tilespmem:v28+s2+$0x0], $0xffff  }
.LBB2_2:
0x18: {  	_ = 	snop  }
0x19: {  	p0 =	slt.u32 s0, $0x1E0  }
.Ltmp0:
0x1a: {  	_ = 	snop;
	(pc) =	sbr.rel @p0 .LBB2_2-.Ltmp0, $4  }
0x1b: {  	_ = 	snop  }
0x1c: {  	s1 =	sadd.s32 $0x10, s0;
	[tilespmem:v26+s9+$0x0] =	vst.idx.msk $0xffff, v21  }
0x1d: {  	v28 =	vor.u32 s0, v0;
	v29 =	vor.u32 s1, v0;
	v26 =	vand.u32 v2, v22;
	[tilespmem:v27+s9+$0x0] =	vst.idx.msk $0xffff, v24;
	v21 =	vld.idx.msk [tilespmem:v23+s2+$0x0], $0xffff  }
0x1e: {  	s0 =	sadd.s32 $0x20, s0;
	v22 =	vmovc v28;
	v27 =	vand.u32 v3, v20;
	v20 =	vmovc v29;
	v23 =	vmul.u32 $0x32, v28;
	v24 =	vld.idx.msk [tilespmem:v25+s2+$0x0], $0xffff;
	v25 =	vmul.u32 $0x32, v29  }
0x1f: {  	_ =	sdelay $0x4  }
0x20: {  	v22 =	vand.u32 v2, v22;
	v23 =	vld.idx.msk [tilespmem:v23+s2+$0x0], $0xffff  }
0x21: {  	v20 =	vand.u32 v3, v20;
	v25 =	vld.idx.msk [tilespmem:v25+s2+$0x0], $0xffff;
	_ =	sdelay $0x1  }
0x22: {  	[tilespmem:v26+s9+$0x0] =	vst.idx.msk $0xffff, v21  }
0x23: {  	[tilespmem:v27+s9+$0x0] =	vst.idx.msk $0xffff, v24  }
0x24: {  	[tilespmem:v22+s9+$0x0] =	vst.idx.msk $0xffff, v23  }
0x25: {  	s23 =	simm.s32 $0x0;
	s24 =	simm.s32 $0x0;
	[tilespmem:v20+s9+$0x0] =	vst.idx.msk $0xffff, v25  }
0x26: {  	[tilespmem:s11], [sflag:$0x1] =	stream.indirect.gather [hbm4b:s3+s10], $0x20, s9, s10, $0xb8;
	[tilespmem:$0x16A00] =	vst v63  }
.LBB2_4:
0x27: {  	v24 =	vor.u32 s23, v0;
	s0 =	simm.s32 $0x10  }
0x28: {  	s25 =	sshllo.u32 s24, $0x1;
	v21 =	vmul.u32 $0x32, v24;
	v28 =	vor.u32 s0, v0  }
0x29: {  	v20 =	vmov s25;
	v22 =	vmul.u32 $0x32, v28  }
0x2a: {  	v25 =	vadd.s32 v20, v21  }
0x2b: {  	s30 =	simm.s32 $0x20;
	v27 =	vadd.s32 v20, v22  }
0x2c: {  	s31 =	simm.s32 $0x30;
	v23 =	vor.u32 s30, v0  }
0x2d: {  	v26 =	vmul.u32 $0x32, v23;
	v21 =	vor.u32 s31, v0  }
0x2e: {  	v29 =	vmul.u32 $0x32, v21  }
0x2f: {  	v22 =	vld.idx.msk [tilespmem:v25+s2+$0x0], $0xffff;
	v25 =	vadd.s32 v20, v26;
	v26 =	vand.u32 v2, v24  }
0x30: {  	s26 =	sshll.u32 s24, $0x1;
	s0 =	simm.s32 $0x40;
	v28 =	vand.u32 v3, v28;
	v24 =	vld.idx.msk [tilespmem:v27+s2+$0x0], $0xffff;
	v27 =	vadd.s32 v20, v29  }
.LBB2_5:
0x31: {  	p0 =	slt.u32 s0, $0x1E0  }
.Ltmp1:
0x32: {  	v29 =	vor.u32 s0, v0;
	s1 =	sadd.s32 $0x10, s0;
	s0 =	sadd.s32 $0x20, s0;
	(pc) =	sbr.rel @p0 .LBB2_5-.Ltmp1, $4  }
0x33: {  	v30 =	vmul.u32 $0x32, v29;
	v31 =	vor.u32 s1, v0  }
0x34: {  	v32 =	vmul.u32 $0x32, v31;
	[tilespmem:v26+s12+$0x0] =	vst.idx.msk $0xffff, v22;
	v22 =	vld.idx.msk [tilespmem:v25+s2+$0x0], $0xffff  }
0x35: {  	v26 =	vand.u32 v2, v23;
	v25 =	vadd.s32 v20, v30;
	[tilespmem:v28+s12+$0x0] =	vst.idx.msk $0xffff, v24;
	v24 =	vld.idx.msk [tilespmem:v27+s2+$0x0], $0xffff  }
0x36: {  	v23 =	vmovc v29;
	v28 =	vand.u32 v3, v21;
	v21 =	vmov v31;
	v27 =	vadd.s32 v20, v32  }
0x37: {  	_ =	sdelay $0x3  }
0x38: {  	v20 =	vld.idx.msk [tilespmem:v25+s2+$0x0], $0xffff;
	v23 =	vand.u32 v2, v23  }
0x39: {  	v25 =	vld.idx.msk [tilespmem:v27+s2+$0x0], $0xffff;
	v21 =	vand.u32 v3, v21;
	_ =	sdelay $0x1  }
0x3a: {  	[tilespmem:v26+s12+$0x0] =	vst.idx.msk $0xffff, v22  }
0x3b: {  	[tilespmem:v28+s12+$0x0] =	vst.idx.msk $0xffff, v24  }
0x3c: {  	[tilespmem:v23+s12+$0x0] =	vst.idx.msk $0xffff, v20  }
0x3d: {  	[tilespmem:v21+s12+$0x0] =	vst.idx.msk $0xffff, v25  }
0x3e: {  	[tilespmem:s13], [sflag:$0x2] =	stream.indirect.gather [hbm4b:s3+s10], $0x20, s12, s10, $0xb8;
	[tilespmem:$0x16A00] =	vst v63  }
0x3f: {  	s0 =	simm.s32 $0x8;
	_ =	swait.ge [sflag:s14], $0x4000  }
0x40: {  	p0 =	seq.s32 s24, $0x0;
	s1 =	simm.s32 $0x0;
	v20 =	vmov s0;
	[sflag:s14] =	ssyncset.done $0x0  }
0x41: {  	s0 =	simm.s32 @!p0 $0x3;
	v21 =	vmov s1;
	v20 =	vshrl.u32 v20, $0x3;
	[sflag:s14] =	ssyncadd.s32 $0xFFFFC000  }
0x42: {  	v21 =	vshrl.u32 v21, $0x3;
	v20 =	vshll.u32 v20, v4;
	_ =	swait.ge @!p0 [sflag:s0], $0x4000  }
0x43: {  	v21 =	vshll.u32 v21, v4;
	v20 =	vbroadcast v20, $0x0;
	[sflag:s0] =	ssyncset.done @!p0 $0x0  }
0x44: {  	s30 =	simm.s32 $0x6900;
	v21 =	vbroadcast v21, $0x0;
	[sflag:s0] =	ssyncadd.s32 @!p0 $0xFFFFC000  }
0x45: {  	v23 =	vadd.s32 v1, v20;
	v22 =	vld [tilespmem:s30+$0x0]  }
0x46: {  	v25 =	vadd.s32 v1, v21;
	v24 =	vld [tilespmem:s30+$0xFFFFFF00];
	_ =	sdelay $0x3  }
0x47: {  	[tilespmem:v23+s15+$0x0] =	vst.idx.msk $0xffff, v22  }
0x48: {  	s7 =	simm.s32 $0x9;
	v20 =	vadd.s32 v5, v20;
	[tilespmem:v25+s15+$0x0] =	vst.idx.msk $0xffff, v24;
	v22 =	vld [tilespmem:s30+$0x10]  }
0x49: {  	s8 =	simm.s32 $0x1;
	v21 =	vadd.s32 v5, v21;
	v24 =	vmov s7;
	v23 =	vld [tilespmem:s30+$0xFFFFFF10]  }
0x4a: {  	v25 =	vmov s8;
	v24 =	vshrl.u32 v24, $0x3  }
0x4b: {  	v25 =	vshrl.u32 v25, $0x3;
	v24 =	vshll.u32 v24, v4  }
0x4c: {  	v25 =	vshll.u32 v25, v4;
	v24 =	vbroadcast v24, $0x0  }
0x4d: {  	v25 =	vbroadcast v25, $0x0;
	[tilespmem:v20+s15+$0x0] =	vst.idx.msk $0xffff, v22  }
0x4e: {  	[tilespmem:v21+s15+$0x0] =	vst.idx.msk $0xffff, v23;
	v21 =	vadd.s32 v6, v24;
	v20 =	vld [tilespmem:s30+$0x20]  }
0x4f: {  	v23 =	vadd.s32 v6, v25;
	v22 =	vld [tilespmem:s30+$0xFFFFFF20];
	_ =	sdelay $0x3  }
0x50: {  	[tilespmem:v21+s15+$0x0] =	vst.idx.msk $0xffff, v20  }
0x51: {  	s6 =	simm.s32 $0xA;
	[tilespmem:v23+s15+$0x0] =	vst.idx.msk $0xffff, v22;
	v21 =	vadd.s32 v7, v24;
	v20 =	vld [tilespmem:s30+$0x30]  }
0x52: {  	s7 =	simm.s32 $0x2;
	v23 =	vadd.s32 v7, v25;
	v24 =	vmov s6;
	v22 =	vld [tilespmem:s30+$0xFFFFFF30]  }
0x53: {  	v25 =	vmov s7;
	v24 =	vshrl.u32 v24, $0x3  }
0x54: {  	v25 =	vshrl.u32 v25, $0x3;
	v24 =	vshll.u32 v24, v4  }
0x55: {  	v25 =	vshll.u32 v25, v4;
	v24 =	vbroadcast v24, $0x0  }
0x56: {  	v25 =	vbroadcast v25, $0x0;
	[tilespmem:v21+s15+$0x0] =	vst.idx.msk $0xffff, v20  }
0x57: {  	[tilespmem:v23+s15+$0x0] =	vst.idx.msk $0xffff, v22;
	v21 =	vadd.s32 v8, v24;
	v20 =	vld [tilespmem:s30+$0x40]  }
0x58: {  	v23 =	vadd.s32 v8, v25;
	v22 =	vld [tilespmem:s30+$0xFFFFFF40]  }
0x59: {  	s8 =	simm.s32 $0x18  }
0x5a: {  	s29 =	simm.s32 $0x10;
	v26 =	vmov s8  }
0x5b: {  	v27 =	vmov s29;
	v26 =	vshrl.u32 v26, $0x3  }
0x5c: {  	v27 =	vshrl.u32 v27, $0x3;
	v26 =	vshll.u32 v26, v4;
	[tilespmem:v21+s15+$0x0] =	vst.idx.msk $0xffff, v20  }
0x5d: {  	s1 =	simm.s32 $0xB;
	v20 =	vshll.u32 v27, v4;
	v21 =	vbroadcast v26, $0x0;
	[tilespmem:v23+s15+$0x0] =	vst.idx.msk $0xffff, v22;
	v23 =	vadd.s32 v9, v24;
	v22 =	vld [tilespmem:s30+$0x50]  }
0x5e: {  	s28 =	simm.s32 $0x6B00;
	s6 =	simm.s32 $0x3;
	v25 =	vadd.s32 v9, v25;
	v26 =	vmov s1;
	v20 =	vbroadcast v20, $0x0;
	v24 =	vld [tilespmem:s30+$0xFFFFFF50]  }
0x5f: {  	v29 =	vmov s6;
	v27 =	vld [tilespmem:s28+$0x0];
	v26 =	vshrl.u32 v26, $0x3;
	v28 =	vadd.s32 v1, v21  }
0x60: {  	v30 =	vld [tilespmem:s28+$0xFFFFFF00];
	v29 =	vshrl.u32 v29, $0x3;
	v26 =	vshll.u32 v26, v4;
	v31 =	vadd.s32 v1, v20  }
0x61: {  	v29 =	vshll.u32 v29, v4;
	v26 =	vbroadcast v26, $0x0  }
0x62: {  	v29 =	vbroadcast v29, $0x0;
	[tilespmem:v23+s15+$0x0] =	vst.idx.msk $0xffff, v22  }
0x63: {  	[tilespmem:v25+s15+$0x0] =	vst.idx.msk $0xffff, v24;
	v23 =	vadd.s32 v10, v26;
	v22 =	vld [tilespmem:s30+$0x60]  }
0x64: {  	v25 =	vadd.s32 v10, v29;
	[tilespmem:v28+s15+$0x0] =	vst.idx.msk $0xffff, v27;
	v24 =	vld [tilespmem:s30+$0xFFFFFF60]  }
0x65: {  	s7 =	simm.s32 $0x19;
	v21 =	vadd.s32 v5, v21;
	[tilespmem:v31+s15+$0x0] =	vst.idx.msk $0xffff, v30;
	v27 =	vld [tilespmem:s28+$0x10]  }
0x66: {  	s8 =	simm.s32 $0x11;
	v20 =	vadd.s32 v5, v20;
	v30 =	vmov s7;
	v28 =	vld [tilespmem:s28+$0xFFFFFF10]  }
0x67: {  	v31 =	vmov s8;
	v30 =	vshrl.u32 v30, $0x3  }
0x68: {  	v31 =	vshrl.u32 v31, $0x3;
	v30 =	vshll.u32 v30, v4;
	[tilespmem:v23+s15+$0x0] =	vst.idx.msk $0xffff, v22  }
0x69: {  	s1 =	simm.s32 $0xC;
	v22 =	vshll.u32 v31, v4;
	v23 =	vbroadcast v30, $0x0;
	[tilespmem:v25+s15+$0x0] =	vst.idx.msk $0xffff, v24;
	v25 =	vadd.s32 v11, v26;
	v24 =	vld [tilespmem:s30+$0x70]  }
0x6a: {  	s6 =	simm.s32 $0x4;
	v26 =	vadd.s32 v11, v29;
	v22 =	vbroadcast v22, $0x0;
	[tilespmem:v21+s15+$0x0] =	vst.idx.msk $0xffff, v27;
	v21 =	vld [tilespmem:s30+$0xFFFFFF70];
	v27 =	vmov s1  }
0x6b: {  	v29 =	vmov s6;
	[tilespmem:v20+s15+$0x0] =	vst.idx.msk $0xffff, v28;
	v20 =	vld [tilespmem:s28+$0x20];
	v28 =	vadd.s32 v6, v23;
	v27 =	vshrl.u32 v27, $0x3  }
0x6c: {  	v29 =	vshrl.u32 v29, $0x3;
	v30 =	vld [tilespmem:s28+$0xFFFFFF20];
	v31 =	vadd.s32 v6, v22;
	v27 =	vshll.u32 v27, v4  }
0x6d: {  	v29 =	vshll.u32 v29, v4;
	v27 =	vbroadcast v27, $0x0  }
0x6e: {  	v29 =	vbroadcast v29, $0x0;
	[tilespmem:v25+s15+$0x0] =	vst.idx.msk $0xffff, v24  }
0x6f: {  	[tilespmem:v26+s15+$0x0] =	vst.idx.msk $0xffff, v21;
	v24 =	vadd.s32 v12, v27;
	v21 =	vld [tilespmem:s30+$0x80]  }
0x70: {  	v25 =	vadd.s32 v12, v29;
	[tilespmem:v28+s15+$0x0] =	vst.idx.msk $0xffff, v20;
	v20 =	vld [tilespmem:s30+$0xFFFFFF80]  }
0x71: {  	s7 =	simm.s32 $0x1A;
	v23 =	vadd.s32 v7, v23;
	[tilespmem:v31+s15+$0x0] =	vst.idx.msk $0xffff, v30;
	v26 =	vld [tilespmem:s28+$0x30]  }
0x72: {  	s8 =	simm.s32 $0x12;
	v22 =	vadd.s32 v7, v22;
	v30 =	vmov s7;
	v28 =	vld [tilespmem:s28+$0xFFFFFF30]  }
0x73: {  	v31 =	vmov s8;
	v30 =	vshrl.u32 v30, $0x3  }
0x74: {  	v31 =	vshrl.u32 v31, $0x3;
	v30 =	vshll.u32 v30, v4;
	[tilespmem:v24+s15+$0x0] =	vst.idx.msk $0xffff, v21  }
0x75: {  	s1 =	simm.s32 $0xD;
	v21 =	vshll.u32 v31, v4;
	v24 =	vbroadcast v30, $0x0;
	[tilespmem:v25+s15+$0x0] =	vst.idx.msk $0xffff, v20;
	v25 =	vadd.s32 v13, v27;
	v20 =	vld [tilespmem:s30+$0x90]  }
0x76: {  	s6 =	simm.s32 $0x5;
	v27 =	vmov s1;
	v21 =	vbroadcast v21, $0x0;
	[tilespmem:v23+s15+$0x0] =	vst.idx.msk $0xffff, v26;
	v23 =	vld [tilespmem:s30+$0xFFFFFF90];
	v26 =	vadd.s32 v13, v29  }
0x77: {  	v29 =	vmov s6;
	v27 =	vshrl.u32 v27, $0x3;
	[tilespmem:v22+s15+$0x0] =	vst.idx.msk $0xffff, v28;
	v22 =	vld [tilespmem:s28+$0x40];
	v28 =	vadd.s32 v8, v24  }
0x78: {  	v29 =	vshrl.u32 v29, $0x3;
	v27 =	vshll.u32 v27, v4;
	v30 =	vld [tilespmem:s28+$0xFFFFFF40];
	v31 =	vadd.s32 v8, v21  }
0x79: {  	s7 =	simm.s32 $0x28;
	v29 =	vshll.u32 v29, v4;
	v27 =	vbroadcast v27, $0x0  }
0x7a: {  	s0 =	simm.s32 $0x20;
	v32 =	vmov s7;
	v29 =	vbroadcast v29, $0x0;
	[tilespmem:v25+s15+$0x0] =	vst.idx.msk $0xffff, v20  }
0x7b: {  	v20 =	vmov s0;
	v25 =	vshrl.u32 v32, $0x3;
	[tilespmem:v26+s15+$0x0] =	vst.idx.msk $0xffff, v23;
	v26 =	vadd.s32 v14, v27;
	v23 =	vld [tilespmem:s30+$0xA0]  }
0x7c: {  	v20 =	vshrl.u32 v20, $0x3;
	v25 =	vshll.u32 v25, v4;
	[tilespmem:v28+s15+$0x0] =	vst.idx.msk $0xffff, v22;
	v22 =	vld [tilespmem:s30+$0xFFFFFFA0];
	v28 =	vadd.s32 v14, v29  }
0x7d: {  	s8 =	simm.s32 $0x1B;
	v24 =	vadd.s32 v9, v24;
	v20 =	vshll.u32 v20, v4;
	v25 =	vbroadcast v25, $0x0;
	[tilespmem:v31+s15+$0x0] =	vst.idx.msk $0xffff, v30;
	v30 =	vld [tilespmem:s28+$0x50]  }
0x7e: {  	s31 =	simm.s32 $0x6D00;
	v47 =	vmov s8;
	s6 =	simm.s32 $0x13;
	v21 =	vadd.s32 v9, v21;
	v20 =	vbroadcast v20, $0x0;
	v31 =	vld [tilespmem:s28+$0xFFFFFF50]  }
0x7f: {  	v33 =	vld [tilespmem:s31+$0x0];
	v35 =	vmov s6;
	v32 =	vshrl.u32 v47, $0x3;
	v34 =	vadd.s32 v1, v25  }
0x80: {  	v36 =	vld [tilespmem:s31+$0xFFFFFF00];
	v35 =	vshrl.u32 v35, $0x3;
	v32 =	vshll.u32 v32, v4;
	v37 =	vadd.s32 v1, v20;
	[tilespmem:v26+s15+$0x0] =	vst.idx.msk $0xffff, v23  }
0x81: {  	s7 =	simm.s32 $0xE;
	v27 =	vadd.s32 v15, v27;
	v23 =	vshll.u32 v35, v4;
	v26 =	vbroadcast v32, $0x0;
	[tilespmem:v28+s15+$0x0] =	vst.idx.msk $0xffff, v22;
	v22 =	vld [tilespmem:s30+$0xB0]  }
0x82: {  	s8 =	simm.s32 $0x6;
	v28 =	vadd.s32 v15, v29;
	v29 =	vmov s7;
	v23 =	vbroadcast v23, $0x0;
	[tilespmem:v24+s15+$0x0] =	vst.idx.msk $0xffff, v30;
	v24 =	vld [tilespmem:s30+$0xFFFFFFB0]  }
0x83: {  	v29 =	vshrl.u32 v29, $0x3;
	[tilespmem:v21+s15+$0x0] =	vst.idx.msk $0xffff, v31;
	v21 =	vld [tilespmem:s28+$0x60];
	v30 =	vadd.s32 v10, v26;
	v31 =	vmov s8  }
0x84: {  	v29 =	vshll.u32 v29, v4;
	[tilespmem:v34+s15+$0x0] =	vst.idx.msk $0xffff, v33;
	v48 =	vld [tilespmem:s28+$0xFFFFFF60];
	v49 =	vadd.s32 v10, v23;
	v31 =	vshrl.u32 v31, $0x3  }
0x85: {  	v25 =	vadd.s32 v5, v25;
	s7 =	simm.s32 $0x29;
	v29 =	vbroadcast v29, $0x0;
	[tilespmem:v37+s15+$0x0] =	vst.idx.msk $0xffff, v36;
	v34 =	vld [tilespmem:s31+$0x10];
	v31 =	vshll.u32 v31, v4  }
0x86: {  	v20 =	vadd.s32 v5, v20;
	v51 =	vmov s7;
	s8 =	simm.s32 $0x21;
	v50 =	vld [tilespmem:s31+$0xFFFFFF10];
	v31 =	vbroadcast v31, $0x0;
	[tilespmem:v27+s15+$0x0] =	vst.idx.msk $0xffff, v22  }
0x87: {  	v22 =	vmov s8;
	v27 =	vshrl.u32 v51, $0x3;
	[tilespmem:v28+s15+$0x0] =	vst.idx.msk $0xffff, v24;
	v28 =	vadd.s32 v16, v29;
	v24 =	vld [tilespmem:s30+$0xC0]  }
0x88: {  	v22 =	vshrl.u32 v22, $0x3;
	v27 =	vshll.u32 v27, v4;
	[tilespmem:v30+s15+$0x0] =	vst.idx.msk $0xffff, v21;
	v21 =	vld [tilespmem:s30+$0xFFFFFFC0];
	v30 =	vadd.s32 v16, v31  }
0x89: {  	s7 =	simm.s32 $0x1C;
	v26 =	vadd.s32 v11, v26;
	v22 =	vshll.u32 v22, v4;
	v27 =	vbroadcast v27, $0x0;
	[tilespmem:v49+s15+$0x0] =	vst.idx.msk $0xffff, v48;
	v52 =	vld [tilespmem:s28+$0x70]  }
0x8a: {  	v53 =	vmov s7;
	v23 =	vadd.s32 v11, v23;
	s8 =	simm.s32 $0x14;
	v22 =	vbroadcast v22, $0x0;
	[tilespmem:v25+s15+$0x0] =	vst.idx.msk $0xffff, v34;
	v25 =	vld [tilespmem:s28+$0xFFFFFF70]  }
0x8b: {  	v33 =	vshrl.u32 v53, $0x3;
	v55 =	vmov s8;
	[tilespmem:v20+s15+$0x0] =	vst.idx.msk $0xffff, v50;
	v20 =	vld [tilespmem:s31+$0x20];
	v54 =	vadd.s32 v6, v27  }
0x8c: {  	v33 =	vshll.u32 v33, v4;
	v35 =	vshrl.u32 v55, $0x3;
	v56 =	vld [tilespmem:s31+$0xFFFFFF20];
	v57 =	vadd.s32 v6, v22;
	[tilespmem:v28+s15+$0x0] =	vst.idx.msk $0xffff, v24  }
0x8d: {  	s7 =	simm.s32 $0xF;
	v29 =	vadd.s32 v17, v29;
	v24 =	vshll.u32 v35, v4;
	v28 =	vbroadcast v33, $0x0;
	[tilespmem:v30+s15+$0x0] =	vst.idx.msk $0xffff, v21;
	v30 =	vld [tilespmem:s30+$0xD0]  }
0x8e: {  	s8 =	simm.s32 $0x7;
	v21 =	vmov s7;
	v58 =	vbroadcast v24, $0x0;
	[tilespmem:v26+s15+$0x0] =	vst.idx.msk $0xffff, v52;
	v24 =	vld [tilespmem:s30+$0xFFFFFFD0];
	v26 =	vadd.s32 v17, v31  }
0x8f: {  	v31 =	vmov s8;
	v21 =	vshrl.u32 v21, $0x3;
	[tilespmem:v23+s15+$0x0] =	vst.idx.msk $0xffff, v25;
	v23 =	vld [tilespmem:s28+$0x80];
	v25 =	vadd.s32 v12, v28  }
0x90: {  	v31 =	vshrl.u32 v31, $0x3;
	v21 =	vshll.u32 v21, v4;
	[tilespmem:v54+s15+$0x0] =	vst.idx.msk $0xffff, v20;
	v20 =	vld [tilespmem:s28+$0xFFFFFF80];
	v59 =	vadd.s32 v12, v58  }
0x91: {  	v60 =	vadd.s32 v7, v27;
	s7 =	simm.s32 $0x2A;
	v27 =	vshll.u32 v31, v4;
	v61 =	vbroadcast v21, $0x0;
	[tilespmem:v57+s15+$0x0] =	vst.idx.msk $0xffff, v56;
	v34 =	vld [tilespmem:s31+$0x30]  }
0x92: {  	v22 =	vadd.s32 v7, v22;
	s8 =	simm.s32 $0x22;
	v62 =	vmov s7;
	v21 =	vbroadcast v27, $0x0;
	v31 =	vld [tilespmem:s31+$0xFFFFFF30];
	[tilespmem:v29+s15+$0x0] =	vst.idx.msk $0xffff, v30  }
0x93: {  	v27 =	vmov s8;
	v38 =	vadd.s32 v18, v61;
	v29 =	vshrl.u32 v62, $0x3;
	[tilespmem:v26+s15+$0x0] =	vst.idx.msk $0xffff, v24;
	v63 =	vld [tilespmem:s30+$0xE0]  }
0x94: {  	v24 =	vshrl.u32 v27, $0x3;
	v39 =	vadd.s32 v18, v21;
	v26 =	vshll.u32 v29, v4;
	[tilespmem:v25+s15+$0x0] =	vst.idx.msk $0xffff, v23;
	v23 =	vld [tilespmem:s30+$0xFFFFFFE0]  }
0x95: {  	s7 =	simm.s32 $0x1D;
	v27 =	vadd.s32 v13, v28;
	v24 =	vshll.u32 v24, v4;
	v29 =	vbroadcast v26, $0x0;
	[tilespmem:v59+s15+$0x0] =	vst.idx.msk $0xffff, v20;
	v25 =	vld [tilespmem:s28+$0x90]  }
0x96: {  	s8 =	simm.s32 $0x15;
	v30 =	vbroadcast v24, $0x0;
	v26 =	vadd.s32 v13, v58;
	v20 =	vmov s7;
	[tilespmem:v60+s15+$0x0] =	vst.idx.msk $0xffff, v34;
	v24 =	vld [tilespmem:s28+$0xFFFFFF90]  }
0x97: {  	v20 =	vshrl.u32 v20, $0x3;
	[tilespmem:v22+s15+$0x0] =	vst.idx.msk $0xffff, v31;
	v31 =	vld [tilespmem:s31+$0x40];
	v33 =	vadd.s32 v8, v29;
	v22 =	vmov s8  }
0x98: {  	v34 =	vadd.s32 v8, v30;
	v20 =	vshll.u32 v20, v4;
	v32 =	vld [tilespmem:s31+$0xFFFFFF40];
	v22 =	vshrl.u32 v22, $0x3;
	[tilespmem:v38+s15+$0x0] =	vst.idx.msk $0xffff, v63  }
0x99: {  	s1 =	simm.s32 $0x30;
	s6 =	simm.s32 $0x40;
	s7 =	simm.s32 $0x38;
	v20 =	vbroadcast v20, $0x0;
	v28 =	vshll.u32 v22, v4;
	[tilespmem:v39+s15+$0x0] =	vst.idx.msk $0xffff, v23;
	v23 =	vadd.s32 v19, v61;
	v22 =	vld [tilespmem:s30+$0xF0]  }
.LBB2_7:
0x9a: {  	p1 =	slt.u32 s6, $0x1F0;
	v35 =	vmov s7;
	v28 =	vbroadcast v28, $0x0;
	[tilespmem:v27+s15+$0x0] =	vst.idx.msk $0xffff, v25;
	v25 =	vld [tilespmem:s30+$0xFFFFFFF0];
	v21 =	vadd.s32 v19, v21;
	s30 =	smov.u32 s28;
	s28 =	smov.u32 s31  }
0x9b: {  	v27 =	vmov s1;
	v35 =	vshrl.u32 v35, $0x3;
	[tilespmem:v26+s15+$0x0] =	vst.idx.msk $0xffff, v24;
	v24 =	vld [tilespmem:s30+$0xA0];
	v26 =	vadd.s32 v14, v20  }
0x9c: {  	v27 =	vshrl.u32 v27, $0x3;
	v35 =	vshll.u32 v35, v4;
	[tilespmem:v33+s15+$0x0] =	vst.idx.msk $0xffff, v31;
	v31 =	vld [tilespmem:s30+$0xFFFFFFA0];
	v33 =	vadd.s32 v14, v28  }
0x9d: {  	v29 =	vadd.s32 v9, v29;
	s7 =	sadd.s32 $0xB, s0;
	v27 =	vshll.u32 v27, v4;
	v35 =	vbroadcast v35, $0x0;
	[tilespmem:v34+s15+$0x0] =	vst.idx.msk $0xffff, v32;
	v32 =	vld [tilespmem:s31+$0x50]  }
0x9e: {  	v30 =	vadd.s32 v9, v30;
	s8 =	sadd.s32 $0x3, s0;
	v36 =	vmov s7;
	v27 =	vbroadcast v27, $0x0;
	s31 =	sadd.s32 $0x200, s31;
	v34 =	vld [tilespmem:s28+$0xFFFFFF50];
	[tilespmem:v23+s15+$0x0] =	vst.idx.msk $0xffff, v22  }
0x9f: {  	v37 =	vmov s8;
	v36 =	vshrl.u32 v36, $0x3;
	v22 =	vld [tilespmem:s31+$0x0];
	v23 =	vadd.s32 v1, v35;
	[tilespmem:v21+s15+$0x0] =	vst.idx.msk $0xffff, v25  }
0xa0: {  	v37 =	vshrl.u32 v37, $0x3;
	v36 =	vshll.u32 v36, v4;
	v25 =	vadd.s32 v1, v27;
	v21 =	vld [tilespmem:s31+$0xFFFFFF00];
	[tilespmem:v26+s15+$0x0] =	vst.idx.msk $0xffff, v24  }
0xa1: {  	v20 =	vadd.s32 v15, v20;
	s7 =	sadd.s32 $0xE, s29;
	v24 =	vshll.u32 v37, v4;
	v26 =	vbroadcast v36, $0x0;
	[tilespmem:v33+s15+$0x0] =	vst.idx.msk $0xffff, v31;
	v31 =	vld [tilespmem:s30+$0xB0]  }
0xa2: {  	s8 =	sadd.s32 $0x6, s29;
	v28 =	vadd.s32 v15, v28;
	v24 =	vbroadcast v24, $0x0;
	[tilespmem:v29+s15+$0x0] =	vst.idx.msk $0xffff, v32;
	v29 =	vld [tilespmem:s30+$0xFFFFFFB0];
	v32 =	vmov s7  }
0xa3: {  	v33 =	vadd.s32 v10, v26;
	[tilespmem:v30+s15+$0x0] =	vst.idx.msk $0xffff, v34;
	v30 =	vld [tilespmem:s28+$0x60];
	v34 =	vmov s8;
	v32 =	vshrl.u32 v32, $0x3  }
0xa4: {  	[tilespmem:v23+s15+$0x0] =	vst.idx.msk $0xffff, v22;
	v22 =	vld [tilespmem:s28+$0xFFFFFF60];
	v23 =	vadd.s32 v10, v24;
	v34 =	vshrl.u32 v34, $0x3;
	v32 =	vshll.u32 v32, v4  }
0xa5: {  	s7 =	sadd.s32 $0x9, s1;
	[tilespmem:v25+s15+$0x0] =	vst.idx.msk $0xffff, v21;
	v21 =	vld [tilespmem:s31+$0x10];
	v25 =	vadd.s32 v5, v35;
	v34 =	vshll.u32 v34, v4;
	v32 =	vbroadcast v32, $0x0  }
0xa6: {  	v27 =	vadd.s32 v5, v27;
	s8 =	sadd.s32 $0x1, s1;
	v36 =	vmov s7;
	v35 =	vld [tilespmem:s31+$0xFFFFFF10];
	v34 =	vbroadcast v34, $0x0;
	[tilespmem:v20+s15+$0x0] =	vst.idx.msk $0xffff, v31  }
0xa7: {  	v20 =	vmov s8;
	v31 =	vshrl.u32 v36, $0x3;
	[tilespmem:v28+s15+$0x0] =	vst.idx.msk $0xffff, v29;
	v28 =	vld [tilespmem:s30+$0xC0];
	v29 =	vadd.s32 v16, v32  }
0xa8: {  	v20 =	vshrl.u32 v20, $0x3;
	v31 =	vshll.u32 v31, v4;
	[tilespmem:v33+s15+$0x0] =	vst.idx.msk $0xffff, v30;
	v30 =	vld [tilespmem:s30+$0xFFFFFFC0];
	v33 =	vadd.s32 v16, v34  }
0xa9: {  	s7 =	sadd.s32 $0xC, s0;
	v20 =	vshll.u32 v20, v4;
	v31 =	vbroadcast v31, $0x0;
	[tilespmem:v23+s15+$0x0] =	vst.idx.msk $0xffff, v22;
	v22 =	vld [tilespmem:s28+$0x70];
	v23 =	vadd.s32 v11, v26  }
0xaa: {  	v24 =	vadd.s32 v11, v24;
	s8 =	sadd.s32 $0x4, s0;
	v20 =	vbroadcast v20, $0x0;
	[tilespmem:v25+s15+$0x0] =	vst.idx.msk $0xffff, v21;
	v21 =	vld [tilespmem:s28+$0xFFFFFF70];
	v25 =	vmov s7  }
0xab: {  	[tilespmem:v27+s15+$0x0] =	vst.idx.msk $0xffff, v35;
	v26 =	vld [tilespmem:s31+$0x20];
	v27 =	vadd.s32 v6, v31;
	v35 =	vmov s8;
	v25 =	vshrl.u32 v25, $0x3  }
0xac: {  	v37 =	vadd.s32 v6, v20;
	v36 =	vld [tilespmem:s31+$0xFFFFFF20];
	v35 =	vshrl.u32 v35, $0x3;
	v25 =	vshll.u32 v25, v4;
	[tilespmem:v29+s15+$0x0] =	vst.idx.msk $0xffff, v28  }
0xad: {  	s7 =	sadd.s32 $0xF, s29;
	v29 =	vadd.s32 v17, v32;
	v28 =	vshll.u32 v35, v4;
	v35 =	vbroadcast v25, $0x0;
	[tilespmem:v33+s15+$0x0] =	vst.idx.msk $0xffff, v30;
	v25 =	vld [tilespmem:s30+$0xD0]  }
0xae: {  	s8 =	sadd.s32 $0x7, s29;
	s29 =	smov.u32 s0;
	s0 =	smov.u32 s1;
	v30 =	vmov s7;
	v28 =	vbroadcast v28, $0x0;
	[tilespmem:v23+s15+$0x0] =	vst.idx.msk $0xffff, v22;
	v22 =	vld [tilespmem:s30+$0xFFFFFFD0];
	v23 =	vadd.s32 v17, v34  }
0xaf: {  	s1 =	smov.u32 s6;
	v30 =	vshrl.u32 v30, $0x3;
	[tilespmem:v24+s15+$0x0] =	vst.idx.msk $0xffff, v21;
	v24 =	vld [tilespmem:s28+$0x80];
	v32 =	vadd.s32 v12, v35;
	v21 =	vmov s8  }
0xb0: {  	v30 =	vshll.u32 v30, v4;
	[tilespmem:v27+s15+$0x0] =	vst.idx.msk $0xffff, v26;
	v26 =	vld [tilespmem:s28+$0xFFFFFF80];
	v27 =	vadd.s32 v12, v28;
	v21 =	vshrl.u32 v21, $0x3  }
0xb1: {  	v31 =	vadd.s32 v7, v31;
	s7 =	sadd.s32 $0xA, s0;
	[tilespmem:v37+s15+$0x0] =	vst.idx.msk $0xffff, v36;
	v33 =	vld [tilespmem:s31+$0x30];
	v21 =	vshll.u32 v21, v4;
	v36 =	vbroadcast v30, $0x0  }
0xb2: {  	v20 =	vadd.s32 v7, v20;
	s8 =	sadd.s32 $0x2, s0;
	v30 =	vmov s7;
	v34 =	vld [tilespmem:s31+$0xFFFFFF30];
	v21 =	vbroadcast v21, $0x0;
	[tilespmem:v29+s15+$0x0] =	vst.idx.msk $0xffff, v25  }
0xb3: {  	v25 =	vmov s8;
	v29 =	vshrl.u32 v30, $0x3;
	[tilespmem:v23+s15+$0x0] =	vst.idx.msk $0xffff, v22;
	v22 =	vld [tilespmem:s30+$0xE0];
	v23 =	vadd.s32 v18, v36  }
0xb4: {  	v25 =	vshrl.u32 v25, $0x3;
	v29 =	vshll.u32 v29, v4;
	[tilespmem:v32+s15+$0x0] =	vst.idx.msk $0xffff, v24;
	v37 =	vld [tilespmem:s30+$0xFFFFFFE0];
	v38 =	vadd.s32 v18, v21  }
.Ltmp2:
0xb5: {  	s7 =	sadd.s32 $0xD, s29;
	v24 =	vshll.u32 v25, v4;
	v29 =	vbroadcast v29, $0x0;
	[tilespmem:v27+s15+$0x0] =	vst.idx.msk $0xffff, v26;
	v25 =	vld [tilespmem:s28+$0x90];
	v27 =	vadd.s32 v13, v35;
	(pc) =	sbr.rel @p1 .LBB2_7-.Ltmp2, $4  }
0xb6: {  	s8 =	sadd.s32 $0x5, s29;
	v30 =	vbroadcast v24, $0x0;
	v26 =	vadd.s32 v13, v28;
	v28 =	vmov s7;
	[tilespmem:v31+s15+$0x0] =	vst.idx.msk $0xffff, v33;
	v24 =	vld [tilespmem:s28+$0xFFFFFF90]  }
0xb7: {  	v33 =	vadd.s32 v8, v29;
	v28 =	vshrl.u32 v28, $0x3;
	[tilespmem:v20+s15+$0x0] =	vst.idx.msk $0xffff, v34;
	v31 =	vld [tilespmem:s31+$0x40];
	v20 =	vmov s8  }
0xb8: {  	v34 =	vadd.s32 v8, v30;
	v35 =	vshll.u32 v28, v4;
	v32 =	vld [tilespmem:s31+$0xFFFFFF40];
	v20 =	vshrl.u32 v20, $0x3;
	[tilespmem:v23+s15+$0x0] =	vst.idx.msk $0xffff, v22  }
0xb9: {  	s6 =	sadd.s32 $0x10, s6;
	s7 =	sadd.s32 $0x8, s1;
	v23 =	vadd.s32 v19, v36;
	v28 =	vshll.u32 v20, v4;
	v20 =	vbroadcast v35, $0x0;
	[tilespmem:v38+s15+$0x0] =	vst.idx.msk $0xffff, v37;
	v22 =	vld [tilespmem:s30+$0xF0]  }
0xba: {  	v35 =	vmov s7  }
0xbb: {  	v36 =	vmov s1;
	v35 =	vshrl.u32 v35, $0x3  }
0xbc: {  	v36 =	vshrl.u32 v36, $0x3;
	v35 =	vshll.u32 v35, v4  }
0xbd: {  	v36 =	vshll.u32 v36, v4;
	v35 =	vbroadcast v35, $0x0  }
0xbe: {  	s6 =	sadd.s32 $0x200, s31;
	v36 =	vbroadcast v36, $0x0  }
0xbf: {  	v37 =	vld [tilespmem:s6+$0x0];
	v38 =	vadd.s32 v1, v35  }
0xc0: {  	v39 =	vld [tilespmem:s6+$0xFFFFFF00];
	v40 =	vadd.s32 v1, v36;
	_ =	sdelay $0x3  }
0xc1: {  	[tilespmem:v38+s15+$0x0] =	vst.idx.msk $0xffff, v37  }
0xc2: {  	s8 =	sadd.s32 $0x9, s1;
	v35 =	vadd.s32 v5, v35;
	[tilespmem:v40+s15+$0x0] =	vst.idx.msk $0xffff, v39;
	v37 =	vld [tilespmem:s6+$0x10]  }
0xc3: {  	v55 =	vmov s8;
	s8 =	sadd.s32 $0x1, s1;
	v36 =	vadd.s32 v5, v36;
	v54 =	vld [tilespmem:s6+$0xFFFFFF10]  }
0xc4: {  	v56 =	vmov s8;
	v39 =	vshrl.u32 v55, $0x3  }
0xc5: {  	v40 =	vshrl.u32 v56, $0x3;
	v39 =	vshll.u32 v39, v4  }
0xc6: {  	v40 =	vshll.u32 v40, v4;
	v39 =	vbroadcast v39, $0x0  }
0xc7: {  	v40 =	vbroadcast v40, $0x0;
	[tilespmem:v35+s15+$0x0] =	vst.idx.msk $0xffff, v37  }
0xc8: {  	v57 =	vadd.s32 v6, v39;
	[tilespmem:v36+s15+$0x0] =	vst.idx.msk $0xffff, v54;
	v35 =	vld [tilespmem:s6+$0x20]  }
0xc9: {  	v59 =	vadd.s32 v6, v40;
	v58 =	vld [tilespmem:s6+$0xFFFFFF20];
	_ =	sdelay $0x3  }
0xca: {  	[tilespmem:v57+s15+$0x0] =	vst.idx.msk $0xffff, v35  }
0xcb: {  	s8 =	sadd.s32 $0xA, s1;
	v60 =	vadd.s32 v7, v39;
	[tilespmem:v59+s15+$0x0] =	vst.idx.msk $0xffff, v58;
	v35 =	vld [tilespmem:s6+$0x30]  }
0xcc: {  	v62 =	vmov s8;
	s8 =	sadd.s32 $0x2, s1;
	v61 =	vadd.s32 v7, v40;
	v37 =	vld [tilespmem:s6+$0xFFFFFF30]  }
0xcd: {  	v63 =	vmov s8;
	v39 =	vshrl.u32 v62, $0x3  }
0xce: {  	v40 =	vshrl.u32 v63, $0x3;
	v39 =	vshll.u32 v39, v4  }
0xcf: {  	v40 =	vshll.u32 v40, v4;
	v39 =	vbroadcast v39, $0x0  }
0xd0: {  	v40 =	vbroadcast v40, $0x0;
	[tilespmem:v60+s15+$0x0] =	vst.idx.msk $0xffff, v35  }
0xd1: {  	v41 =	vadd.s32 v8, v39;
	[tilespmem:v61+s15+$0x0] =	vst.idx.msk $0xffff, v37;
	v35 =	vld [tilespmem:s6+$0x40]  }
0xd2: {  	v42 =	vadd.s32 v8, v40;
	v37 =	vld [tilespmem:s6+$0xFFFFFF40];
	_ =	sdelay $0x1  }
0xd3: {  	[tilespmem:v33+s15+$0x0] =	vst.idx.msk $0xffff, v31;
	s8 =	sadd.s32 $0xB, s0  }
0xd4: {  	v29 =	vadd.s32 v9, v29;
	[tilespmem:v34+s15+$0x0] =	vst.idx.msk $0xffff, v32;
	v31 =	vld [tilespmem:s31+$0x50];
	v43 =	vmov s8;
	s8 =	sadd.s32 $0x3, s0  }
0xd5: {  	v30 =	vadd.s32 v9, v30;
	v44 =	vld [tilespmem:s31+$0xFFFFFF50];
	v45 =	vmov s8;
	v32 =	vshrl.u32 v43, $0x3;
	[tilespmem:v41+s15+$0x0] =	vst.idx.msk $0xffff, v35  }
0xd6: {  	s8 =	sadd.s32 $0xB, s1;
	v34 =	vshrl.u32 v45, $0x3;
	v32 =	vshll.u32 v32, v4;
	v46 =	vadd.s32 v9, v39;
	[tilespmem:v42+s15+$0x0] =	vst.idx.msk $0xffff, v37;
	v35 =	vld [tilespmem:s6+$0x50]  }
0xd7: {  	v48 =	vmov s8;
	s8 =	sadd.s32 $0x3, s1;
	v34 =	vshll.u32 v34, v4;
	v47 =	vadd.s32 v9, v40;
	v37 =	vld [tilespmem:s6+$0xFFFFFF50]  }
0xd8: {  	v32 =	vbroadcast v32, $0x0;
	v49 =	vmov s8;
	v39 =	vshrl.u32 v48, $0x3  }
0xd9: {  	[tilespmem:v29+s15+$0x0] =	vst.idx.msk $0xffff, v31;
	v34 =	vbroadcast v34, $0x0;
	v50 =	vshrl.u32 v49, $0x3;
	v51 =	vshll.u32 v39, v4  }
0xda: {  	[tilespmem:v30+s15+$0x0] =	vst.idx.msk $0xffff, v44;
	v52 =	vld [tilespmem:s31+$0x60];
	v53 =	vadd.s32 v10, v32;
	v29 =	vshll.u32 v50, v4;
	v31 =	vbroadcast v51, $0x0  }
0xdb: {  	v55 =	vadd.s32 v10, v34;
	v29 =	vbroadcast v29, $0x0;
	v54 =	vld [tilespmem:s31+$0xFFFFFF60];
	[tilespmem:v46+s15+$0x0] =	vst.idx.msk $0xffff, v35  }
0xdc: {  	v56 =	vadd.s32 v10, v31;
	[tilespmem:v47+s15+$0x0] =	vst.idx.msk $0xffff, v37;
	v35 =	vld [tilespmem:s6+$0x60]  }
0xdd: {  	v57 =	vadd.s32 v10, v29;
	v37 =	vld [tilespmem:s6+$0xFFFFFF60];
	_ =	sdelay $0x1  }
0xde: {  	s8 =	sadd.s32 $0xC, s0;
	[tilespmem:v53+s15+$0x0] =	vst.idx.msk $0xffff, v52  }
0xdf: {  	v32 =	vadd.s32 v11, v32;
	v30 =	vld [tilespmem:s31+$0x70];
	[tilespmem:v55+s15+$0x0] =	vst.idx.msk $0xffff, v54;
	v58 =	vmov s8  }
0xe0: {  	v34 =	vadd.s32 v11, v34;
	s8 =	sadd.s32 $0x4, s0;
	v39 =	vld [tilespmem:s31+$0xFFFFFF70];
	v31 =	vadd.s32 v11, v31;
	v33 =	vshrl.u32 v58, $0x3;
	[tilespmem:v56+s15+$0x0] =	vst.idx.msk $0xffff, v35  }
0xe1: {  	v29 =	vadd.s32 v11, v29;
	v59 =	vmov s8;
	s8 =	sadd.s32 $0xC, s1;
	v33 =	vshll.u32 v33, v4;
	[tilespmem:v57+s15+$0x0] =	vst.idx.msk $0xffff, v37;
	v36 =	vld [tilespmem:s6+$0x70]  }
0xe2: {  	v33 =	vbroadcast v33, $0x0;
	v60 =	vshrl.u32 v59, $0x3;
	v61 =	vmov s8;
	s8 =	sadd.s32 $0x4, s1;
	v37 =	vld [tilespmem:s6+$0xFFFFFF70]  }
0xe3: {  	[tilespmem:v27+s15+$0x0] =	vst.idx.msk $0xffff, v25;
	v62 =	vmov s8;
	v38 =	vshrl.u32 v61, $0x3;
	v35 =	vshll.u32 v60, v4  }
0xe4: {  	[tilespmem:v32+s15+$0x0] =	vst.idx.msk $0xffff, v30;
	v40 =	vshrl.u32 v62, $0x3;
	v41 =	vshll.u32 v38, v4;
	v63 =	vbroadcast v35, $0x0  }
0xe5: {  	[tilespmem:v34+s15+$0x0] =	vst.idx.msk $0xffff, v39;
	v43 =	vadd.s32 v12, v33;
	v32 =	vshll.u32 v40, v4;
	v42 =	vld [tilespmem:s31+$0x80];
	v35 =	vbroadcast v41, $0x0  }
0xe6: {  	v39 =	vld [tilespmem:s31+$0xFFFFFF80];
	v32 =	vbroadcast v32, $0x0;
	v44 =	vadd.s32 v12, v63;
	[tilespmem:v31+s15+$0x0] =	vst.idx.msk $0xffff, v36  }
0xe7: {  	v46 =	vadd.s32 v12, v35;
	[tilespmem:v29+s15+$0x0] =	vst.idx.msk $0xffff, v37;
	v45 =	vld [tilespmem:s6+$0x80]  }
0xe8: {  	v28 =	vbroadcast v28, $0x0;
	[tilespmem:v26+s15+$0x0] =	vst.idx.msk $0xffff, v24;
	v48 =	vadd.s32 v12, v32;
	v47 =	vld [tilespmem:s6+$0xFFFFFF80]  }
0xe9: {  	v21 =	vadd.s32 v19, v21;
	v24 =	vadd.s32 v14, v20;
	[tilespmem:v23+s15+$0x0] =	vst.idx.msk $0xffff, v22;
	v50 =	vld [tilespmem:s30+$0xFFFFFFF0];
	s30 =	sadd.s32 $0xD, s0;
	s8 =	sadd.s32 $0xE, s29  }
0xea: {  	v53 =	vmov s30;
	v34 =	vadd.s32 v14, v28;
	v49 =	vmov s8;
	s8 =	sadd.s32 $0x6, s29;
	[tilespmem:v43+s15+$0x0] =	vst.idx.msk $0xffff, v42;
	v42 =	vld [tilespmem:s28+$0xFFFFFFA0]  }
0xeb: {  	v33 =	vadd.s32 v13, v33;
	v28 =	vadd.s32 v15, v28;
	v51 =	vmov s8;
	s8 =	sadd.s32 $0x5, s0;
	v52 =	vld [tilespmem:s31+$0x90];
	[tilespmem:v44+s15+$0x0] =	vst.idx.msk $0xffff, v39  }
0xec: {  	v55 =	vmov s8;
	s8 =	sadd.s32 $0xD, s1;
	v32 =	vadd.s32 v13, v32;
	v30 =	vadd.s32 v13, v63;
	v54 =	vld [tilespmem:s31+$0xFFFFFF90];
	[tilespmem:v46+s15+$0x0] =	vst.idx.msk $0xffff, v45  }
0xed: {  	s30 =	sadd.s32 $0x5, s1;
	v60 =	vmov s8;
	v57 =	vadd.s32 v13, v35;
	v39 =	vshrl.u32 v53, $0x3;
	[tilespmem:v48+s15+$0x0] =	vst.idx.msk $0xffff, v47;
	v56 =	vld [tilespmem:s6+$0x90]  }
0xee: {  	[tilespmem:v21+s15+$0x0] =	vst.idx.msk $0xffff, v50;
	v63 =	vmov s30;
	v36 =	vshrl.u32 v55, $0x3;
	v39 =	vshll.u32 v39, v4;
	v59 =	vld [tilespmem:s6+$0xFFFFFF90]  }
0xef: {  	v61 =	vld [tilespmem:s28+$0xA0];
	[tilespmem:v34+s15+$0x0] =	vst.idx.msk $0xffff, v42;
	v35 =	vshrl.u32 v60, $0x3;
	v58 =	vshll.u32 v36, v4;
	v62 =	vbroadcast v39, $0x0  }
0xf0: {  	[tilespmem:v33+s15+$0x0] =	vst.idx.msk $0xffff, v52;
	v43 =	vshrl.u32 v63, $0x3;
	v55 =	vld [tilespmem:s28+$0xFFFFFFB0];
	v22 =	vbroadcast v58, $0x0;
	v44 =	vshll.u32 v35, v4  }
0xf1: {  	v31 =	vshll.u32 v43, v4;
	v33 =	vbroadcast v44, $0x0;
	v45 =	vld [tilespmem:s31+$0xA0];
	v46 =	vadd.s32 v14, v62;
	[tilespmem:v30+s15+$0x0] =	vst.idx.msk $0xffff, v54  }
0xf2: {  	v38 =	vshrl.u32 v51, $0x3;
	v31 =	vbroadcast v31, $0x0;
	v48 =	vadd.s32 v14, v22;
	v47 =	vld [tilespmem:s31+$0xFFFFFFA0];
	[tilespmem:v57+s15+$0x0] =	vst.idx.msk $0xffff, v56  }
0xf3: {  	v26 =	vshrl.u32 v49, $0x3;
	v49 =	vshll.u32 v38, v4;
	v51 =	vadd.s32 v14, v33;
	[tilespmem:v32+s15+$0x0] =	vst.idx.msk $0xffff, v59;
	v50 =	vld [tilespmem:s6+$0xA0]  }
0xf4: {  	[tilespmem:v24+s15+$0x0] =	vst.idx.msk $0xffff, v61;
	v25 =	vbroadcast v49, $0x0;
	s8 =	sadd.s32 $0xF, s29;
	s30 =	sadd.s32 $0x7, s29;
	s29 =	sadd.s32 $0xE, s0;
	v53 =	vadd.s32 v14, v31;
	v52 =	vld [tilespmem:s6+$0xFFFFFFA0]  }
0xf5: {  	v20 =	vadd.s32 v15, v20;
	v26 =	vshll.u32 v26, v4;
	v60 =	vmov s29;
	[tilespmem:v28+s15+$0x0] =	vst.idx.msk $0xffff, v55;
	v54 =	vld [tilespmem:s28+$0xB0]  }
0xf6: {  	v24 =	vbroadcast v26, $0x0;
	v37 =	vshrl.u32 v60, $0x3;
	v39 =	vadd.s32 v16, v25;
	[tilespmem:v46+s15+$0x0] =	vst.idx.msk $0xffff, v45;
	v46 =	vld [tilespmem:s28+$0xFFFFFFC0]  }
0xf7: {  	v40 =	vshll.u32 v37, v4;
	v58 =	vmov s30;
	v21 =	vadd.s32 v15, v62;
	v59 =	vld [tilespmem:s31+$0xB0];
	[tilespmem:v48+s15+$0x0] =	vst.idx.msk $0xffff, v47  }
0xf8: {  	s30 =	sadd.s32 $0x6, s0;
	v27 =	vbroadcast v40, $0x0;
	v31 =	vadd.s32 v15, v31;
	v22 =	vadd.s32 v15, v22;
	v61 =	vld [tilespmem:s31+$0xFFFFFFB0];
	[tilespmem:v51+s15+$0x0] =	vst.idx.msk $0xffff, v50  }
0xf9: {  	s29 =	sadd.s32 $0x6, s1;
	v33 =	vadd.s32 v15, v33;
	v62 =	vmov s30;
	v57 =	vmov s8;
	s8 =	sadd.s32 $0xE, s1;
	[tilespmem:v53+s15+$0x0] =	vst.idx.msk $0xffff, v52;
	v41 =	vld [tilespmem:s6+$0xB0]  }
0xfa: {  	v63 =	vshrl.u32 v62, $0x3;
	v45 =	vmov s29;
	[tilespmem:v20+s15+$0x0] =	vst.idx.msk $0xffff, v54;
	v43 =	vmov s8;
	v42 =	vld [tilespmem:s6+$0xFFFFFFB0]  }
0xfb: {  	v56 =	vadd.s32 v16, v24;
	v20 =	vshll.u32 v63, v4;
	v44 =	vld [tilespmem:s28+$0xC0];
	v34 =	vshrl.u32 v43, $0x3;
	[tilespmem:v39+s15+$0x0] =	vst.idx.msk $0xffff, v46  }
0xfc: {  	v20 =	vbroadcast v20, $0x0;
	v47 =	vshrl.u32 v45, $0x3;
	v34 =	vshll.u32 v34, v4;
	[tilespmem:v21+s15+$0x0] =	vst.idx.msk $0xffff, v59  }
0xfd: {  	v49 =	vadd.s32 v16, v27;
	v35 =	vshll.u32 v47, v4;
	v34 =	vbroadcast v34, $0x0;
	v48 =	vld [tilespmem:s31+$0xC0];
	[tilespmem:v22+s15+$0x0] =	vst.idx.msk $0xffff, v61  }
0xfe: {  	v35 =	vbroadcast v35, $0x0;
	v51 =	vadd.s32 v16, v20;
	v50 =	vld [tilespmem:s31+$0xFFFFFFC0];
	[tilespmem:v33+s15+$0x0] =	vst.idx.msk $0xffff, v41  }
0xff: {  	v30 =	vshrl.u32 v58, $0x3;
	v53 =	vadd.s32 v16, v34;
	[tilespmem:v31+s15+$0x0] =	vst.idx.msk $0xffff, v42;
	v52 =	vld [tilespmem:s6+$0xC0]  }
0x100: {  	v29 =	vshrl.u32 v57, $0x3;
	v54 =	vshll.u32 v30, v4;
	[tilespmem:v56+s15+$0x0] =	vst.idx.msk $0xffff, v44;
	v56 =	vadd.s32 v16, v35;
	v55 =	vld [tilespmem:s6+$0xFFFFFFC0]  }
0x101: {  	v25 =	vadd.s32 v17, v25;
	v29 =	vshll.u32 v29, v4;
	v28 =	vbroadcast v54, $0x0;
	v58 =	vld [tilespmem:s28+$0xFFFFFFD0]  }
0x102: {  	v27 =	vadd.s32 v17, v27;
	s30 =	sadd.s32 $0xF, s0;
	v24 =	vadd.s32 v17, v24;
	s8 =	sadd.s32 $0x7, s0;
	v29 =	vbroadcast v29, $0x0;
	v57 =	vld [tilespmem:s28+$0xD0];
	[tilespmem:v49+s15+$0x0] =	vst.idx.msk $0xffff, v48  }
0x103: {  	v62 =	vmov s30;
	s30 =	sadd.s32 $0x7, s1;
	v60 =	vadd.s32 v18, v28;
	v39 =	vmov s8;
	v61 =	vld [tilespmem:s31+$0xD0];
	[tilespmem:v51+s15+$0x0] =	vst.idx.msk $0xffff, v50  }
0x104: {  	v46 =	vmov s30;
	v59 =	vadd.s32 v18, v29;
	v20 =	vadd.s32 v17, v20;
	v63 =	vld [tilespmem:s31+$0xFFFFFFD0];
	[tilespmem:v53+s15+$0x0] =	vst.idx.msk $0xffff, v52  }
0x105: {  	s29 =	sadd.s32 $0xF, s1;
	v34 =	vadd.s32 v17, v34;
	v43 =	vadd.s32 v17, v35;
	v33 =	vshrl.u32 v62, $0x3;
	[tilespmem:v56+s15+$0x0] =	vst.idx.msk $0xffff, v55;
	v40 =	vld [tilespmem:s6+$0xD0]  }
0x106: {  	v44 =	vmov s29;
	[tilespmem:v25+s15+$0x0] =	vst.idx.msk $0xffff, v58;
	v31 =	vshrl.u32 v39, $0x3;
	v33 =	vshll.u32 v33, v4;
	v42 =	vld [tilespmem:s6+$0xFFFFFFD0]  }
0x107: {  	v35 =	vshrl.u32 v44, $0x3;
	v37 =	vld [tilespmem:s28+$0xFFFFFFE0];
	[tilespmem:v24+s15+$0x0] =	vst.idx.msk $0xffff, v57;
	v41 =	vshll.u32 v31, v4;
	v33 =	vbroadcast v33, $0x0  }
0x108: {  	v47 =	vshrl.u32 v46, $0x3;
	v48 =	vshll.u32 v35, v4;
	v45 =	vld [tilespmem:s28+$0xE0];
	v21 =	vbroadcast v41, $0x0;
	[tilespmem:v27+s15+$0x0] =	vst.idx.msk $0xffff, v61  }
0x109: {  	v32 =	vbroadcast v48, $0x0;
	v49 =	vadd.s32 v18, v33;
	v27 =	vshll.u32 v47, v4;
	[tilespmem:v20+s15+$0x0] =	vst.idx.msk $0xffff, v63;
	v20 =	vld [tilespmem:s31+$0xE0]  }
0x10a: {  	v51 =	vadd.s32 v18, v21;
	v27 =	vbroadcast v27, $0x0;
	v50 =	vld [tilespmem:s31+$0xFFFFFFE0];
	[tilespmem:v34+s15+$0x0] =	vst.idx.msk $0xffff, v40  }
0x10b: {  	v53 =	vadd.s32 v18, v32;
	[tilespmem:v43+s15+$0x0] =	vst.idx.msk $0xffff, v42;
	v52 =	vld [tilespmem:s6+$0xE0]  }
0x10c: {  	[tilespmem:v60+s15+$0x0] =	vst.idx.msk $0xffff, v37;
	v55 =	vadd.s32 v18, v27;
	v54 =	vld [tilespmem:s6+$0xFFFFFFE0]  }
0x10d: {  	v28 =	vadd.s32 v19, v28;
	v57 =	vld [tilespmem:s28+$0xFFFFFFF0];
	[tilespmem:v59+s15+$0x0] =	vst.idx.msk $0xffff, v45  }
0x10e: {  	v29 =	vadd.s32 v19, v29;
	v56 =	vld [tilespmem:s28+$0xF0];
	[tilespmem:v49+s15+$0x0] =	vst.idx.msk $0xffff, v20  }
0x10f: {  	v58 =	vadd.s32 v19, v33;
	[tilespmem:v51+s15+$0x0] =	vst.idx.msk $0xffff, v50;
	v20 =	vld [tilespmem:s31+$0xF0]  }
0x110: {  	v21 =	vadd.s32 v19, v21;
	v59 =	vld [tilespmem:s31+$0xFFFFFFF0];
	[tilespmem:v53+s15+$0x0] =	vst.idx.msk $0xffff, v52  }
0x111: {  	v61 =	vadd.s32 v19, v32;
	[tilespmem:v55+s15+$0x0] =	vst.idx.msk $0xffff, v54;
	v60 =	vld [tilespmem:s6+$0xF0]  }
0x112: {  	v63 =	vadd.s32 v19, v27;
	[tilespmem:v28+s15+$0x0] =	vst.idx.msk $0xffff, v57;
	v62 =	vld [tilespmem:s6+$0xFFFFFFF0]  }
0x113: {  	[tilespmem:v29+s15+$0x0] =	vst.idx.msk $0xffff, v56  }
0x114: {  	s31 =	sshll.u32 s24, $0x11;
	[tilespmem:v58+s15+$0x0] =	vst.idx.msk $0xffff, v20  }
0x115: {  	s0 =	sadd.s32 s4, s31;
	[tilespmem:v21+s15+$0x0] =	vst.idx.msk $0xffff, v59  }
0x116: {  	s7 =	simm.s32 $0x800;
	s6 =	sadd.s32 s5, s0;
	[tilespmem:v61+s15+$0x0] =	vst.idx.msk $0xffff, v60  }
0x117: {  	s28 =	simm.s32 $0xEA08;
	s0 =	simm.s32 $0xE800;
	s1 =	sadd.s32 $0x0, s6;
	[tilespmem:v63+s15+$0x0] =	vst.idx.msk $0xffff, v62  }
.LBB2_9:
0x118: {  	[hbm4b:s1+s2] =	stream.linear.scatter [tilespmem:s0], [sflag:$0x3], $0x200, $0x38;
	[tilespmem:$0x16A00] =	vst v63  }
0x119: {  	s1 =	smov.u32 s7;
	s0 =	smov.u32 s28;
	p1 =	sne.s32 s7, $0xF800  }
.Ltmp3:
0x11a: {  	s7 =	sadd.s32 $0x800, s7;
	(pc) =	sbr.rel @p1 .LBB2_9-.Ltmp3, $2  }
0x11b: {  	_ =	sdelay $0x2  }
0x11c: {  	s28 =	sadd.s32 $0x208, s28;
	s1 =	sadd.s32 s1, s6  }
0x11d: {  	s6 =	simm.s32 $0x0  }
0x11e: {  	s28 =	simm.s32 $0x10;
	v24 =	vor.u32 s6, v0  }
0x11f: {  	s29 =	sadd.s32 $0x2, s26;
	v28 =	vor.u32 s28, v0;
	v21 =	vmul.u32 $0x32, v24  }
0x120: {  	v20 =	vmov s29;
	v22 =	vmul.u32 $0x32, v28  }
0x121: {  	v25 =	vadd.s32 v20, v21  }
0x122: {  	s30 =	simm.s32 $0x20;
	v27 =	vadd.s32 v20, v22  }
0x123: {  	s31 =	simm.s32 $0x30;
	v23 =	vor.u32 s30, v0  }
0x124: {  	v26 =	vmul.u32 $0x32, v23;
	v21 =	vor.u32 s31, v0  }
0x125: {  	[hbm4b:s1+s2] =	stream.linear.scatter [tilespmem:s0], [sflag:$0x3], $0x200, $0x38;
	v29 =	vmul.u32 $0x32, v21;
	[tilespmem:$0x16A00] =	vst v63  }
0x126: {  	v22 =	vld.idx.msk [tilespmem:v25+s2+$0x0], $0xffff;
	v25 =	vadd.s32 v20, v26;
	v26 =	vand.u32 v2, v24  }
0x127: {  	s0 =	simm.s32 $0x40;
	v28 =	vand.u32 v3, v28;
	v24 =	vld.idx.msk [tilespmem:v27+s2+$0x0], $0xffff;
	v27 =	vadd.s32 v20, v29  }
.LBB2_11:
0x128: {  	p1 =	slt.u32 s0, $0x1E0  }
.Ltmp4:
0x129: {  	v29 =	vor.u32 s0, v0;
	s1 =	sadd.s32 $0x10, s0;
	s0 =	sadd.s32 $0x20, s0;
	(pc) =	sbr.rel @p1 .LBB2_11-.Ltmp4, $4  }
0x12a: {  	v30 =	vmul.u32 $0x32, v29;
	v31 =	vor.u32 s1, v0  }
0x12b: {  	v32 =	vmul.u32 $0x32, v31;
	[tilespmem:v26+s9+$0x0] =	vst.idx.msk $0xffff, v22;
	v22 =	vld.idx.msk [tilespmem:v25+s2+$0x0], $0xffff  }
0x12c: {  	v26 =	vand.u32 v2, v23;
	v25 =	vadd.s32 v20, v30;
	[tilespmem:v28+s9+$0x0] =	vst.idx.msk $0xffff, v24;
	v24 =	vld.idx.msk [tilespmem:v27+s2+$0x0], $0xffff  }
0x12d: {  	v23 =	vmovc v29;
	v28 =	vand.u32 v3, v21;
	v21 =	vmov v31;
	v27 =	vadd.s32 v20, v32  }
0x12e: {  	_ =	sdelay $0x3  }
0x12f: {  	v20 =	vld.idx.msk [tilespmem:v25+s2+$0x0], $0xffff;
	v23 =	vand.u32 v2, v23  }
0x130: {  	v25 =	vld.idx.msk [tilespmem:v27+s2+$0x0], $0xffff;
	v21 =	vand.u32 v3, v21;
	_ =	sdelay $0x1  }
0x131: {  	[tilespmem:v26+s9+$0x0] =	vst.idx.msk $0xffff, v22  }
0x132: {  	[tilespmem:v28+s9+$0x0] =	vst.idx.msk $0xffff, v24  }
0x133: {  	[tilespmem:v23+s9+$0x0] =	vst.idx.msk $0xffff, v20  }
0x134: {  	[tilespmem:v21+s9+$0x0] =	vst.idx.msk $0xffff, v25  }
0x135: {  	[tilespmem:s11], [sflag:$0x1] =	stream.indirect.gather [hbm4b:s3+s10], $0x20, s9, s10, $0xb8;
	[tilespmem:$0x16A00] =	vst v63  }
0x136: {  	s0 =	simm.s32 $0x8;
	_ =	swait.ge [sflag:s16], $0x4000  }
0x137: {  	s1 =	simm.s32 $0x0;
	v20 =	vmov s0;
	[sflag:s16] =	ssyncset.done $0x0  }
0x138: {  	s0 =	simm.s32 @!p0 $0x4;
	v21 =	vmov s1;
	v20 =	vshrl.u32 v20, $0x3;
	[sflag:s16] =	ssyncadd.s32 $0xFFFFC000  }
0x139: {  	v21 =	vshrl.u32 v21, $0x3;
	v20 =	vshll.u32 v20, v4;
	_ =	swait.ge @!p0 [sflag:s0], $0x4000  }
0x13a: {  	v21 =	vshll.u32 v21, v4;
	v20 =	vbroadcast v20, $0x0;
	[sflag:s0] =	ssyncset.done @!p0 $0x0  }
0x13b: {  	s29 =	simm.s32 $0xA900;
	v21 =	vbroadcast v21, $0x0;
	[sflag:s0] =	ssyncadd.s32 @!p0 $0xFFFFC000  }
0x13c: {  	v23 =	vadd.s32 v1, v20;
	v22 =	vld [tilespmem:s29+$0x0]  }
0x13d: {  	v25 =	vadd.s32 v1, v21;
	v24 =	vld [tilespmem:s29+$0xFFFFFF00];
	_ =	sdelay $0x3  }
0x13e: {  	[tilespmem:v23+s17+$0x0] =	vst.idx.msk $0xffff, v22  }
0x13f: {  	s7 =	simm.s32 $0x9;
	v20 =	vadd.s32 v5, v20;
	[tilespmem:v25+s17+$0x0] =	vst.idx.msk $0xffff, v24;
	v22 =	vld [tilespmem:s29+$0x10]  }
0x140: {  	s8 =	simm.s32 $0x1;
	v21 =	vadd.s32 v5, v21;
	v24 =	vmov s7;
	v23 =	vld [tilespmem:s29+$0xFFFFFF10]  }
0x141: {  	v25 =	vmov s8;
	v24 =	vshrl.u32 v24, $0x3  }
0x142: {  	v25 =	vshrl.u32 v25, $0x3;
	v24 =	vshll.u32 v24, v4  }
0x143: {  	v25 =	vshll.u32 v25, v4;
	v24 =	vbroadcast v24, $0x0  }
0x144: {  	v25 =	vbroadcast v25, $0x0;
	[tilespmem:v20+s17+$0x0] =	vst.idx.msk $0xffff, v22  }
0x145: {  	[tilespmem:v21+s17+$0x0] =	vst.idx.msk $0xffff, v23;
	v21 =	vadd.s32 v6, v24;
	v20 =	vld [tilespmem:s29+$0x20]  }
0x146: {  	v23 =	vadd.s32 v6, v25;
	v22 =	vld [tilespmem:s29+$0xFFFFFF20];
	_ =	sdelay $0x3  }
0x147: {  	[tilespmem:v21+s17+$0x0] =	vst.idx.msk $0xffff, v20  }
0x148: {  	s26 =	simm.s32 $0xA;
	[tilespmem:v23+s17+$0x0] =	vst.idx.msk $0xffff, v22;
	v21 =	vadd.s32 v7, v24;
	v20 =	vld [tilespmem:s29+$0x30]  }
0x149: {  	s31 =	simm.s32 $0x2;
	v23 =	vadd.s32 v7, v25;
	v24 =	vmov s26;
	v22 =	vld [tilespmem:s29+$0xFFFFFF30]  }
0x14a: {  	v25 =	vmov s31;
	v24 =	vshrl.u32 v24, $0x3  }
0x14b: {  	v25 =	vshrl.u32 v25, $0x3;
	v24 =	vshll.u32 v24, v4  }
0x14c: {  	v25 =	vshll.u32 v25, v4;
	v24 =	vbroadcast v24, $0x0  }
0x14d: {  	v25 =	vbroadcast v25, $0x0;
	[tilespmem:v21+s17+$0x0] =	vst.idx.msk $0xffff, v20  }
0x14e: {  	[tilespmem:v23+s17+$0x0] =	vst.idx.msk $0xffff, v22;
	v21 =	vadd.s32 v8, v24;
	v20 =	vld [tilespmem:s29+$0x40]  }
0x14f: {  	v23 =	vadd.s32 v8, v25;
	v22 =	vld [tilespmem:s29+$0xFFFFFF40]  }
0x150: {  	s1 =	simm.s32 $0x18  }
0x151: {  	s28 =	simm.s32 $0x10;
	v26 =	vmov s1  }
0x152: {  	v27 =	vmov s28;
	v26 =	vshrl.u32 v26, $0x3  }
0x153: {  	v27 =	vshrl.u32 v27, $0x3;
	v26 =	vshll.u32 v26, v4;
	[tilespmem:v21+s17+$0x0] =	vst.idx.msk $0xffff, v20  }
0x154: {  	s6 =	simm.s32 $0xB;
	v20 =	vshll.u32 v27, v4;
	v21 =	vbroadcast v26, $0x0;
	[tilespmem:v23+s17+$0x0] =	vst.idx.msk $0xffff, v22;
	v23 =	vadd.s32 v9, v24;
	v22 =	vld [tilespmem:s29+$0x50]  }
0x155: {  	s7 =	simm.s32 $0x3;
	s26 =	simm.s32 $0xAB00;
	v25 =	vadd.s32 v9, v25;
	v26 =	vmov s6;
	v20 =	vbroadcast v20, $0x0;
	v24 =	vld [tilespmem:s29+$0xFFFFFF50]  }
0x156: {  	v29 =	vmov s7;
	v27 =	vld [tilespmem:s26+$0x0];
	v26 =	vshrl.u32 v26, $0x3;
	v28 =	vadd.s32 v1, v21  }
0x157: {  	v29 =	vshrl.u32 v29, $0x3;
	v30 =	vld [tilespmem:s26+$0xFFFFFF00];
	v26 =	vshll.u32 v26, v4;
	v31 =	vadd.s32 v1, v20  }
0x158: {  	v29 =	vshll.u32 v29, v4;
	v26 =	vbroadcast v26, $0x0  }
0x159: {  	v29 =	vbroadcast v29, $0x0;
	[tilespmem:v23+s17+$0x0] =	vst.idx.msk $0xffff, v22  }
0x15a: {  	[tilespmem:v25+s17+$0x0] =	vst.idx.msk $0xffff, v24;
	v23 =	vadd.s32 v10, v26;
	v22 =	vld [tilespmem:s29+$0x60]  }
0x15b: {  	v25 =	vadd.s32 v10, v29;
	[tilespmem:v28+s17+$0x0] =	vst.idx.msk $0xffff, v27;
	v24 =	vld [tilespmem:s29+$0xFFFFFF60]  }
0x15c: {  	s8 =	simm.s32 $0x19;
	v21 =	vadd.s32 v5, v21;
	[tilespmem:v31+s17+$0x0] =	vst.idx.msk $0xffff, v30;
	v27 =	vld [tilespmem:s26+$0x10]  }
0x15d: {  	s31 =	simm.s32 $0x11;
	v20 =	vadd.s32 v5, v20;
	v30 =	vmov s8;
	v28 =	vld [tilespmem:s26+$0xFFFFFF10]  }
0x15e: {  	v31 =	vmov s31;
	v30 =	vshrl.u32 v30, $0x3  }
0x15f: {  	v31 =	vshrl.u32 v31, $0x3;
	v30 =	vshll.u32 v30, v4;
	[tilespmem:v23+s17+$0x0] =	vst.idx.msk $0xffff, v22  }
0x160: {  	s6 =	simm.s32 $0xC;
	v22 =	vshll.u32 v31, v4;
	v23 =	vbroadcast v30, $0x0;
	[tilespmem:v25+s17+$0x0] =	vst.idx.msk $0xffff, v24;
	v25 =	vadd.s32 v11, v26;
	v24 =	vld [tilespmem:s29+$0x70]  }
0x161: {  	s7 =	simm.s32 $0x4;
	v26 =	vadd.s32 v11, v29;
	v22 =	vbroadcast v22, $0x0;
	[tilespmem:v21+s17+$0x0] =	vst.idx.msk $0xffff, v27;
	v21 =	vld [tilespmem:s29+$0xFFFFFF70];
	v27 =	vmov s6  }
0x162: {  	v29 =	vmov s7;
	[tilespmem:v20+s17+$0x0] =	vst.idx.msk $0xffff, v28;
	v20 =	vld [tilespmem:s26+$0x20];
	v28 =	vadd.s32 v6, v23;
	v27 =	vshrl.u32 v27, $0x3  }
0x163: {  	v29 =	vshrl.u32 v29, $0x3;
	v30 =	vld [tilespmem:s26+$0xFFFFFF20];
	v31 =	vadd.s32 v6, v22;
	v27 =	vshll.u32 v27, v4  }
0x164: {  	v29 =	vshll.u32 v29, v4;
	v27 =	vbroadcast v27, $0x0  }
0x165: {  	v29 =	vbroadcast v29, $0x0;
	[tilespmem:v25+s17+$0x0] =	vst.idx.msk $0xffff, v24  }
0x166: {  	[tilespmem:v26+s17+$0x0] =	vst.idx.msk $0xffff, v21;
	v24 =	vadd.s32 v12, v27;
	v21 =	vld [tilespmem:s29+$0x80]  }
0x167: {  	v25 =	vadd.s32 v12, v29;
	[tilespmem:v28+s17+$0x0] =	vst.idx.msk $0xffff, v20;
	v20 =	vld [tilespmem:s29+$0xFFFFFF80]  }
0x168: {  	s8 =	simm.s32 $0x1A;
	v23 =	vadd.s32 v7, v23;
	[tilespmem:v31+s17+$0x0] =	vst.idx.msk $0xffff, v30;
	v26 =	vld [tilespmem:s26+$0x30]  }
0x169: {  	s31 =	simm.s32 $0x12;
	v22 =	vadd.s32 v7, v22;
	v30 =	vmov s8;
	v28 =	vld [tilespmem:s26+$0xFFFFFF30]  }
0x16a: {  	v31 =	vmov s31;
	v30 =	vshrl.u32 v30, $0x3  }
0x16b: {  	v31 =	vshrl.u32 v31, $0x3;
	v30 =	vshll.u32 v30, v4;
	[tilespmem:v24+s17+$0x0] =	vst.idx.msk $0xffff, v21  }
0x16c: {  	s6 =	simm.s32 $0xD;
	v21 =	vshll.u32 v31, v4;
	v24 =	vbroadcast v30, $0x0;
	[tilespmem:v25+s17+$0x0] =	vst.idx.msk $0xffff, v20;
	v25 =	vadd.s32 v13, v27;
	v20 =	vld [tilespmem:s29+$0x90]  }
0x16d: {  	s7 =	simm.s32 $0x5;
	v27 =	vmov s6;
	v21 =	vbroadcast v21, $0x0;
	[tilespmem:v23+s17+$0x0] =	vst.idx.msk $0xffff, v26;
	v23 =	vld [tilespmem:s29+$0xFFFFFF90];
	v26 =	vadd.s32 v13, v29  }
0x16e: {  	v29 =	vmov s7;
	v27 =	vshrl.u32 v27, $0x3;
	[tilespmem:v22+s17+$0x0] =	vst.idx.msk $0xffff, v28;
	v22 =	vld [tilespmem:s26+$0x40];
	v28 =	vadd.s32 v8, v24  }
0x16f: {  	v29 =	vshrl.u32 v29, $0x3;
	v27 =	vshll.u32 v27, v4;
	v30 =	vld [tilespmem:s26+$0xFFFFFF40];
	v31 =	vadd.s32 v8, v21  }
0x170: {  	s8 =	simm.s32 $0x28;
	v29 =	vshll.u32 v29, v4;
	v27 =	vbroadcast v27, $0x0  }
0x171: {  	s0 =	simm.s32 $0x20;
	v32 =	vmov s8;
	v29 =	vbroadcast v29, $0x0;
	[tilespmem:v25+s17+$0x0] =	vst.idx.msk $0xffff, v20  }
0x172: {  	v20 =	vmov s0;
	v25 =	vshrl.u32 v32, $0x3;
	[tilespmem:v26+s17+$0x0] =	vst.idx.msk $0xffff, v23;
	v26 =	vadd.s32 v14, v27;
	v23 =	vld [tilespmem:s29+$0xA0]  }
0x173: {  	v20 =	vshrl.u32 v20, $0x3;
	v25 =	vshll.u32 v25, v4;
	[tilespmem:v28+s17+$0x0] =	vst.idx.msk $0xffff, v22;
	v22 =	vld [tilespmem:s29+$0xFFFFFFA0];
	v28 =	vadd.s32 v14, v29  }
0x174: {  	s31 =	simm.s32 $0x1B;
	v24 =	vadd.s32 v9, v24;
	v20 =	vshll.u32 v20, v4;
	v25 =	vbroadcast v25, $0x0;
	[tilespmem:v31+s17+$0x0] =	vst.idx.msk $0xffff, v30;
	v30 =	vld [tilespmem:s26+$0x50]  }
0x175: {  	s30 =	simm.s32 $0xAD00;
	v47 =	vmov s31;
	s6 =	simm.s32 $0x13;
	v21 =	vadd.s32 v9, v21;
	v20 =	vbroadcast v20, $0x0;
	v31 =	vld [tilespmem:s26+$0xFFFFFF50]  }
0x176: {  	v33 =	vld [tilespmem:s30+$0x0];
	v35 =	vmov s6;
	v32 =	vshrl.u32 v47, $0x3;
	v34 =	vadd.s32 v1, v25  }
0x177: {  	v36 =	vld [tilespmem:s30+$0xFFFFFF00];
	v35 =	vshrl.u32 v35, $0x3;
	v32 =	vshll.u32 v32, v4;
	v37 =	vadd.s32 v1, v20;
	[tilespmem:v26+s17+$0x0] =	vst.idx.msk $0xffff, v23  }
0x178: {  	s6 =	simm.s32 $0xE;
	v27 =	vadd.s32 v15, v27;
	v23 =	vshll.u32 v35, v4;
	v26 =	vbroadcast v32, $0x0;
	[tilespmem:v28+s17+$0x0] =	vst.idx.msk $0xffff, v22;
	v22 =	vld [tilespmem:s29+$0xB0]  }
0x179: {  	s7 =	simm.s32 $0x6;
	v28 =	vadd.s32 v15, v29;
	v29 =	vmov s6;
	v23 =	vbroadcast v23, $0x0;
	[tilespmem:v24+s17+$0x0] =	vst.idx.msk $0xffff, v30;
	v24 =	vld [tilespmem:s29+$0xFFFFFFB0]  }
0x17a: {  	v29 =	vshrl.u32 v29, $0x3;
	[tilespmem:v21+s17+$0x0] =	vst.idx.msk $0xffff, v31;
	v21 =	vld [tilespmem:s26+$0x60];
	v30 =	vadd.s32 v10, v26;
	v31 =	vmov s7  }
0x17b: {  	v29 =	vshll.u32 v29, v4;
	[tilespmem:v34+s17+$0x0] =	vst.idx.msk $0xffff, v33;
	v48 =	vld [tilespmem:s26+$0xFFFFFF60];
	v49 =	vadd.s32 v10, v23;
	v31 =	vshrl.u32 v31, $0x3  }
0x17c: {  	s8 =	simm.s32 $0x29;
	v25 =	vadd.s32 v5, v25;
	v29 =	vbroadcast v29, $0x0;
	[tilespmem:v37+s17+$0x0] =	vst.idx.msk $0xffff, v36;
	v34 =	vld [tilespmem:s30+$0x10];
	v31 =	vshll.u32 v31, v4  }
0x17d: {  	s31 =	simm.s32 $0x21;
	v51 =	vmov s8;
	v20 =	vadd.s32 v5, v20;
	v50 =	vld [tilespmem:s30+$0xFFFFFF10];
	v31 =	vbroadcast v31, $0x0;
	[tilespmem:v27+s17+$0x0] =	vst.idx.msk $0xffff, v22  }
0x17e: {  	v22 =	vmov s31;
	v27 =	vshrl.u32 v51, $0x3;
	[tilespmem:v28+s17+$0x0] =	vst.idx.msk $0xffff, v24;
	v28 =	vadd.s32 v16, v29;
	v24 =	vld [tilespmem:s29+$0xC0]  }
0x17f: {  	v22 =	vshrl.u32 v22, $0x3;
	v27 =	vshll.u32 v27, v4;
	[tilespmem:v30+s17+$0x0] =	vst.idx.msk $0xffff, v21;
	v21 =	vld [tilespmem:s29+$0xFFFFFFC0];
	v30 =	vadd.s32 v16, v31  }
0x180: {  	s6 =	simm.s32 $0x1C;
	v26 =	vadd.s32 v11, v26;
	v22 =	vshll.u32 v22, v4;
	v27 =	vbroadcast v27, $0x0;
	[tilespmem:v49+s17+$0x0] =	vst.idx.msk $0xffff, v48;
	v52 =	vld [tilespmem:s26+$0x70]  }
0x181: {  	v53 =	vmov s6;
	s7 =	simm.s32 $0x14;
	v23 =	vadd.s32 v11, v23;
	v22 =	vbroadcast v22, $0x0;
	[tilespmem:v25+s17+$0x0] =	vst.idx.msk $0xffff, v34;
	v25 =	vld [tilespmem:s26+$0xFFFFFF70]  }
0x182: {  	v55 =	vmov s7;
	v33 =	vshrl.u32 v53, $0x3;
	[tilespmem:v20+s17+$0x0] =	vst.idx.msk $0xffff, v50;
	v20 =	vld [tilespmem:s30+$0x20];
	v54 =	vadd.s32 v6, v27  }
0x183: {  	v35 =	vshrl.u32 v55, $0x3;
	v33 =	vshll.u32 v33, v4;
	v56 =	vld [tilespmem:s30+$0xFFFFFF20];
	v57 =	vadd.s32 v6, v22;
	[tilespmem:v28+s17+$0x0] =	vst.idx.msk $0xffff, v24  }
0x184: {  	s8 =	simm.s32 $0xF;
	v29 =	vadd.s32 v17, v29;
	v24 =	vshll.u32 v35, v4;
	v28 =	vbroadcast v33, $0x0;
	[tilespmem:v30+s17+$0x0] =	vst.idx.msk $0xffff, v21;
	v30 =	vld [tilespmem:s29+$0xD0]  }
0x185: {  	s31 =	simm.s32 $0x7;
	v21 =	vmov s8;
	v58 =	vbroadcast v24, $0x0;
	[tilespmem:v26+s17+$0x0] =	vst.idx.msk $0xffff, v52;
	v24 =	vld [tilespmem:s29+$0xFFFFFFD0];
	v26 =	vadd.s32 v17, v31  }
0x186: {  	v31 =	vmov s31;
	v21 =	vshrl.u32 v21, $0x3;
	[tilespmem:v23+s17+$0x0] =	vst.idx.msk $0xffff, v25;
	v23 =	vld [tilespmem:s26+$0x80];
	v25 =	vadd.s32 v12, v28  }
0x187: {  	v31 =	vshrl.u32 v31, $0x3;
	v21 =	vshll.u32 v21, v4;
	[tilespmem:v54+s17+$0x0] =	vst.idx.msk $0xffff, v20;
	v20 =	vld [tilespmem:s26+$0xFFFFFF80];
	v59 =	vadd.s32 v12, v58  }
0x188: {  	s6 =	simm.s32 $0x2A;
	v60 =	vadd.s32 v7, v27;
	v27 =	vshll.u32 v31, v4;
	v61 =	vbroadcast v21, $0x0;
	[tilespmem:v57+s17+$0x0] =	vst.idx.msk $0xffff, v56;
	v34 =	vld [tilespmem:s30+$0x30]  }
0x189: {  	v62 =	vmov s6;
	s7 =	simm.s32 $0x22;
	v22 =	vadd.s32 v7, v22;
	v21 =	vbroadcast v27, $0x0;
	v31 =	vld [tilespmem:s30+$0xFFFFFF30];
	[tilespmem:v29+s17+$0x0] =	vst.idx.msk $0xffff, v30  }
0x18a: {  	v27 =	vmov s7;
	v38 =	vadd.s32 v18, v61;
	v29 =	vshrl.u32 v62, $0x3;
	[tilespmem:v26+s17+$0x0] =	vst.idx.msk $0xffff, v24;
	v63 =	vld [tilespmem:s29+$0xE0]  }
0x18b: {  	v24 =	vshrl.u32 v27, $0x3;
	v39 =	vadd.s32 v18, v21;
	v26 =	vshll.u32 v29, v4;
	[tilespmem:v25+s17+$0x0] =	vst.idx.msk $0xffff, v23;
	v23 =	vld [tilespmem:s29+$0xFFFFFFE0]  }
0x18c: {  	s8 =	simm.s32 $0x1D;
	v27 =	vadd.s32 v13, v28;
	v24 =	vshll.u32 v24, v4;
	v29 =	vbroadcast v26, $0x0;
	[tilespmem:v59+s17+$0x0] =	vst.idx.msk $0xffff, v20;
	v25 =	vld [tilespmem:s26+$0x90]  }
0x18d: {  	s31 =	simm.s32 $0x15;
	v30 =	vbroadcast v24, $0x0;
	v26 =	vadd.s32 v13, v58;
	v20 =	vmov s8;
	[tilespmem:v60+s17+$0x0] =	vst.idx.msk $0xffff, v34;
	v24 =	vld [tilespmem:s26+$0xFFFFFF90]  }
0x18e: {  	v20 =	vshrl.u32 v20, $0x3;
	[tilespmem:v22+s17+$0x0] =	vst.idx.msk $0xffff, v31;
	v31 =	vld [tilespmem:s30+$0x40];
	v33 =	vadd.s32 v8, v29;
	v22 =	vmov s31  }
0x18f: {  	v34 =	vadd.s32 v8, v30;
	v20 =	vshll.u32 v20, v4;
	v32 =	vld [tilespmem:s30+$0xFFFFFF40];
	v22 =	vshrl.u32 v22, $0x3;
	[tilespmem:v38+s17+$0x0] =	vst.idx.msk $0xffff, v63  }
0x190: {  	s1 =	simm.s32 $0x30;
	s6 =	simm.s32 $0x40;
	s7 =	simm.s32 $0x38;
	v20 =	vbroadcast v20, $0x0;
	v28 =	vshll.u32 v22, v4;
	[tilespmem:v39+s17+$0x0] =	vst.idx.msk $0xffff, v23;
	v23 =	vadd.s32 v19, v61;
	v22 =	vld [tilespmem:s29+$0xF0]  }
.LBB2_13:
0x191: {  	p0 =	slt.u32 s6, $0x1F0;
	v35 =	vmov s7;
	v28 =	vbroadcast v28, $0x0;
	[tilespmem:v27+s17+$0x0] =	vst.idx.msk $0xffff, v25;
	v25 =	vld [tilespmem:s29+$0xFFFFFFF0];
	v21 =	vadd.s32 v19, v21;
	s29 =	smov.u32 s26;
	s26 =	smov.u32 s30  }
0x192: {  	v27 =	vmov s1;
	v35 =	vshrl.u32 v35, $0x3;
	[tilespmem:v26+s17+$0x0] =	vst.idx.msk $0xffff, v24;
	v24 =	vld [tilespmem:s29+$0xA0];
	v26 =	vadd.s32 v14, v20  }
0x193: {  	v27 =	vshrl.u32 v27, $0x3;
	v35 =	vshll.u32 v35, v4;
	[tilespmem:v33+s17+$0x0] =	vst.idx.msk $0xffff, v31;
	v31 =	vld [tilespmem:s29+$0xFFFFFFA0];
	v33 =	vadd.s32 v14, v28  }
0x194: {  	v29 =	vadd.s32 v9, v29;
	s7 =	sadd.s32 $0xB, s0;
	v27 =	vshll.u32 v27, v4;
	v35 =	vbroadcast v35, $0x0;
	[tilespmem:v34+s17+$0x0] =	vst.idx.msk $0xffff, v32;
	v32 =	vld [tilespmem:s30+$0x50]  }
0x195: {  	v30 =	vadd.s32 v9, v30;
	s8 =	sadd.s32 $0x3, s0;
	v36 =	vmov s7;
	v27 =	vbroadcast v27, $0x0;
	s30 =	sadd.s32 $0x200, s30;
	v34 =	vld [tilespmem:s26+$0xFFFFFF50];
	[tilespmem:v23+s17+$0x0] =	vst.idx.msk $0xffff, v22  }
0x196: {  	v37 =	vmov s8;
	v36 =	vshrl.u32 v36, $0x3;
	v22 =	vld [tilespmem:s30+$0x0];
	v23 =	vadd.s32 v1, v35;
	[tilespmem:v21+s17+$0x0] =	vst.idx.msk $0xffff, v25  }
0x197: {  	v37 =	vshrl.u32 v37, $0x3;
	v36 =	vshll.u32 v36, v4;
	v25 =	vadd.s32 v1, v27;
	v21 =	vld [tilespmem:s30+$0xFFFFFF00];
	[tilespmem:v26+s17+$0x0] =	vst.idx.msk $0xffff, v24  }
0x198: {  	v20 =	vadd.s32 v15, v20;
	s7 =	sadd.s32 $0xE, s28;
	v24 =	vshll.u32 v37, v4;
	v26 =	vbroadcast v36, $0x0;
	[tilespmem:v33+s17+$0x0] =	vst.idx.msk $0xffff, v31;
	v31 =	vld [tilespmem:s29+$0xB0]  }
0x199: {  	s8 =	sadd.s32 $0x6, s28;
	v28 =	vadd.s32 v15, v28;
	v24 =	vbroadcast v24, $0x0;
	[tilespmem:v29+s17+$0x0] =	vst.idx.msk $0xffff, v32;
	v29 =	vld [tilespmem:s29+$0xFFFFFFB0];
	v32 =	vmov s7  }
0x19a: {  	v33 =	vadd.s32 v10, v26;
	[tilespmem:v30+s17+$0x0] =	vst.idx.msk $0xffff, v34;
	v30 =	vld [tilespmem:s26+$0x60];
	v34 =	vmov s8;
	v32 =	vshrl.u32 v32, $0x3  }
0x19b: {  	[tilespmem:v23+s17+$0x0] =	vst.idx.msk $0xffff, v22;
	v22 =	vld [tilespmem:s26+$0xFFFFFF60];
	v23 =	vadd.s32 v10, v24;
	v34 =	vshrl.u32 v34, $0x3;
	v32 =	vshll.u32 v32, v4  }
0x19c: {  	s7 =	sadd.s32 $0x9, s1;
	[tilespmem:v25+s17+$0x0] =	vst.idx.msk $0xffff, v21;
	v21 =	vld [tilespmem:s30+$0x10];
	v25 =	vadd.s32 v5, v35;
	v34 =	vshll.u32 v34, v4;
	v32 =	vbroadcast v32, $0x0  }
0x19d: {  	v27 =	vadd.s32 v5, v27;
	s8 =	sadd.s32 $0x1, s1;
	v36 =	vmov s7;
	v35 =	vld [tilespmem:s30+$0xFFFFFF10];
	v34 =	vbroadcast v34, $0x0;
	[tilespmem:v20+s17+$0x0] =	vst.idx.msk $0xffff, v31  }
0x19e: {  	v20 =	vmov s8;
	v31 =	vshrl.u32 v36, $0x3;
	[tilespmem:v28+s17+$0x0] =	vst.idx.msk $0xffff, v29;
	v28 =	vld [tilespmem:s29+$0xC0];
	v29 =	vadd.s32 v16, v32  }
0x19f: {  	v20 =	vshrl.u32 v20, $0x3;
	v31 =	vshll.u32 v31, v4;
	[tilespmem:v33+s17+$0x0] =	vst.idx.msk $0xffff, v30;
	v30 =	vld [tilespmem:s29+$0xFFFFFFC0];
	v33 =	vadd.s32 v16, v34  }
0x1a0: {  	s7 =	sadd.s32 $0xC, s0;
	v20 =	vshll.u32 v20, v4;
	v31 =	vbroadcast v31, $0x0;
	[tilespmem:v23+s17+$0x0] =	vst.idx.msk $0xffff, v22;
	v22 =	vld [tilespmem:s26+$0x70];
	v23 =	vadd.s32 v11, v26  }
0x1a1: {  	v24 =	vadd.s32 v11, v24;
	s8 =	sadd.s32 $0x4, s0;
	v20 =	vbroadcast v20, $0x0;
	[tilespmem:v25+s17+$0x0] =	vst.idx.msk $0xffff, v21;
	v21 =	vld [tilespmem:s26+$0xFFFFFF70];
	v25 =	vmov s7  }
0x1a2: {  	[tilespmem:v27+s17+$0x0] =	vst.idx.msk $0xffff, v35;
	v26 =	vld [tilespmem:s30+$0x20];
	v27 =	vadd.s32 v6, v31;
	v35 =	vmov s8;
	v25 =	vshrl.u32 v25, $0x3  }
0x1a3: {  	v37 =	vadd.s32 v6, v20;
	v36 =	vld [tilespmem:s30+$0xFFFFFF20];
	v35 =	vshrl.u32 v35, $0x3;
	v25 =	vshll.u32 v25, v4;
	[tilespmem:v29+s17+$0x0] =	vst.idx.msk $0xffff, v28  }
0x1a4: {  	s7 =	sadd.s32 $0xF, s28;
	v29 =	vadd.s32 v17, v32;
	v28 =	vshll.u32 v35, v4;
	v35 =	vbroadcast v25, $0x0;
	[tilespmem:v33+s17+$0x0] =	vst.idx.msk $0xffff, v30;
	v25 =	vld [tilespmem:s29+$0xD0]  }
0x1a5: {  	s8 =	sadd.s32 $0x7, s28;
	s28 =	smov.u32 s0;
	s0 =	smov.u32 s1;
	v30 =	vmov s7;
	v28 =	vbroadcast v28, $0x0;
	[tilespmem:v23+s17+$0x0] =	vst.idx.msk $0xffff, v22;
	v22 =	vld [tilespmem:s29+$0xFFFFFFD0];
	v23 =	vadd.s32 v17, v34  }
0x1a6: {  	s1 =	smov.u32 s6;
	v30 =	vshrl.u32 v30, $0x3;
	[tilespmem:v24+s17+$0x0] =	vst.idx.msk $0xffff, v21;
	v24 =	vld [tilespmem:s26+$0x80];
	v32 =	vadd.s32 v12, v35;
	v21 =	vmov s8  }
0x1a7: {  	v30 =	vshll.u32 v30, v4;
	[tilespmem:v27+s17+$0x0] =	vst.idx.msk $0xffff, v26;
	v26 =	vld [tilespmem:s26+$0xFFFFFF80];
	v27 =	vadd.s32 v12, v28;
	v21 =	vshrl.u32 v21, $0x3  }
0x1a8: {  	v31 =	vadd.s32 v7, v31;
	s7 =	sadd.s32 $0xA, s0;
	[tilespmem:v37+s17+$0x0] =	vst.idx.msk $0xffff, v36;
	v33 =	vld [tilespmem:s30+$0x30];
	v21 =	vshll.u32 v21, v4;
	v36 =	vbroadcast v30, $0x0  }
0x1a9: {  	v20 =	vadd.s32 v7, v20;
	s8 =	sadd.s32 $0x2, s0;
	v30 =	vmov s7;
	v34 =	vld [tilespmem:s30+$0xFFFFFF30];
	v21 =	vbroadcast v21, $0x0;
	[tilespmem:v29+s17+$0x0] =	vst.idx.msk $0xffff, v25  }
0x1aa: {  	v25 =	vmov s8;
	v29 =	vshrl.u32 v30, $0x3;
	[tilespmem:v23+s17+$0x0] =	vst.idx.msk $0xffff, v22;
	v22 =	vld [tilespmem:s29+$0xE0];
	v23 =	vadd.s32 v18, v36  }
0x1ab: {  	v25 =	vshrl.u32 v25, $0x3;
	v29 =	vshll.u32 v29, v4;
	[tilespmem:v32+s17+$0x0] =	vst.idx.msk $0xffff, v24;
	v37 =	vld [tilespmem:s29+$0xFFFFFFE0];
	v38 =	vadd.s32 v18, v21  }
.Ltmp5:
0x1ac: {  	s7 =	sadd.s32 $0xD, s28;
	v24 =	vshll.u32 v25, v4;
	v29 =	vbroadcast v29, $0x0;
	[tilespmem:v27+s17+$0x0] =	vst.idx.msk $0xffff, v26;
	v25 =	vld [tilespmem:s26+$0x90];
	v27 =	vadd.s32 v13, v35;
	(pc) =	sbr.rel @p0 .LBB2_13-.Ltmp5, $4  }
0x1ad: {  	s8 =	sadd.s32 $0x5, s28;
	v30 =	vbroadcast v24, $0x0;
	v26 =	vadd.s32 v13, v28;
	v28 =	vmov s7;
	[tilespmem:v31+s17+$0x0] =	vst.idx.msk $0xffff, v33;
	v24 =	vld [tilespmem:s26+$0xFFFFFF90]  }
0x1ae: {  	v33 =	vadd.s32 v8, v29;
	v28 =	vshrl.u32 v28, $0x3;
	[tilespmem:v20+s17+$0x0] =	vst.idx.msk $0xffff, v34;
	v31 =	vld [tilespmem:s30+$0x40];
	v20 =	vmov s8  }
0x1af: {  	v34 =	vadd.s32 v8, v30;
	v35 =	vshll.u32 v28, v4;
	v32 =	vld [tilespmem:s30+$0xFFFFFF40];
	v20 =	vshrl.u32 v20, $0x3;
	[tilespmem:v23+s17+$0x0] =	vst.idx.msk $0xffff, v22  }
0x1b0: {  	s6 =	sadd.s32 $0x10, s6;
	s7 =	sadd.s32 $0x8, s1;
	v23 =	vadd.s32 v19, v36;
	v28 =	vshll.u32 v20, v4;
	v20 =	vbroadcast v35, $0x0;
	[tilespmem:v38+s17+$0x0] =	vst.idx.msk $0xffff, v37;
	v22 =	vld [tilespmem:s29+$0xF0]  }
0x1b1: {  	v35 =	vmov s7  }
0x1b2: {  	v36 =	vmov s1;
	v35 =	vshrl.u32 v35, $0x3  }
0x1b3: {  	v36 =	vshrl.u32 v36, $0x3;
	v35 =	vshll.u32 v35, v4  }
0x1b4: {  	v36 =	vshll.u32 v36, v4;
	v35 =	vbroadcast v35, $0x0  }
0x1b5: {  	s6 =	sadd.s32 $0x200, s30;
	v36 =	vbroadcast v36, $0x0  }
0x1b6: {  	v37 =	vld [tilespmem:s6+$0x0];
	v38 =	vadd.s32 v1, v35  }
0x1b7: {  	v39 =	vld [tilespmem:s6+$0xFFFFFF00];
	v40 =	vadd.s32 v1, v36;
	_ =	sdelay $0x3  }
0x1b8: {  	[tilespmem:v38+s17+$0x0] =	vst.idx.msk $0xffff, v37  }
0x1b9: {  	s31 =	sadd.s32 $0x9, s1;
	v35 =	vadd.s32 v5, v35;
	[tilespmem:v40+s17+$0x0] =	vst.idx.msk $0xffff, v39;
	v37 =	vld [tilespmem:s6+$0x10]  }
0x1ba: {  	s8 =	sadd.s32 $0x1, s1;
	v55 =	vmov s31;
	v36 =	vadd.s32 v5, v36;
	v54 =	vld [tilespmem:s6+$0xFFFFFF10]  }
0x1bb: {  	v56 =	vmov s8;
	v39 =	vshrl.u32 v55, $0x3  }
0x1bc: {  	v40 =	vshrl.u32 v56, $0x3;
	v39 =	vshll.u32 v39, v4  }
0x1bd: {  	v40 =	vshll.u32 v40, v4;
	v39 =	vbroadcast v39, $0x0  }
0x1be: {  	v40 =	vbroadcast v40, $0x0;
	[tilespmem:v35+s17+$0x0] =	vst.idx.msk $0xffff, v37  }
0x1bf: {  	v57 =	vadd.s32 v6, v39;
	[tilespmem:v36+s17+$0x0] =	vst.idx.msk $0xffff, v54;
	v35 =	vld [tilespmem:s6+$0x20]  }
0x1c0: {  	v59 =	vadd.s32 v6, v40;
	v58 =	vld [tilespmem:s6+$0xFFFFFF20];
	_ =	sdelay $0x3  }
0x1c1: {  	[tilespmem:v57+s17+$0x0] =	vst.idx.msk $0xffff, v35  }
0x1c2: {  	s31 =	sadd.s32 $0xA, s1;
	v60 =	vadd.s32 v7, v39;
	[tilespmem:v59+s17+$0x0] =	vst.idx.msk $0xffff, v58;
	v35 =	vld [tilespmem:s6+$0x30]  }
0x1c3: {  	s8 =	sadd.s32 $0x2, s1;
	v62 =	vmov s31;
	v61 =	vadd.s32 v7, v40;
	v37 =	vld [tilespmem:s6+$0xFFFFFF30]  }
0x1c4: {  	v63 =	vmov s8;
	v39 =	vshrl.u32 v62, $0x3  }
0x1c5: {  	v40 =	vshrl.u32 v63, $0x3;
	v39 =	vshll.u32 v39, v4  }
0x1c6: {  	v40 =	vshll.u32 v40, v4;
	v39 =	vbroadcast v39, $0x0  }
0x1c7: {  	v40 =	vbroadcast v40, $0x0;
	[tilespmem:v60+s17+$0x0] =	vst.idx.msk $0xffff, v35  }
0x1c8: {  	v41 =	vadd.s32 v8, v39;
	[tilespmem:v61+s17+$0x0] =	vst.idx.msk $0xffff, v37;
	v35 =	vld [tilespmem:s6+$0x40]  }
0x1c9: {  	v42 =	vadd.s32 v8, v40;
	v37 =	vld [tilespmem:s6+$0xFFFFFF40];
	_ =	sdelay $0x1  }
0x1ca: {  	[tilespmem:v33+s17+$0x0] =	vst.idx.msk $0xffff, v31;
	s31 =	sadd.s32 $0xB, s0  }
0x1cb: {  	v29 =	vadd.s32 v9, v29;
	s8 =	sadd.s32 $0x3, s0;
	[tilespmem:v34+s17+$0x0] =	vst.idx.msk $0xffff, v32;
	v31 =	vld [tilespmem:s30+$0x50];
	v43 =	vmov s31  }
0x1cc: {  	v30 =	vadd.s32 v9, v30;
	v45 =	vmov s8;
	s31 =	sadd.s32 $0xB, s1;
	v44 =	vld [tilespmem:s30+$0xFFFFFF50];
	v32 =	vshrl.u32 v43, $0x3;
	[tilespmem:v41+s17+$0x0] =	vst.idx.msk $0xffff, v35  }
0x1cd: {  	s8 =	sadd.s32 $0x3, s1;
	v34 =	vshrl.u32 v45, $0x3;
	v48 =	vmov s31;
	v46 =	vadd.s32 v9, v39;
	[tilespmem:v42+s17+$0x0] =	vst.idx.msk $0xffff, v37;
	v35 =	vld [tilespmem:s6+$0x50]  }
0x1ce: {  	v49 =	vmov s8;
	v32 =	vshll.u32 v32, v4;
	v47 =	vadd.s32 v9, v40;
	v37 =	vld [tilespmem:s6+$0xFFFFFF50]  }
0x1cf: {  	v34 =	vshll.u32 v34, v4;
	v32 =	vbroadcast v32, $0x0;
	v39 =	vshrl.u32 v48, $0x3  }
0x1d0: {  	v50 =	vshrl.u32 v49, $0x3;
	v34 =	vbroadcast v34, $0x0;
	[tilespmem:v29+s17+$0x0] =	vst.idx.msk $0xffff, v31;
	v51 =	vshll.u32 v39, v4  }
0x1d1: {  	v53 =	vadd.s32 v10, v32;
	v29 =	vshll.u32 v50, v4;
	[tilespmem:v30+s17+$0x0] =	vst.idx.msk $0xffff, v44;
	v52 =	vld [tilespmem:s30+$0x60];
	v31 =	vbroadcast v51, $0x0  }
0x1d2: {  	v29 =	vbroadcast v29, $0x0;
	v55 =	vadd.s32 v10, v34;
	v54 =	vld [tilespmem:s30+$0xFFFFFF60];
	[tilespmem:v46+s17+$0x0] =	vst.idx.msk $0xffff, v35  }
0x1d3: {  	v56 =	vadd.s32 v10, v31;
	[tilespmem:v47+s17+$0x0] =	vst.idx.msk $0xffff, v37;
	v35 =	vld [tilespmem:s6+$0x60]  }
0x1d4: {  	v57 =	vadd.s32 v10, v29;
	v37 =	vld [tilespmem:s6+$0xFFFFFF60];
	_ =	sdelay $0x1  }
0x1d5: {  	[tilespmem:v53+s17+$0x0] =	vst.idx.msk $0xffff, v52  }
0x1d6: {  	s31 =	sadd.s32 $0xC, s0;
	s8 =	sadd.s32 $0x4, s0;
	v32 =	vadd.s32 v11, v32;
	v34 =	vadd.s32 v11, v34;
	v30 =	vld [tilespmem:s30+$0x70];
	[tilespmem:v55+s17+$0x0] =	vst.idx.msk $0xffff, v54  }
0x1d7: {  	v58 =	vmov s31;
	v39 =	vld [tilespmem:s30+$0xFFFFFF70];
	v59 =	vmov s8;
	v31 =	vadd.s32 v11, v31;
	s8 =	sadd.s32 $0x4, s1;
	[tilespmem:v56+s17+$0x0] =	vst.idx.msk $0xffff, v35  }
0x1d8: {  	s31 =	sadd.s32 $0xC, s1;
	v29 =	vadd.s32 v11, v29;
	v33 =	vshrl.u32 v58, $0x3;
	v62 =	vmov s8;
	[tilespmem:v57+s17+$0x0] =	vst.idx.msk $0xffff, v37;
	v36 =	vld [tilespmem:s6+$0x70]  }
0x1d9: {  	v33 =	vshll.u32 v33, v4;
	v60 =	vshrl.u32 v59, $0x3;
	v61 =	vmov s31;
	v37 =	vld [tilespmem:s6+$0xFFFFFF70]  }
0x1da: {  	[tilespmem:v27+s17+$0x0] =	vst.idx.msk $0xffff, v25;
	v33 =	vbroadcast v33, $0x0;
	v38 =	vshrl.u32 v61, $0x3;
	v35 =	vshll.u32 v60, v4  }
0x1db: {  	[tilespmem:v32+s17+$0x0] =	vst.idx.msk $0xffff, v30;
	v40 =	vshrl.u32 v62, $0x3;
	v41 =	vshll.u32 v38, v4;
	v63 =	vbroadcast v35, $0x0  }
0x1dc: {  	v32 =	vshll.u32 v40, v4;
	[tilespmem:v34+s17+$0x0] =	vst.idx.msk $0xffff, v39;
	v43 =	vadd.s32 v12, v33;
	v42 =	vld [tilespmem:s30+$0x80];
	v35 =	vbroadcast v41, $0x0  }
0x1dd: {  	v32 =	vbroadcast v32, $0x0;
	v39 =	vld [tilespmem:s30+$0xFFFFFF80];
	v44 =	vadd.s32 v12, v63;
	[tilespmem:v31+s17+$0x0] =	vst.idx.msk $0xffff, v36  }
0x1de: {  	v46 =	vadd.s32 v12, v35;
	[tilespmem:v29+s17+$0x0] =	vst.idx.msk $0xffff, v37;
	v45 =	vld [tilespmem:s6+$0x80]  }
0x1df: {  	v28 =	vbroadcast v28, $0x0;
	[tilespmem:v26+s17+$0x0] =	vst.idx.msk $0xffff, v24;
	s8 =	sadd.s32 $0x6, s28;
	v48 =	vadd.s32 v12, v32;
	v47 =	vld [tilespmem:s6+$0xFFFFFF80]  }
0x1e0: {  	v21 =	vadd.s32 v19, v21;
	[tilespmem:v23+s17+$0x0] =	vst.idx.msk $0xffff, v22;
	v50 =	vld [tilespmem:s29+$0xFFFFFFF0];
	v51 =	vmov s8;
	s8 =	sadd.s32 $0x5, s0  }
0x1e1: {  	v24 =	vadd.s32 v14, v20;
	v55 =	vmov s8;
	v34 =	vadd.s32 v14, v28;
	s31 =	sadd.s32 $0xE, s28;
	[tilespmem:v43+s17+$0x0] =	vst.idx.msk $0xffff, v42;
	v42 =	vld [tilespmem:s26+$0xFFFFFFA0]  }
0x1e2: {  	v33 =	vadd.s32 v13, v33;
	v28 =	vadd.s32 v15, v28;
	v49 =	vmov s31;
	s31 =	sadd.s32 $0xD, s0;
	v52 =	vld [tilespmem:s30+$0x90];
	[tilespmem:v44+s17+$0x0] =	vst.idx.msk $0xffff, v39  }
0x1e3: {  	s29 =	sadd.s32 $0xD, s1;
	v32 =	vadd.s32 v13, v32;
	v53 =	vmov s31;
	v30 =	vadd.s32 v13, v63;
	v54 =	vld [tilespmem:s30+$0xFFFFFF90];
	[tilespmem:v46+s17+$0x0] =	vst.idx.msk $0xffff, v45  }
0x1e4: {  	s31 =	sadd.s32 $0x5, s1;
	v60 =	vmov s29;
	v57 =	vadd.s32 v13, v35;
	v39 =	vshrl.u32 v53, $0x3;
	[tilespmem:v48+s17+$0x0] =	vst.idx.msk $0xffff, v47;
	v56 =	vld [tilespmem:s6+$0x90]  }
0x1e5: {  	[tilespmem:v21+s17+$0x0] =	vst.idx.msk $0xffff, v50;
	v63 =	vmov s31;
	v36 =	vshrl.u32 v55, $0x3;
	v39 =	vshll.u32 v39, v4;
	v59 =	vld [tilespmem:s6+$0xFFFFFF90]  }
0x1e6: {  	v61 =	vld [tilespmem:s26+$0xA0];
	[tilespmem:v34+s17+$0x0] =	vst.idx.msk $0xffff, v42;
	v35 =	vshrl.u32 v60, $0x3;
	v58 =	vshll.u32 v36, v4;
	v62 =	vbroadcast v39, $0x0  }
0x1e7: {  	[tilespmem:v33+s17+$0x0] =	vst.idx.msk $0xffff, v52;
	v43 =	vshrl.u32 v63, $0x3;
	v55 =	vld [tilespmem:s26+$0xFFFFFFB0];
	v22 =	vbroadcast v58, $0x0;
	v44 =	vshll.u32 v35, v4  }
0x1e8: {  	v31 =	vshll.u32 v43, v4;
	v33 =	vbroadcast v44, $0x0;
	v45 =	vld [tilespmem:s30+$0xA0];
	v46 =	vadd.s32 v14, v62;
	[tilespmem:v30+s17+$0x0] =	vst.idx.msk $0xffff, v54  }
0x1e9: {  	v38 =	vshrl.u32 v51, $0x3;
	v31 =	vbroadcast v31, $0x0;
	v48 =	vadd.s32 v14, v22;
	v47 =	vld [tilespmem:s30+$0xFFFFFFA0];
	[tilespmem:v57+s17+$0x0] =	vst.idx.msk $0xffff, v56  }
0x1ea: {  	v26 =	vshrl.u32 v49, $0x3;
	v49 =	vshll.u32 v38, v4;
	v51 =	vadd.s32 v14, v33;
	[tilespmem:v32+s17+$0x0] =	vst.idx.msk $0xffff, v59;
	v50 =	vld [tilespmem:s6+$0xA0]  }
0x1eb: {  	[tilespmem:v24+s17+$0x0] =	vst.idx.msk $0xffff, v61;
	v25 =	vbroadcast v49, $0x0;
	s29 =	sadd.s32 $0xE, s0;
	v53 =	vadd.s32 v14, v31;
	v52 =	vld [tilespmem:s6+$0xFFFFFFA0]  }
0x1ec: {  	v20 =	vadd.s32 v15, v20;
	v60 =	vmov s29;
	[tilespmem:v28+s17+$0x0] =	vst.idx.msk $0xffff, v55;
	v54 =	vld [tilespmem:s26+$0xB0]  }
0x1ed: {  	v26 =	vshll.u32 v26, v4;
	v37 =	vshrl.u32 v60, $0x3;
	v39 =	vadd.s32 v16, v25;
	[tilespmem:v46+s17+$0x0] =	vst.idx.msk $0xffff, v45;
	v46 =	vld [tilespmem:s26+$0xFFFFFFC0]  }
0x1ee: {  	s8 =	sadd.s32 $0xF, s28;
	s28 =	sadd.s32 $0x7, s28;
	v24 =	vbroadcast v26, $0x0;
	v40 =	vshll.u32 v37, v4;
	v21 =	vadd.s32 v15, v62;
	v59 =	vld [tilespmem:s30+$0xB0];
	[tilespmem:v48+s17+$0x0] =	vst.idx.msk $0xffff, v47  }
0x1ef: {  	s31 =	sadd.s32 $0x6, s0;
	v58 =	vmov s28;
	s28 =	sadd.s32 $0xE, s1;
	v27 =	vbroadcast v40, $0x0;
	v22 =	vadd.s32 v15, v22;
	v61 =	vld [tilespmem:s30+$0xFFFFFFB0];
	[tilespmem:v51+s17+$0x0] =	vst.idx.msk $0xffff, v50  }
0x1f0: {  	v43 =	vmov s28;
	v33 =	vadd.s32 v15, v33;
	v62 =	vmov s31;
	[tilespmem:v53+s17+$0x0] =	vst.idx.msk $0xffff, v52;
	v41 =	vld [tilespmem:s6+$0xB0]  }
0x1f1: {  	s29 =	sadd.s32 $0x6, s1;
	v31 =	vadd.s32 v15, v31;
	v34 =	vshrl.u32 v43, $0x3;
	v63 =	vshrl.u32 v62, $0x3;
	[tilespmem:v20+s17+$0x0] =	vst.idx.msk $0xffff, v54;
	v42 =	vld [tilespmem:s6+$0xFFFFFFB0]  }
0x1f2: {  	v45 =	vmov s29;
	v56 =	vadd.s32 v16, v24;
	v20 =	vshll.u32 v63, v4;
	v44 =	vld [tilespmem:s26+$0xC0];
	[tilespmem:v39+s17+$0x0] =	vst.idx.msk $0xffff, v46  }
0x1f3: {  	v34 =	vshll.u32 v34, v4;
	v20 =	vbroadcast v20, $0x0;
	v47 =	vshrl.u32 v45, $0x3;
	[tilespmem:v21+s17+$0x0] =	vst.idx.msk $0xffff, v59  }
0x1f4: {  	v49 =	vadd.s32 v16, v27;
	v34 =	vbroadcast v34, $0x0;
	v35 =	vshll.u32 v47, v4;
	v48 =	vld [tilespmem:s30+$0xC0];
	[tilespmem:v22+s17+$0x0] =	vst.idx.msk $0xffff, v61  }
0x1f5: {  	v35 =	vbroadcast v35, $0x0;
	v51 =	vadd.s32 v16, v20;
	v50 =	vld [tilespmem:s30+$0xFFFFFFC0];
	[tilespmem:v33+s17+$0x0] =	vst.idx.msk $0xffff, v41  }
0x1f6: {  	v30 =	vshrl.u32 v58, $0x3;
	v57 =	vmov s8;
	v53 =	vadd.s32 v16, v34;
	[tilespmem:v31+s17+$0x0] =	vst.idx.msk $0xffff, v42;
	v52 =	vld [tilespmem:s6+$0xC0]  }
0x1f7: {  	v29 =	vshrl.u32 v57, $0x3;
	v54 =	vshll.u32 v30, v4;
	[tilespmem:v56+s17+$0x0] =	vst.idx.msk $0xffff, v44;
	v56 =	vadd.s32 v16, v35;
	v55 =	vld [tilespmem:s6+$0xFFFFFFC0]  }
0x1f8: {  	v25 =	vadd.s32 v17, v25;
	v29 =	vshll.u32 v29, v4;
	v28 =	vbroadcast v54, $0x0;
	v58 =	vld [tilespmem:s26+$0xFFFFFFD0]  }
0x1f9: {  	v27 =	vadd.s32 v17, v27;
	s31 =	sadd.s32 $0xF, s0;
	v24 =	vadd.s32 v17, v24;
	s8 =	sadd.s32 $0x7, s0;
	v29 =	vbroadcast v29, $0x0;
	v57 =	vld [tilespmem:s26+$0xD0];
	[tilespmem:v49+s17+$0x0] =	vst.idx.msk $0xffff, v48  }
0x1fa: {  	v62 =	vmov s31;
	s29 =	sadd.s32 $0x7, s1;
	v60 =	vadd.s32 v18, v28;
	v39 =	vmov s8;
	v61 =	vld [tilespmem:s30+$0xD0];
	[tilespmem:v51+s17+$0x0] =	vst.idx.msk $0xffff, v50  }
0x1fb: {  	v46 =	vmov s29;
	v59 =	vadd.s32 v18, v29;
	v20 =	vadd.s32 v17, v20;
	v63 =	vld [tilespmem:s30+$0xFFFFFFD0];
	[tilespmem:v53+s17+$0x0] =	vst.idx.msk $0xffff, v52  }
0x1fc: {  	s28 =	sadd.s32 $0xF, s1;
	v34 =	vadd.s32 v17, v34;
	v43 =	vadd.s32 v17, v35;
	v33 =	vshrl.u32 v62, $0x3;
	[tilespmem:v56+s17+$0x0] =	vst.idx.msk $0xffff, v55;
	v40 =	vld [tilespmem:s6+$0xD0]  }
0x1fd: {  	v44 =	vmov s28;
	[tilespmem:v25+s17+$0x0] =	vst.idx.msk $0xffff, v58;
	v31 =	vshrl.u32 v39, $0x3;
	v33 =	vshll.u32 v33, v4;
	v42 =	vld [tilespmem:s6+$0xFFFFFFD0]  }
0x1fe: {  	v35 =	vshrl.u32 v44, $0x3;
	v37 =	vld [tilespmem:s26+$0xFFFFFFE0];
	[tilespmem:v24+s17+$0x0] =	vst.idx.msk $0xffff, v57;
	v41 =	vshll.u32 v31, v4;
	v33 =	vbroadcast v33, $0x0  }
0x1ff: {  	v47 =	vshrl.u32 v46, $0x3;
	v48 =	vshll.u32 v35, v4;
	v45 =	vld [tilespmem:s26+$0xE0];
	v21 =	vbroadcast v41, $0x0;
	[tilespmem:v27+s17+$0x0] =	vst.idx.msk $0xffff, v61  }
0x200: {  	v32 =	vbroadcast v48, $0x0;
	v49 =	vadd.s32 v18, v33;
	v27 =	vshll.u32 v47, v4;
	[tilespmem:v20+s17+$0x0] =	vst.idx.msk $0xffff, v63;
	v20 =	vld [tilespmem:s30+$0xE0]  }
0x201: {  	v51 =	vadd.s32 v18, v21;
	v27 =	vbroadcast v27, $0x0;
	v50 =	vld [tilespmem:s30+$0xFFFFFFE0];
	[tilespmem:v34+s17+$0x0] =	vst.idx.msk $0xffff, v40  }
0x202: {  	v53 =	vadd.s32 v18, v32;
	[tilespmem:v43+s17+$0x0] =	vst.idx.msk $0xffff, v42;
	v52 =	vld [tilespmem:s6+$0xE0]  }
0x203: {  	[tilespmem:v60+s17+$0x0] =	vst.idx.msk $0xffff, v37;
	v55 =	vadd.s32 v18, v27;
	v54 =	vld [tilespmem:s6+$0xFFFFFFE0]  }
0x204: {  	v28 =	vadd.s32 v19, v28;
	v57 =	vld [tilespmem:s26+$0xFFFFFFF0];
	[tilespmem:v59+s17+$0x0] =	vst.idx.msk $0xffff, v45  }
0x205: {  	v29 =	vadd.s32 v19, v29;
	v56 =	vld [tilespmem:s26+$0xF0];
	[tilespmem:v49+s17+$0x0] =	vst.idx.msk $0xffff, v20  }
0x206: {  	v58 =	vadd.s32 v19, v33;
	[tilespmem:v51+s17+$0x0] =	vst.idx.msk $0xffff, v50;
	v20 =	vld [tilespmem:s30+$0xF0]  }
0x207: {  	v21 =	vadd.s32 v19, v21;
	v59 =	vld [tilespmem:s30+$0xFFFFFFF0];
	[tilespmem:v53+s17+$0x0] =	vst.idx.msk $0xffff, v52  }
0x208: {  	v61 =	vadd.s32 v19, v32;
	[tilespmem:v55+s17+$0x0] =	vst.idx.msk $0xffff, v54;
	v60 =	vld [tilespmem:s6+$0xF0]  }
0x209: {  	v63 =	vadd.s32 v19, v27;
	[tilespmem:v28+s17+$0x0] =	vst.idx.msk $0xffff, v57;
	v62 =	vld [tilespmem:s6+$0xFFFFFFF0]  }
0x20a: {  	[tilespmem:v29+s17+$0x0] =	vst.idx.msk $0xffff, v56  }
0x20b: {  	s31 =	sshll.u32 s25, $0x10;
	[tilespmem:v58+s17+$0x0] =	vst.idx.msk $0xffff, v20  }
0x20c: {  	s0 =	sadd.s32 s4, s31;
	[tilespmem:v21+s17+$0x0] =	vst.idx.msk $0xffff, v59  }
0x20d: {  	s7 =	simm.s32 $0x12B08;
	s0 =	sadd.s32 s5, s0;
	[tilespmem:v61+s17+$0x0] =	vst.idx.msk $0xffff, v60  }
0x20e: {  	s1 =	simm.s32 $0x12900;
	s25 =	sadd.s32 $0x0, s0;
	s6 =	simm.s32 $0x800;
	[tilespmem:v63+s17+$0x0] =	vst.idx.msk $0xffff, v62  }
.LBB2_15:
0x20f: {  	[hbm4b:s25+s2] =	stream.linear.scatter [tilespmem:s1], [sflag:$0x4], $0x200, $0x38;
	[tilespmem:$0x16A00] =	vst v63  }
0x210: {  	s8 =	smov.u32 s6;
	s1 =	smov.u32 s7;
	p0 =	sne.s32 s6, $0xF800  }
.Ltmp6:
0x211: {  	s6 =	sadd.s32 $0x800, s6;
	(pc) =	sbr.rel @p0 .LBB2_15-.Ltmp6, $2  }
0x212: {  	_ =	sdelay $0x2  }
0x213: {  	s7 =	sadd.s32 $0x208, s7;
	s25 =	sadd.s32 s8, s0  }
0x214: {  	s24 =	sadd.s32 $0x1, s24  }
0x215: {  	p0 =	sne.s32 s24, $0x18  }
.Ltmp7:
0x216: {  	_ = 	snop;
	(pc) =	sbr.rel @p0 .LBB2_4-.Ltmp7, $2  }
0x217: {  	_ =	sdelay $0x2  }
0x218: {  	[hbm4b:s25+s2] =	stream.linear.scatter [tilespmem:s1], [sflag:$0x4], $0x200, $0x38;
	[tilespmem:$0x16A00] =	vst v63  }
0x219: {  	s0 =	simm.s32 $0x0  }
0x21a: {  	s29 =	simm.s32 $0x10;
	v23 =	vor.u32 s0, v0  }
0x21b: {  	v27 =	vor.u32 s29, v0;
	v20 =	vmul.u32 $0x32, v23  }
0x21c: {  	v21 =	vmul.u32 $0x32, v27  }
0x21d: {  	v22 =	vadd.s32 $0x31, v20  }
0x21e: {  	s30 =	simm.s32 $0x20;
	v26 =	vadd.s32 $0x31, v21  }
0x21f: {  	s31 =	simm.s32 $0x30;
	v21 =	vor.u32 s30, v0  }
0x220: {  	v20 =	vor.u32 s31, v0;
	v24 =	vmul.u32 $0x32, v21  }
0x221: {  	v28 =	vmul.u32 $0x32, v20  }
0x222: {  	v25 =	vand.u32 v2, v23;
	v24 =	vadd.s32 $0x31, v24;
	v22 =	vld.idx.msk [tilespmem:v22+s2+$0x0], $0xffff  }
0x223: {  	s0 =	simm.s32 $0x40;
	v27 =	vand.u32 v3, v27;
	v23 =	vld.idx.msk [tilespmem:v26+s2+$0x0], $0xffff;
	v26 =	vadd.s32 $0x31, v28  }
.LBB2_18:
0x224: {  	p0 =	slt.u32 s0, $0x1E0  }
.Ltmp8:
0x225: {  	v28 =	vor.u32 s0, v0;
	s1 =	sadd.s32 $0x10, s0;
	s0 =	sadd.s32 $0x20, s0;
	(pc) =	sbr.rel @p0 .LBB2_18-.Ltmp8, $4  }
0x226: {  	v29 =	vmul.u32 $0x32, v28;
	v30 =	vor.u32 s1, v0  }
0x227: {  	v31 =	vmul.u32 $0x32, v30;
	[tilespmem:v25+s12+$0x0] =	vst.idx.msk $0xffff, v22;
	v22 =	vld.idx.msk [tilespmem:v24+s2+$0x0], $0xffff  }
0x228: {  	v25 =	vand.u32 v2, v21;
	v21 =	vmov v28;
	v24 =	vadd.s32 $0x31, v29;
	[tilespmem:v27+s12+$0x0] =	vst.idx.msk $0xffff, v23;
	v23 =	vld.idx.msk [tilespmem:v26+s2+$0x0], $0xffff  }
0x229: {  	v27 =	vand.u32 v3, v20;
	v20 =	vmov v30;
	v26 =	vadd.s32 $0x31, v31  }
0x22a: {  	_ =	sdelay $0x3  }
0x22b: {  	v24 =	vld.idx.msk [tilespmem:v24+s2+$0x0], $0xffff;
	v21 =	vand.u32 v2, v21  }
0x22c: {  	v26 =	vld.idx.msk [tilespmem:v26+s2+$0x0], $0xffff;
	v20 =	vand.u32 v3, v20;
	_ =	sdelay $0x1  }
0x22d: {  	[tilespmem:v25+s12+$0x0] =	vst.idx.msk $0xffff, v22  }
0x22e: {  	[tilespmem:v27+s12+$0x0] =	vst.idx.msk $0xffff, v23  }
0x22f: {  	[tilespmem:v21+s12+$0x0] =	vst.idx.msk $0xffff, v24  }
0x230: {  	[tilespmem:v20+s12+$0x0] =	vst.idx.msk $0xffff, v26  }
0x231: {  	[tilespmem:s13], [sflag:$0x2] =	stream.indirect.gather [hbm4b:s3+s10], $0x20, s12, s10, $0xb8;
	[tilespmem:$0x16A00] =	vst v63  }
0x232: {  	s0 =	simm.s32 $0x8;
	_ =	swait.ge [sflag:s14], $0x4000  }
0x233: {  	s1 =	simm.s32 $0x0;
	v20 =	vmov s0;
	[sflag:s14] =	ssyncset.done $0x0  }
0x234: {  	v21 =	vmov s1;
	v20 =	vshrl.u32 v20, $0x3;
	[sflag:s14] =	ssyncadd.s32 $0xFFFFC000  }
0x235: {  	v21 =	vshrl.u32 v21, $0x3;
	v20 =	vshll.u32 v20, v4;
	_ =	swait.ge [sflag:s18], $0x4000  }
0x236: {  	v21 =	vshll.u32 v21, v4;
	v20 =	vbroadcast v20, $0x0;
	[sflag:s18] =	ssyncset.done $0x0  }
0x237: {  	s25 =	simm.s32 $0x6900;
	v21 =	vbroadcast v21, $0x0;
	[sflag:s18] =	ssyncadd.s32 $0xFFFFC000  }
0x238: {  	v23 =	vadd.s32 v1, v20;
	v22 =	vld [tilespmem:s25+$0x0]  }
0x239: {  	v25 =	vadd.s32 v1, v21;
	v24 =	vld [tilespmem:s25+$0xFFFFFF00];
	_ =	sdelay $0x3  }
0x23a: {  	[tilespmem:v23+s15+$0x0] =	vst.idx.msk $0xffff, v22  }
0x23b: {  	s7 =	simm.s32 $0x9;
	v20 =	vadd.s32 v5, v20;
	[tilespmem:v25+s15+$0x0] =	vst.idx.msk $0xffff, v24;
	v22 =	vld [tilespmem:s25+$0x10]  }
0x23c: {  	s8 =	simm.s32 $0x1;
	v21 =	vadd.s32 v5, v21;
	v24 =	vmov s7;
	v23 =	vld [tilespmem:s25+$0xFFFFFF10]  }
0x23d: {  	v25 =	vmov s8;
	v24 =	vshrl.u32 v24, $0x3  }
0x23e: {  	v25 =	vshrl.u32 v25, $0x3;
	v24 =	vshll.u32 v24, v4  }
0x23f: {  	v25 =	vshll.u32 v25, v4;
	v24 =	vbroadcast v24, $0x0  }
0x240: {  	v25 =	vbroadcast v25, $0x0;
	[tilespmem:v20+s15+$0x0] =	vst.idx.msk $0xffff, v22  }
0x241: {  	[tilespmem:v21+s15+$0x0] =	vst.idx.msk $0xffff, v23;
	v21 =	vadd.s32 v6, v24;
	v20 =	vld [tilespmem:s25+$0x20]  }
0x242: {  	v23 =	vadd.s32 v6, v25;
	v22 =	vld [tilespmem:s25+$0xFFFFFF20];
	_ =	sdelay $0x3  }
0x243: {  	[tilespmem:v21+s15+$0x0] =	vst.idx.msk $0xffff, v20  }
0x244: {  	s23 =	simm.s32 $0xA;
	[tilespmem:v23+s15+$0x0] =	vst.idx.msk $0xffff, v22;
	v21 =	vadd.s32 v7, v24;
	v20 =	vld [tilespmem:s25+$0x30]  }
0x245: {  	s24 =	simm.s32 $0x2;
	v23 =	vadd.s32 v7, v25;
	v24 =	vmov s23;
	v22 =	vld [tilespmem:s25+$0xFFFFFF30]  }
0x246: {  	v25 =	vmov s24;
	v24 =	vshrl.u32 v24, $0x3  }
0x247: {  	v25 =	vshrl.u32 v25, $0x3;
	v24 =	vshll.u32 v24, v4  }
0x248: {  	v25 =	vshll.u32 v25, v4;
	v24 =	vbroadcast v24, $0x0  }
0x249: {  	v25 =	vbroadcast v25, $0x0;
	[tilespmem:v21+s15+$0x0] =	vst.idx.msk $0xffff, v20  }
0x24a: {  	[tilespmem:v23+s15+$0x0] =	vst.idx.msk $0xffff, v22;
	v21 =	vadd.s32 v8, v24;
	v20 =	vld [tilespmem:s25+$0x40]  }
0x24b: {  	v23 =	vadd.s32 v8, v25;
	v22 =	vld [tilespmem:s25+$0xFFFFFF40]  }
0x24c: {  	s26 =	simm.s32 $0x18  }
0x24d: {  	v26 =	vmov s26;
	s24 =	simm.s32 $0x10  }
0x24e: {  	v26 =	vshrl.u32 v26, $0x3;
	v27 =	vmov s24  }
0x24f: {  	v26 =	vshll.u32 v26, v4;
	v27 =	vshrl.u32 v27, $0x3;
	[tilespmem:v21+s15+$0x0] =	vst.idx.msk $0xffff, v20  }
0x250: {  	s28 =	simm.s32 $0xB;
	v20 =	vshll.u32 v27, v4;
	v21 =	vbroadcast v26, $0x0;
	[tilespmem:v23+s15+$0x0] =	vst.idx.msk $0xffff, v22;
	v23 =	vadd.s32 v9, v24;
	v22 =	vld [tilespmem:s25+$0x50]  }
0x251: {  	s29 =	simm.s32 $0x3;
	s23 =	simm.s32 $0x6B00;
	v25 =	vadd.s32 v9, v25;
	v26 =	vmov s28;
	v20 =	vbroadcast v20, $0x0;
	v24 =	vld [tilespmem:s25+$0xFFFFFF50]  }
0x252: {  	v29 =	vmov s29;
	v27 =	vld [tilespmem:s23+$0x0];
	v26 =	vshrl.u32 v26, $0x3;
	v28 =	vadd.s32 v1, v21  }
0x253: {  	v29 =	vshrl.u32 v29, $0x3;
	v30 =	vld [tilespmem:s23+$0xFFFFFF00];
	v26 =	vshll.u32 v26, v4;
	v31 =	vadd.s32 v1, v20  }
0x254: {  	v29 =	vshll.u32 v29, v4;
	v26 =	vbroadcast v26, $0x0  }
0x255: {  	v29 =	vbroadcast v29, $0x0;
	[tilespmem:v23+s15+$0x0] =	vst.idx.msk $0xffff, v22  }
0x256: {  	[tilespmem:v25+s15+$0x0] =	vst.idx.msk $0xffff, v24;
	v23 =	vadd.s32 v10, v26;
	v22 =	vld [tilespmem:s25+$0x60]  }
0x257: {  	v25 =	vadd.s32 v10, v29;
	[tilespmem:v28+s15+$0x0] =	vst.idx.msk $0xffff, v27;
	v24 =	vld [tilespmem:s25+$0xFFFFFF60]  }
0x258: {  	s30 =	simm.s32 $0x19;
	v21 =	vadd.s32 v5, v21;
	[tilespmem:v31+s15+$0x0] =	vst.idx.msk $0xffff, v30;
	v27 =	vld [tilespmem:s23+$0x10]  }
0x259: {  	s31 =	simm.s32 $0x11;
	v20 =	vadd.s32 v5, v20;
	v30 =	vmov s30;
	v28 =	vld [tilespmem:s23+$0xFFFFFF10]  }
0x25a: {  	v31 =	vmov s31;
	v30 =	vshrl.u32 v30, $0x3  }
0x25b: {  	v31 =	vshrl.u32 v31, $0x3;
	v30 =	vshll.u32 v30, v4;
	[tilespmem:v23+s15+$0x0] =	vst.idx.msk $0xffff, v22  }
0x25c: {  	s6 =	simm.s32 $0xC;
	v22 =	vshll.u32 v31, v4;
	v23 =	vbroadcast v30, $0x0;
	[tilespmem:v25+s15+$0x0] =	vst.idx.msk $0xffff, v24;
	v25 =	vadd.s32 v11, v26;
	v24 =	vld [tilespmem:s25+$0x70]  }
0x25d: {  	s7 =	simm.s32 $0x4;
	v26 =	vadd.s32 v11, v29;
	v22 =	vbroadcast v22, $0x0;
	[tilespmem:v21+s15+$0x0] =	vst.idx.msk $0xffff, v27;
	v21 =	vld [tilespmem:s25+$0xFFFFFF70];
	v27 =	vmov s6  }
0x25e: {  	v29 =	vmov s7;
	[tilespmem:v20+s15+$0x0] =	vst.idx.msk $0xffff, v28;
	v20 =	vld [tilespmem:s23+$0x20];
	v28 =	vadd.s32 v6, v23;
	v27 =	vshrl.u32 v27, $0x3  }
0x25f: {  	v29 =	vshrl.u32 v29, $0x3;
	v30 =	vld [tilespmem:s23+$0xFFFFFF20];
	v31 =	vadd.s32 v6, v22;
	v27 =	vshll.u32 v27, v4  }
0x260: {  	v29 =	vshll.u32 v29, v4;
	v27 =	vbroadcast v27, $0x0  }
0x261: {  	v29 =	vbroadcast v29, $0x0;
	[tilespmem:v25+s15+$0x0] =	vst.idx.msk $0xffff, v24  }
0x262: {  	[tilespmem:v26+s15+$0x0] =	vst.idx.msk $0xffff, v21;
	v24 =	vadd.s32 v12, v27;
	v21 =	vld [tilespmem:s25+$0x80]  }
0x263: {  	v25 =	vadd.s32 v12, v29;
	[tilespmem:v28+s15+$0x0] =	vst.idx.msk $0xffff, v20;
	v20 =	vld [tilespmem:s25+$0xFFFFFF80]  }
0x264: {  	s8 =	simm.s32 $0x1A;
	v23 =	vadd.s32 v7, v23;
	[tilespmem:v31+s15+$0x0] =	vst.idx.msk $0xffff, v30;
	v26 =	vld [tilespmem:s23+$0x30]  }
0x265: {  	s26 =	simm.s32 $0x12;
	v22 =	vadd.s32 v7, v22;
	v30 =	vmov s8;
	v28 =	vld [tilespmem:s23+$0xFFFFFF30]  }
0x266: {  	v31 =	vmov s26;
	v30 =	vshrl.u32 v30, $0x3  }
0x267: {  	v31 =	vshrl.u32 v31, $0x3;
	v30 =	vshll.u32 v30, v4;
	[tilespmem:v24+s15+$0x0] =	vst.idx.msk $0xffff, v21  }
0x268: {  	s28 =	simm.s32 $0xD;
	v21 =	vshll.u32 v31, v4;
	v24 =	vbroadcast v30, $0x0;
	[tilespmem:v25+s15+$0x0] =	vst.idx.msk $0xffff, v20;
	v25 =	vadd.s32 v13, v27;
	v20 =	vld [tilespmem:s25+$0x90]  }
0x269: {  	s29 =	simm.s32 $0x5;
	v27 =	vmov s28;
	v21 =	vbroadcast v21, $0x0;
	[tilespmem:v23+s15+$0x0] =	vst.idx.msk $0xffff, v26;
	v23 =	vld [tilespmem:s25+$0xFFFFFF90];
	v26 =	vadd.s32 v13, v29  }
0x26a: {  	v29 =	vmov s29;
	v27 =	vshrl.u32 v27, $0x3;
	[tilespmem:v22+s15+$0x0] =	vst.idx.msk $0xffff, v28;
	v22 =	vld [tilespmem:s23+$0x40];
	v28 =	vadd.s32 v8, v24  }
0x26b: {  	v29 =	vshrl.u32 v29, $0x3;
	v27 =	vshll.u32 v27, v4;
	v30 =	vld [tilespmem:s23+$0xFFFFFF40];
	v31 =	vadd.s32 v8, v21  }
0x26c: {  	s30 =	simm.s32 $0x28;
	v29 =	vshll.u32 v29, v4;
	v27 =	vbroadcast v27, $0x0  }
0x26d: {  	s0 =	simm.s32 $0x20;
	v32 =	vmov s30;
	v29 =	vbroadcast v29, $0x0;
	[tilespmem:v25+s15+$0x0] =	vst.idx.msk $0xffff, v20  }
0x26e: {  	v20 =	vmov s0;
	v25 =	vshrl.u32 v32, $0x3;
	[tilespmem:v26+s15+$0x0] =	vst.idx.msk $0xffff, v23;
	v26 =	vadd.s32 v14, v27;
	v23 =	vld [tilespmem:s25+$0xA0]  }
0x26f: {  	v20 =	vshrl.u32 v20, $0x3;
	v25 =	vshll.u32 v25, v4;
	[tilespmem:v28+s15+$0x0] =	vst.idx.msk $0xffff, v22;
	v22 =	vld [tilespmem:s25+$0xFFFFFFA0];
	v28 =	vadd.s32 v14, v29  }
0x270: {  	s31 =	simm.s32 $0x1B;
	v24 =	vadd.s32 v9, v24;
	v20 =	vshll.u32 v20, v4;
	v25 =	vbroadcast v25, $0x0;
	[tilespmem:v31+s15+$0x0] =	vst.idx.msk $0xffff, v30;
	v30 =	vld [tilespmem:s23+$0x50]  }
0x271: {  	v47 =	vmov s31;
	s6 =	simm.s32 $0x13;
	s26 =	simm.s32 $0x6D00;
	v21 =	vadd.s32 v9, v21;
	v20 =	vbroadcast v20, $0x0;
	v31 =	vld [tilespmem:s23+$0xFFFFFF50]  }
0x272: {  	v35 =	vmov s6;
	v33 =	vld [tilespmem:s26+$0x0];
	v32 =	vshrl.u32 v47, $0x3;
	v34 =	vadd.s32 v1, v25  }
0x273: {  	v35 =	vshrl.u32 v35, $0x3;
	v36 =	vld [tilespmem:s26+$0xFFFFFF00];
	v32 =	vshll.u32 v32, v4;
	v37 =	vadd.s32 v1, v20;
	[tilespmem:v26+s15+$0x0] =	vst.idx.msk $0xffff, v23  }
0x274: {  	s7 =	simm.s32 $0xE;
	v27 =	vadd.s32 v15, v27;
	v23 =	vshll.u32 v35, v4;
	v26 =	vbroadcast v32, $0x0;
	[tilespmem:v28+s15+$0x0] =	vst.idx.msk $0xffff, v22;
	v22 =	vld [tilespmem:s25+$0xB0]  }
0x275: {  	s8 =	simm.s32 $0x6;
	v28 =	vadd.s32 v15, v29;
	v29 =	vmov s7;
	v23 =	vbroadcast v23, $0x0;
	[tilespmem:v24+s15+$0x0] =	vst.idx.msk $0xffff, v30;
	v24 =	vld [tilespmem:s25+$0xFFFFFFB0]  }
0x276: {  	v29 =	vshrl.u32 v29, $0x3;
	[tilespmem:v21+s15+$0x0] =	vst.idx.msk $0xffff, v31;
	v21 =	vld [tilespmem:s23+$0x60];
	v30 =	vadd.s32 v10, v26;
	v31 =	vmov s8  }
0x277: {  	v29 =	vshll.u32 v29, v4;
	[tilespmem:v34+s15+$0x0] =	vst.idx.msk $0xffff, v33;
	v48 =	vld [tilespmem:s23+$0xFFFFFF60];
	v49 =	vadd.s32 v10, v23;
	v31 =	vshrl.u32 v31, $0x3  }
0x278: {  	s28 =	simm.s32 $0x29;
	v25 =	vadd.s32 v5, v25;
	v29 =	vbroadcast v29, $0x0;
	[tilespmem:v37+s15+$0x0] =	vst.idx.msk $0xffff, v36;
	v34 =	vld [tilespmem:s26+$0x10];
	v31 =	vshll.u32 v31, v4  }
0x279: {  	s29 =	simm.s32 $0x21;
	v51 =	vmov s28;
	v20 =	vadd.s32 v5, v20;
	v50 =	vld [tilespmem:s26+$0xFFFFFF10];
	v31 =	vbroadcast v31, $0x0;
	[tilespmem:v27+s15+$0x0] =	vst.idx.msk $0xffff, v22  }
0x27a: {  	v22 =	vmov s29;
	v27 =	vshrl.u32 v51, $0x3;
	[tilespmem:v28+s15+$0x0] =	vst.idx.msk $0xffff, v24;
	v28 =	vadd.s32 v16, v29;
	v24 =	vld [tilespmem:s25+$0xC0]  }
0x27b: {  	v22 =	vshrl.u32 v22, $0x3;
	v27 =	vshll.u32 v27, v4;
	[tilespmem:v30+s15+$0x0] =	vst.idx.msk $0xffff, v21;
	v21 =	vld [tilespmem:s25+$0xFFFFFFC0];
	v30 =	vadd.s32 v16, v31  }
0x27c: {  	s30 =	simm.s32 $0x1C;
	v26 =	vadd.s32 v11, v26;
	v22 =	vshll.u32 v22, v4;
	v27 =	vbroadcast v27, $0x0;
	[tilespmem:v49+s15+$0x0] =	vst.idx.msk $0xffff, v48;
	v52 =	vld [tilespmem:s23+$0x70]  }
0x27d: {  	s31 =	simm.s32 $0x14;
	v53 =	vmov s30;
	v23 =	vadd.s32 v11, v23;
	v22 =	vbroadcast v22, $0x0;
	[tilespmem:v25+s15+$0x0] =	vst.idx.msk $0xffff, v34;
	v25 =	vld [tilespmem:s23+$0xFFFFFF70]  }
0x27e: {  	v55 =	vmov s31;
	v33 =	vshrl.u32 v53, $0x3;
	[tilespmem:v20+s15+$0x0] =	vst.idx.msk $0xffff, v50;
	v20 =	vld [tilespmem:s26+$0x20];
	v54 =	vadd.s32 v6, v27  }
0x27f: {  	v35 =	vshrl.u32 v55, $0x3;
	v33 =	vshll.u32 v33, v4;
	v56 =	vld [tilespmem:s26+$0xFFFFFF20];
	v57 =	vadd.s32 v6, v22;
	[tilespmem:v28+s15+$0x0] =	vst.idx.msk $0xffff, v24  }
0x280: {  	s7 =	simm.s32 $0xF;
	v29 =	vadd.s32 v17, v29;
	v24 =	vshll.u32 v35, v4;
	v28 =	vbroadcast v33, $0x0;
	[tilespmem:v30+s15+$0x0] =	vst.idx.msk $0xffff, v21;
	v30 =	vld [tilespmem:s25+$0xD0]  }
0x281: {  	s8 =	simm.s32 $0x7;
	v21 =	vmov s7;
	v58 =	vbroadcast v24, $0x0;
	[tilespmem:v26+s15+$0x0] =	vst.idx.msk $0xffff, v52;
	v24 =	vld [tilespmem:s25+$0xFFFFFFD0];
	v26 =	vadd.s32 v17, v31  }
0x282: {  	v31 =	vmov s8;
	v21 =	vshrl.u32 v21, $0x3;
	[tilespmem:v23+s15+$0x0] =	vst.idx.msk $0xffff, v25;
	v23 =	vld [tilespmem:s23+$0x80];
	v25 =	vadd.s32 v12, v28  }
0x283: {  	v31 =	vshrl.u32 v31, $0x3;
	v21 =	vshll.u32 v21, v4;
	[tilespmem:v54+s15+$0x0] =	vst.idx.msk $0xffff, v20;
	v20 =	vld [tilespmem:s23+$0xFFFFFF80];
	v59 =	vadd.s32 v12, v58  }
0x284: {  	s28 =	simm.s32 $0x2A;
	v60 =	vadd.s32 v7, v27;
	v27 =	vshll.u32 v31, v4;
	v61 =	vbroadcast v21, $0x0;
	[tilespmem:v57+s15+$0x0] =	vst.idx.msk $0xffff, v56;
	v34 =	vld [tilespmem:s26+$0x30]  }
0x285: {  	v62 =	vmov s28;
	s29 =	simm.s32 $0x22;
	v22 =	vadd.s32 v7, v22;
	v21 =	vbroadcast v27, $0x0;
	v31 =	vld [tilespmem:s26+$0xFFFFFF30];
	[tilespmem:v29+s15+$0x0] =	vst.idx.msk $0xffff, v30  }
0x286: {  	v27 =	vmov s29;
	v38 =	vadd.s32 v18, v61;
	v29 =	vshrl.u32 v62, $0x3;
	[tilespmem:v26+s15+$0x0] =	vst.idx.msk $0xffff, v24;
	v63 =	vld [tilespmem:s25+$0xE0]  }
0x287: {  	v24 =	vshrl.u32 v27, $0x3;
	v39 =	vadd.s32 v18, v21;
	v26 =	vshll.u32 v29, v4;
	[tilespmem:v25+s15+$0x0] =	vst.idx.msk $0xffff, v23;
	v23 =	vld [tilespmem:s25+$0xFFFFFFE0]  }
0x288: {  	s30 =	simm.s32 $0x1D;
	v27 =	vadd.s32 v13, v28;
	v24 =	vshll.u32 v24, v4;
	v29 =	vbroadcast v26, $0x0;
	[tilespmem:v59+s15+$0x0] =	vst.idx.msk $0xffff, v20;
	v25 =	vld [tilespmem:s23+$0x90]  }
0x289: {  	s31 =	simm.s32 $0x15;
	v30 =	vbroadcast v24, $0x0;
	v26 =	vadd.s32 v13, v58;
	v20 =	vmov s30;
	[tilespmem:v60+s15+$0x0] =	vst.idx.msk $0xffff, v34;
	v24 =	vld [tilespmem:s23+$0xFFFFFF90]  }
0x28a: {  	v20 =	vshrl.u32 v20, $0x3;
	[tilespmem:v22+s15+$0x0] =	vst.idx.msk $0xffff, v31;
	v31 =	vld [tilespmem:s26+$0x40];
	v33 =	vadd.s32 v8, v29;
	v22 =	vmov s31  }
0x28b: {  	v34 =	vadd.s32 v8, v30;
	v20 =	vshll.u32 v20, v4;
	v32 =	vld [tilespmem:s26+$0xFFFFFF40];
	v22 =	vshrl.u32 v22, $0x3;
	[tilespmem:v38+s15+$0x0] =	vst.idx.msk $0xffff, v63  }
0x28c: {  	s1 =	simm.s32 $0x30;
	s6 =	simm.s32 $0x40;
	s7 =	simm.s32 $0x38;
	v20 =	vbroadcast v20, $0x0;
	v28 =	vshll.u32 v22, v4;
	[tilespmem:v39+s15+$0x0] =	vst.idx.msk $0xffff, v23;
	v23 =	vadd.s32 v19, v61;
	v22 =	vld [tilespmem:s25+$0xF0]  }
.LBB2_20:
0x28d: {  	p0 =	slt.u32 s6, $0x1F0;
	v35 =	vmov s7;
	v28 =	vbroadcast v28, $0x0;
	[tilespmem:v27+s15+$0x0] =	vst.idx.msk $0xffff, v25;
	v25 =	vld [tilespmem:s25+$0xFFFFFFF0];
	v21 =	vadd.s32 v19, v21;
	s25 =	smov.u32 s23;
	s23 =	smov.u32 s26  }
0x28e: {  	v27 =	vmov s1;
	v35 =	vshrl.u32 v35, $0x3;
	[tilespmem:v26+s15+$0x0] =	vst.idx.msk $0xffff, v24;
	v24 =	vld [tilespmem:s25+$0xA0];
	v26 =	vadd.s32 v14, v20  }
0x28f: {  	v27 =	vshrl.u32 v27, $0x3;
	v35 =	vshll.u32 v35, v4;
	[tilespmem:v33+s15+$0x0] =	vst.idx.msk $0xffff, v31;
	v31 =	vld [tilespmem:s25+$0xFFFFFFA0];
	v33 =	vadd.s32 v14, v28  }
0x290: {  	v29 =	vadd.s32 v9, v29;
	s7 =	sadd.s32 $0xB, s0;
	v27 =	vshll.u32 v27, v4;
	v35 =	vbroadcast v35, $0x0;
	[tilespmem:v34+s15+$0x0] =	vst.idx.msk $0xffff, v32;
	v32 =	vld [tilespmem:s26+$0x50]  }
0x291: {  	v30 =	vadd.s32 v9, v30;
	s8 =	sadd.s32 $0x3, s0;
	v36 =	vmov s7;
	v27 =	vbroadcast v27, $0x0;
	s26 =	sadd.s32 $0x200, s26;
	v34 =	vld [tilespmem:s23+$0xFFFFFF50];
	[tilespmem:v23+s15+$0x0] =	vst.idx.msk $0xffff, v22  }
0x292: {  	v37 =	vmov s8;
	v36 =	vshrl.u32 v36, $0x3;
	v22 =	vld [tilespmem:s26+$0x0];
	v23 =	vadd.s32 v1, v35;
	[tilespmem:v21+s15+$0x0] =	vst.idx.msk $0xffff, v25  }
0x293: {  	v37 =	vshrl.u32 v37, $0x3;
	v36 =	vshll.u32 v36, v4;
	v25 =	vadd.s32 v1, v27;
	v21 =	vld [tilespmem:s26+$0xFFFFFF00];
	[tilespmem:v26+s15+$0x0] =	vst.idx.msk $0xffff, v24  }
0x294: {  	v20 =	vadd.s32 v15, v20;
	s7 =	sadd.s32 $0xE, s24;
	v24 =	vshll.u32 v37, v4;
	v26 =	vbroadcast v36, $0x0;
	[tilespmem:v33+s15+$0x0] =	vst.idx.msk $0xffff, v31;
	v31 =	vld [tilespmem:s25+$0xB0]  }
0x295: {  	s8 =	sadd.s32 $0x6, s24;
	v28 =	vadd.s32 v15, v28;
	v24 =	vbroadcast v24, $0x0;
	[tilespmem:v29+s15+$0x0] =	vst.idx.msk $0xffff, v32;
	v29 =	vld [tilespmem:s25+$0xFFFFFFB0];
	v32 =	vmov s7  }
0x296: {  	v33 =	vadd.s32 v10, v26;
	[tilespmem:v30+s15+$0x0] =	vst.idx.msk $0xffff, v34;
	v30 =	vld [tilespmem:s23+$0x60];
	v34 =	vmov s8;
	v32 =	vshrl.u32 v32, $0x3  }
0x297: {  	[tilespmem:v23+s15+$0x0] =	vst.idx.msk $0xffff, v22;
	v22 =	vld [tilespmem:s23+$0xFFFFFF60];
	v23 =	vadd.s32 v10, v24;
	v34 =	vshrl.u32 v34, $0x3;
	v32 =	vshll.u32 v32, v4  }
0x298: {  	s7 =	sadd.s32 $0x9, s1;
	[tilespmem:v25+s15+$0x0] =	vst.idx.msk $0xffff, v21;
	v21 =	vld [tilespmem:s26+$0x10];
	v25 =	vadd.s32 v5, v35;
	v34 =	vshll.u32 v34, v4;
	v32 =	vbroadcast v32, $0x0  }
0x299: {  	v27 =	vadd.s32 v5, v27;
	s8 =	sadd.s32 $0x1, s1;
	v36 =	vmov s7;
	v35 =	vld [tilespmem:s26+$0xFFFFFF10];
	v34 =	vbroadcast v34, $0x0;
	[tilespmem:v20+s15+$0x0] =	vst.idx.msk $0xffff, v31  }
0x29a: {  	v20 =	vmov s8;
	v31 =	vshrl.u32 v36, $0x3;
	[tilespmem:v28+s15+$0x0] =	vst.idx.msk $0xffff, v29;
	v28 =	vld [tilespmem:s25+$0xC0];
	v29 =	vadd.s32 v16, v32  }
0x29b: {  	v20 =	vshrl.u32 v20, $0x3;
	v31 =	vshll.u32 v31, v4;
	[tilespmem:v33+s15+$0x0] =	vst.idx.msk $0xffff, v30;
	v30 =	vld [tilespmem:s25+$0xFFFFFFC0];
	v33 =	vadd.s32 v16, v34  }
0x29c: {  	s7 =	sadd.s32 $0xC, s0;
	v20 =	vshll.u32 v20, v4;
	v31 =	vbroadcast v31, $0x0;
	[tilespmem:v23+s15+$0x0] =	vst.idx.msk $0xffff, v22;
	v22 =	vld [tilespmem:s23+$0x70];
	v23 =	vadd.s32 v11, v26  }
0x29d: {  	v24 =	vadd.s32 v11, v24;
	s8 =	sadd.s32 $0x4, s0;
	v20 =	vbroadcast v20, $0x0;
	[tilespmem:v25+s15+$0x0] =	vst.idx.msk $0xffff, v21;
	v21 =	vld [tilespmem:s23+$0xFFFFFF70];
	v25 =	vmov s7  }
0x29e: {  	[tilespmem:v27+s15+$0x0] =	vst.idx.msk $0xffff, v35;
	v26 =	vld [tilespmem:s26+$0x20];
	v27 =	vadd.s32 v6, v31;
	v35 =	vmov s8;
	v25 =	vshrl.u32 v25, $0x3  }
0x29f: {  	v37 =	vadd.s32 v6, v20;
	v36 =	vld [tilespmem:s26+$0xFFFFFF20];
	v35 =	vshrl.u32 v35, $0x3;
	v25 =	vshll.u32 v25, v4;
	[tilespmem:v29+s15+$0x0] =	vst.idx.msk $0xffff, v28  }
0x2a0: {  	s7 =	sadd.s32 $0xF, s24;
	v29 =	vadd.s32 v17, v32;
	v28 =	vshll.u32 v35, v4;
	v35 =	vbroadcast v25, $0x0;
	[tilespmem:v33+s15+$0x0] =	vst.idx.msk $0xffff, v30;
	v25 =	vld [tilespmem:s25+$0xD0]  }
0x2a1: {  	s8 =	sadd.s32 $0x7, s24;
	s24 =	smov.u32 s0;
	s0 =	smov.u32 s1;
	v30 =	vmov s7;
	v28 =	vbroadcast v28, $0x0;
	[tilespmem:v23+s15+$0x0] =	vst.idx.msk $0xffff, v22;
	v22 =	vld [tilespmem:s25+$0xFFFFFFD0];
	v23 =	vadd.s32 v17, v34  }
0x2a2: {  	s1 =	smov.u32 s6;
	v30 =	vshrl.u32 v30, $0x3;
	[tilespmem:v24+s15+$0x0] =	vst.idx.msk $0xffff, v21;
	v24 =	vld [tilespmem:s23+$0x80];
	v32 =	vadd.s32 v12, v35;
	v21 =	vmov s8  }
0x2a3: {  	v30 =	vshll.u32 v30, v4;
	[tilespmem:v27+s15+$0x0] =	vst.idx.msk $0xffff, v26;
	v26 =	vld [tilespmem:s23+$0xFFFFFF80];
	v27 =	vadd.s32 v12, v28;
	v21 =	vshrl.u32 v21, $0x3  }
0x2a4: {  	v31 =	vadd.s32 v7, v31;
	s7 =	sadd.s32 $0xA, s0;
	[tilespmem:v37+s15+$0x0] =	vst.idx.msk $0xffff, v36;
	v33 =	vld [tilespmem:s26+$0x30];
	v21 =	vshll.u32 v21, v4;
	v36 =	vbroadcast v30, $0x0  }
0x2a5: {  	v20 =	vadd.s32 v7, v20;
	s8 =	sadd.s32 $0x2, s0;
	v30 =	vmov s7;
	v34 =	vld [tilespmem:s26+$0xFFFFFF30];
	v21 =	vbroadcast v21, $0x0;
	[tilespmem:v29+s15+$0x0] =	vst.idx.msk $0xffff, v25  }
0x2a6: {  	v25 =	vmov s8;
	v29 =	vshrl.u32 v30, $0x3;
	[tilespmem:v23+s15+$0x0] =	vst.idx.msk $0xffff, v22;
	v22 =	vld [tilespmem:s25+$0xE0];
	v23 =	vadd.s32 v18, v36  }
0x2a7: {  	v25 =	vshrl.u32 v25, $0x3;
	v29 =	vshll.u32 v29, v4;
	[tilespmem:v32+s15+$0x0] =	vst.idx.msk $0xffff, v24;
	v37 =	vld [tilespmem:s25+$0xFFFFFFE0];
	v38 =	vadd.s32 v18, v21  }
.Ltmp9:
0x2a8: {  	s7 =	sadd.s32 $0xD, s24;
	v24 =	vshll.u32 v25, v4;
	v29 =	vbroadcast v29, $0x0;
	[tilespmem:v27+s15+$0x0] =	vst.idx.msk $0xffff, v26;
	v25 =	vld [tilespmem:s23+$0x90];
	v27 =	vadd.s32 v13, v35;
	(pc) =	sbr.rel @p0 .LBB2_20-.Ltmp9, $4  }
0x2a9: {  	s8 =	sadd.s32 $0x5, s24;
	v30 =	vbroadcast v24, $0x0;
	v26 =	vadd.s32 v13, v28;
	v28 =	vmov s7;
	[tilespmem:v31+s15+$0x0] =	vst.idx.msk $0xffff, v33;
	v24 =	vld [tilespmem:s23+$0xFFFFFF90]  }
0x2aa: {  	v33 =	vadd.s32 v8, v29;
	v28 =	vshrl.u32 v28, $0x3;
	[tilespmem:v20+s15+$0x0] =	vst.idx.msk $0xffff, v34;
	v31 =	vld [tilespmem:s26+$0x40];
	v20 =	vmov s8  }
0x2ab: {  	v34 =	vadd.s32 v8, v30;
	v35 =	vshll.u32 v28, v4;
	v32 =	vld [tilespmem:s26+$0xFFFFFF40];
	v20 =	vshrl.u32 v20, $0x3;
	[tilespmem:v23+s15+$0x0] =	vst.idx.msk $0xffff, v22  }
0x2ac: {  	s6 =	sadd.s32 $0x10, s6;
	s7 =	sadd.s32 $0x8, s1;
	v23 =	vadd.s32 v19, v36;
	v28 =	vshll.u32 v20, v4;
	v20 =	vbroadcast v35, $0x0;
	[tilespmem:v38+s15+$0x0] =	vst.idx.msk $0xffff, v37;
	v22 =	vld [tilespmem:s25+$0xF0]  }
0x2ad: {  	v35 =	vmov s7  }
0x2ae: {  	v36 =	vmov s1;
	v35 =	vshrl.u32 v35, $0x3  }
0x2af: {  	v36 =	vshrl.u32 v36, $0x3;
	v35 =	vshll.u32 v35, v4  }
0x2b0: {  	v36 =	vshll.u32 v36, v4;
	v35 =	vbroadcast v35, $0x0  }
0x2b1: {  	s6 =	sadd.s32 $0x200, s26;
	v36 =	vbroadcast v36, $0x0  }
0x2b2: {  	v37 =	vld [tilespmem:s6+$0x0];
	v38 =	vadd.s32 v1, v35  }
0x2b3: {  	v39 =	vld [tilespmem:s6+$0xFFFFFF00];
	v40 =	vadd.s32 v1, v36;
	_ =	sdelay $0x3  }
0x2b4: {  	[tilespmem:v38+s15+$0x0] =	vst.idx.msk $0xffff, v37  }
0x2b5: {  	s8 =	sadd.s32 $0x9, s1;
	v35 =	vadd.s32 v5, v35;
	[tilespmem:v40+s15+$0x0] =	vst.idx.msk $0xffff, v39;
	v37 =	vld [tilespmem:s6+$0x10]  }
0x2b6: {  	s28 =	sadd.s32 $0x1, s1;
	v55 =	vmov s8;
	v36 =	vadd.s32 v5, v36;
	v54 =	vld [tilespmem:s6+$0xFFFFFF10]  }
0x2b7: {  	v56 =	vmov s28;
	v39 =	vshrl.u32 v55, $0x3  }
0x2b8: {  	v40 =	vshrl.u32 v56, $0x3;
	v39 =	vshll.u32 v39, v4  }
0x2b9: {  	v40 =	vshll.u32 v40, v4;
	v39 =	vbroadcast v39, $0x0  }
0x2ba: {  	v40 =	vbroadcast v40, $0x0;
	[tilespmem:v35+s15+$0x0] =	vst.idx.msk $0xffff, v37  }
0x2bb: {  	v57 =	vadd.s32 v6, v39;
	[tilespmem:v36+s15+$0x0] =	vst.idx.msk $0xffff, v54;
	v35 =	vld [tilespmem:s6+$0x20]  }
0x2bc: {  	v59 =	vadd.s32 v6, v40;
	v58 =	vld [tilespmem:s6+$0xFFFFFF20];
	_ =	sdelay $0x3  }
0x2bd: {  	[tilespmem:v57+s15+$0x0] =	vst.idx.msk $0xffff, v35  }
0x2be: {  	s29 =	sadd.s32 $0xA, s1;
	v60 =	vadd.s32 v7, v39;
	[tilespmem:v59+s15+$0x0] =	vst.idx.msk $0xffff, v58;
	v35 =	vld [tilespmem:s6+$0x30]  }
0x2bf: {  	s30 =	sadd.s32 $0x2, s1;
	v62 =	vmov s29;
	v61 =	vadd.s32 v7, v40;
	v37 =	vld [tilespmem:s6+$0xFFFFFF30]  }
0x2c0: {  	v63 =	vmov s30;
	v39 =	vshrl.u32 v62, $0x3  }
0x2c1: {  	v40 =	vshrl.u32 v63, $0x3;
	v39 =	vshll.u32 v39, v4  }
0x2c2: {  	v40 =	vshll.u32 v40, v4;
	v39 =	vbroadcast v39, $0x0  }
0x2c3: {  	v40 =	vbroadcast v40, $0x0;
	[tilespmem:v60+s15+$0x0] =	vst.idx.msk $0xffff, v35  }
0x2c4: {  	v41 =	vadd.s32 v8, v39;
	[tilespmem:v61+s15+$0x0] =	vst.idx.msk $0xffff, v37;
	v35 =	vld [tilespmem:s6+$0x40]  }
0x2c5: {  	v42 =	vadd.s32 v8, v40;
	v37 =	vld [tilespmem:s6+$0xFFFFFF40];
	_ =	sdelay $0x1  }
0x2c6: {  	s31 =	sadd.s32 $0xB, s0;
	[tilespmem:v33+s15+$0x0] =	vst.idx.msk $0xffff, v31  }
0x2c7: {  	v29 =	vadd.s32 v9, v29;
	v43 =	vmov s31;
	s8 =	sadd.s32 $0x3, s0;
	s28 =	sadd.s32 $0xB, s1;
	[tilespmem:v34+s15+$0x0] =	vst.idx.msk $0xffff, v32;
	v31 =	vld [tilespmem:s26+$0x50]  }
0x2c8: {  	v30 =	vadd.s32 v9, v30;
	s29 =	sadd.s32 $0x3, s1;
	v45 =	vmov s8;
	v48 =	vmov s28;
	v44 =	vld [tilespmem:s26+$0xFFFFFF50];
	[tilespmem:v41+s15+$0x0] =	vst.idx.msk $0xffff, v35  }
0x2c9: {  	v49 =	vmov s29;
	v32 =	vshrl.u32 v43, $0x3;
	v46 =	vadd.s32 v9, v39;
	[tilespmem:v42+s15+$0x0] =	vst.idx.msk $0xffff, v37;
	v35 =	vld [tilespmem:s6+$0x50]  }
0x2ca: {  	v34 =	vshrl.u32 v45, $0x3;
	v32 =	vshll.u32 v32, v4;
	v47 =	vadd.s32 v9, v40;
	v37 =	vld [tilespmem:s6+$0xFFFFFF50]  }
0x2cb: {  	v34 =	vshll.u32 v34, v4;
	v32 =	vbroadcast v32, $0x0;
	v39 =	vshrl.u32 v48, $0x3  }
0x2cc: {  	v50 =	vshrl.u32 v49, $0x3;
	v34 =	vbroadcast v34, $0x0;
	[tilespmem:v29+s15+$0x0] =	vst.idx.msk $0xffff, v31;
	v51 =	vshll.u32 v39, v4  }
0x2cd: {  	v53 =	vadd.s32 v10, v32;
	v29 =	vshll.u32 v50, v4;
	[tilespmem:v30+s15+$0x0] =	vst.idx.msk $0xffff, v44;
	v52 =	vld [tilespmem:s26+$0x60];
	v31 =	vbroadcast v51, $0x0  }
0x2ce: {  	v29 =	vbroadcast v29, $0x0;
	v55 =	vadd.s32 v10, v34;
	v54 =	vld [tilespmem:s26+$0xFFFFFF60];
	[tilespmem:v46+s15+$0x0] =	vst.idx.msk $0xffff, v35  }
0x2cf: {  	v56 =	vadd.s32 v10, v31;
	[tilespmem:v47+s15+$0x0] =	vst.idx.msk $0xffff, v37;
	v35 =	vld [tilespmem:s6+$0x60]  }
0x2d0: {  	v57 =	vadd.s32 v10, v29;
	v37 =	vld [tilespmem:s6+$0xFFFFFF60];
	_ =	sdelay $0x1  }
0x2d1: {  	s28 =	sadd.s32 $0x4, s1;
	[tilespmem:v53+s15+$0x0] =	vst.idx.msk $0xffff, v52  }
0x2d2: {  	s30 =	sadd.s32 $0xC, s0;
	s31 =	sadd.s32 $0x4, s0;
	v32 =	vadd.s32 v11, v32;
	v62 =	vmov s28;
	v30 =	vld [tilespmem:s26+$0x70];
	[tilespmem:v55+s15+$0x0] =	vst.idx.msk $0xffff, v54  }
0x2d3: {  	v34 =	vadd.s32 v11, v34;
	v58 =	vmov s30;
	v39 =	vld [tilespmem:s26+$0xFFFFFF70];
	v59 =	vmov s31;
	[tilespmem:v56+s15+$0x0] =	vst.idx.msk $0xffff, v35  }
0x2d4: {  	s8 =	sadd.s32 $0xC, s1;
	v31 =	vadd.s32 v11, v31;
	v29 =	vadd.s32 v11, v29;
	v33 =	vshrl.u32 v58, $0x3;
	[tilespmem:v57+s15+$0x0] =	vst.idx.msk $0xffff, v37;
	v36 =	vld [tilespmem:s6+$0x70]  }
0x2d5: {  	v33 =	vshll.u32 v33, v4;
	v60 =	vshrl.u32 v59, $0x3;
	v61 =	vmov s8;
	v37 =	vld [tilespmem:s6+$0xFFFFFF70]  }
0x2d6: {  	[tilespmem:v27+s15+$0x0] =	vst.idx.msk $0xffff, v25;
	v33 =	vbroadcast v33, $0x0;
	v38 =	vshrl.u32 v61, $0x3;
	v35 =	vshll.u32 v60, v4  }
0x2d7: {  	v40 =	vshrl.u32 v62, $0x3;
	[tilespmem:v32+s15+$0x0] =	vst.idx.msk $0xffff, v30;
	v41 =	vshll.u32 v38, v4;
	v63 =	vbroadcast v35, $0x0  }
0x2d8: {  	v32 =	vshll.u32 v40, v4;
	[tilespmem:v34+s15+$0x0] =	vst.idx.msk $0xffff, v39;
	v43 =	vadd.s32 v12, v33;
	v42 =	vld [tilespmem:s26+$0x80];
	v35 =	vbroadcast v41, $0x0  }
0x2d9: {  	v32 =	vbroadcast v32, $0x0;
	v39 =	vld [tilespmem:s26+$0xFFFFFF80];
	v44 =	vadd.s32 v12, v63;
	[tilespmem:v31+s15+$0x0] =	vst.idx.msk $0xffff, v36  }
0x2da: {  	v46 =	vadd.s32 v12, v35;
	[tilespmem:v29+s15+$0x0] =	vst.idx.msk $0xffff, v37;
	v45 =	vld [tilespmem:s6+$0x80]  }
0x2db: {  	v28 =	vbroadcast v28, $0x0;
	[tilespmem:v26+s15+$0x0] =	vst.idx.msk $0xffff, v24;
	v48 =	vadd.s32 v12, v32;
	v47 =	vld [tilespmem:s6+$0xFFFFFF80]  }
0x2dc: {  	v21 =	vadd.s32 v19, v21;
	v24 =	vadd.s32 v14, v20;
	s29 =	sadd.s32 $0xE, s24;
	[tilespmem:v23+s15+$0x0] =	vst.idx.msk $0xffff, v22;
	v50 =	vld [tilespmem:s25+$0xFFFFFFF0];
	s30 =	sadd.s32 $0x6, s24  }
0x2dd: {  	v49 =	vmov s29;
	s31 =	sadd.s32 $0xD, s0;
	v51 =	vmov s30;
	v34 =	vadd.s32 v14, v28;
	[tilespmem:v43+s15+$0x0] =	vst.idx.msk $0xffff, v42;
	v42 =	vld [tilespmem:s23+$0xFFFFFFA0]  }
0x2de: {  	v53 =	vmov s31;
	v32 =	vadd.s32 v13, v32;
	v33 =	vadd.s32 v13, v33;
	s8 =	sadd.s32 $0x5, s0;
	v52 =	vld [tilespmem:s26+$0x90];
	[tilespmem:v44+s15+$0x0] =	vst.idx.msk $0xffff, v39  }
0x2df: {  	v28 =	vadd.s32 v15, v28;
	v55 =	vmov s8;
	s8 =	sadd.s32 $0xD, s1;
	v30 =	vadd.s32 v13, v63;
	v54 =	vld [tilespmem:s26+$0xFFFFFF90];
	[tilespmem:v46+s15+$0x0] =	vst.idx.msk $0xffff, v45  }
0x2e0: {  	s25 =	sadd.s32 $0x5, s1;
	v60 =	vmov s8;
	v57 =	vadd.s32 v13, v35;
	v39 =	vshrl.u32 v53, $0x3;
	[tilespmem:v48+s15+$0x0] =	vst.idx.msk $0xffff, v47;
	v56 =	vld [tilespmem:s6+$0x90]  }
0x2e1: {  	[tilespmem:v21+s15+$0x0] =	vst.idx.msk $0xffff, v50;
	v63 =	vmov s25;
	v36 =	vshrl.u32 v55, $0x3;
	v39 =	vshll.u32 v39, v4;
	v59 =	vld [tilespmem:s6+$0xFFFFFF90]  }
0x2e2: {  	v61 =	vld [tilespmem:s23+$0xA0];
	[tilespmem:v34+s15+$0x0] =	vst.idx.msk $0xffff, v42;
	v35 =	vshrl.u32 v60, $0x3;
	v58 =	vshll.u32 v36, v4;
	v62 =	vbroadcast v39, $0x0  }
0x2e3: {  	[tilespmem:v33+s15+$0x0] =	vst.idx.msk $0xffff, v52;
	v43 =	vshrl.u32 v63, $0x3;
	v55 =	vld [tilespmem:s23+$0xFFFFFFB0];
	v22 =	vbroadcast v58, $0x0;
	v44 =	vshll.u32 v35, v4  }
0x2e4: {  	v31 =	vshll.u32 v43, v4;
	v33 =	vbroadcast v44, $0x0;
	v45 =	vld [tilespmem:s26+$0xA0];
	v46 =	vadd.s32 v14, v62;
	[tilespmem:v30+s15+$0x0] =	vst.idx.msk $0xffff, v54  }
0x2e5: {  	v38 =	vshrl.u32 v51, $0x3;
	v31 =	vbroadcast v31, $0x0;
	v48 =	vadd.s32 v14, v22;
	v47 =	vld [tilespmem:s26+$0xFFFFFFA0];
	[tilespmem:v57+s15+$0x0] =	vst.idx.msk $0xffff, v56  }
0x2e6: {  	v26 =	vshrl.u32 v49, $0x3;
	v49 =	vshll.u32 v38, v4;
	v51 =	vadd.s32 v14, v33;
	[tilespmem:v32+s15+$0x0] =	vst.idx.msk $0xffff, v59;
	v50 =	vld [tilespmem:s6+$0xA0]  }
0x2e7: {  	[tilespmem:v24+s15+$0x0] =	vst.idx.msk $0xffff, v61;
	v25 =	vbroadcast v49, $0x0;
	v53 =	vadd.s32 v14, v31;
	v52 =	vld [tilespmem:s6+$0xFFFFFFA0]  }
0x2e8: {  	v20 =	vadd.s32 v15, v20;
	s30 =	sadd.s32 $0xE, s0;
	[tilespmem:v28+s15+$0x0] =	vst.idx.msk $0xffff, v55;
	v54 =	vld [tilespmem:s23+$0xB0]  }
0x2e9: {  	v26 =	vshll.u32 v26, v4;
	v60 =	vmov s30;
	v39 =	vadd.s32 v16, v25;
	[tilespmem:v46+s15+$0x0] =	vst.idx.msk $0xffff, v45;
	v46 =	vld [tilespmem:s23+$0xFFFFFFC0]  }
0x2ea: {  	s29 =	sadd.s32 $0x7, s24;
	s28 =	sadd.s32 $0xF, s24;
	s24 =	sadd.s32 $0xE, s1;
	v24 =	vbroadcast v26, $0x0;
	v37 =	vshrl.u32 v60, $0x3;
	v21 =	vadd.s32 v15, v62;
	v59 =	vld [tilespmem:s26+$0xB0];
	[tilespmem:v48+s15+$0x0] =	vst.idx.msk $0xffff, v47  }
0x2eb: {  	s31 =	sadd.s32 $0x6, s0;
	v43 =	vmov s24;
	v40 =	vshll.u32 v37, v4;
	v22 =	vadd.s32 v15, v22;
	v61 =	vld [tilespmem:s26+$0xFFFFFFB0];
	[tilespmem:v51+s15+$0x0] =	vst.idx.msk $0xffff, v50  }
0x2ec: {  	v34 =	vshrl.u32 v43, $0x3;
	v33 =	vadd.s32 v15, v33;
	v62 =	vmov s31;
	[tilespmem:v53+s15+$0x0] =	vst.idx.msk $0xffff, v52;
	v41 =	vld [tilespmem:s6+$0xB0]  }
0x2ed: {  	s25 =	sadd.s32 $0x6, s1;
	v27 =	vbroadcast v40, $0x0;
	v31 =	vadd.s32 v15, v31;
	v63 =	vshrl.u32 v62, $0x3;
	[tilespmem:v20+s15+$0x0] =	vst.idx.msk $0xffff, v54;
	v42 =	vld [tilespmem:s6+$0xFFFFFFB0]  }
0x2ee: {  	v45 =	vmov s25;
	v56 =	vadd.s32 v16, v24;
	v20 =	vshll.u32 v63, v4;
	v44 =	vld [tilespmem:s23+$0xC0];
	[tilespmem:v39+s15+$0x0] =	vst.idx.msk $0xffff, v46  }
0x2ef: {  	v34 =	vshll.u32 v34, v4;
	v20 =	vbroadcast v20, $0x0;
	v47 =	vshrl.u32 v45, $0x3;
	[tilespmem:v21+s15+$0x0] =	vst.idx.msk $0xffff, v59  }
0x2f0: {  	v34 =	vbroadcast v34, $0x0;
	v49 =	vadd.s32 v16, v27;
	v35 =	vshll.u32 v47, v4;
	v48 =	vld [tilespmem:s26+$0xC0];
	[tilespmem:v22+s15+$0x0] =	vst.idx.msk $0xffff, v61  }
0x2f1: {  	v58 =	vmov s29;
	v35 =	vbroadcast v35, $0x0;
	v51 =	vadd.s32 v16, v20;
	v50 =	vld [tilespmem:s26+$0xFFFFFFC0];
	[tilespmem:v33+s15+$0x0] =	vst.idx.msk $0xffff, v41  }
0x2f2: {  	v30 =	vshrl.u32 v58, $0x3;
	v57 =	vmov s28;
	v53 =	vadd.s32 v16, v34;
	[tilespmem:v31+s15+$0x0] =	vst.idx.msk $0xffff, v42;
	v52 =	vld [tilespmem:s6+$0xC0]  }
0x2f3: {  	v29 =	vshrl.u32 v57, $0x3;
	v54 =	vshll.u32 v30, v4;
	[tilespmem:v56+s15+$0x0] =	vst.idx.msk $0xffff, v44;
	v56 =	vadd.s32 v16, v35;
	v55 =	vld [tilespmem:s6+$0xFFFFFFC0]  }
0x2f4: {  	v25 =	vadd.s32 v17, v25;
	v29 =	vshll.u32 v29, v4;
	v28 =	vbroadcast v54, $0x0;
	v58 =	vld [tilespmem:s23+$0xFFFFFFD0]  }
0x2f5: {  	s29 =	sadd.s32 $0x7, s0;
	v27 =	vadd.s32 v17, v27;
	v24 =	vadd.s32 v17, v24;
	s28 =	sadd.s32 $0xF, s0;
	v29 =	vbroadcast v29, $0x0;
	v57 =	vld [tilespmem:s23+$0xD0];
	[tilespmem:v49+s15+$0x0] =	vst.idx.msk $0xffff, v48  }
0x2f6: {  	s31 =	sadd.s32 $0x7, s1;
	v62 =	vmov s28;
	v60 =	vadd.s32 v18, v28;
	v39 =	vmov s29;
	v61 =	vld [tilespmem:s26+$0xD0];
	[tilespmem:v51+s15+$0x0] =	vst.idx.msk $0xffff, v50  }
0x2f7: {  	v46 =	vmov s31;
	v59 =	vadd.s32 v18, v29;
	v20 =	vadd.s32 v17, v20;
	v63 =	vld [tilespmem:s26+$0xFFFFFFD0];
	[tilespmem:v53+s15+$0x0] =	vst.idx.msk $0xffff, v52  }
0x2f8: {  	s30 =	sadd.s32 $0xF, s1;
	v34 =	vadd.s32 v17, v34;
	v43 =	vadd.s32 v17, v35;
	v33 =	vshrl.u32 v62, $0x3;
	[tilespmem:v56+s15+$0x0] =	vst.idx.msk $0xffff, v55;
	v40 =	vld [tilespmem:s6+$0xD0]  }
0x2f9: {  	v44 =	vmov s30;
	[tilespmem:v25+s15+$0x0] =	vst.idx.msk $0xffff, v58;
	v31 =	vshrl.u32 v39, $0x3;
	v33 =	vshll.u32 v33, v4;
	v42 =	vld [tilespmem:s6+$0xFFFFFFD0]  }
0x2fa: {  	v35 =	vshrl.u32 v44, $0x3;
	v37 =	vld [tilespmem:s23+$0xFFFFFFE0];
	[tilespmem:v24+s15+$0x0] =	vst.idx.msk $0xffff, v57;
	v41 =	vshll.u32 v31, v4;
	v33 =	vbroadcast v33, $0x0  }
0x2fb: {  	v47 =	vshrl.u32 v46, $0x3;
	v48 =	vshll.u32 v35, v4;
	v45 =	vld [tilespmem:s23+$0xE0];
	v21 =	vbroadcast v41, $0x0;
	[tilespmem:v27+s15+$0x0] =	vst.idx.msk $0xffff, v61  }
0x2fc: {  	v32 =	vbroadcast v48, $0x0;
	v49 =	vadd.s32 v18, v33;
	v27 =	vshll.u32 v47, v4;
	[tilespmem:v20+s15+$0x0] =	vst.idx.msk $0xffff, v63;
	v20 =	vld [tilespmem:s26+$0xE0]  }
0x2fd: {  	v51 =	vadd.s32 v18, v21;
	v27 =	vbroadcast v27, $0x0;
	v50 =	vld [tilespmem:s26+$0xFFFFFFE0];
	[tilespmem:v34+s15+$0x0] =	vst.idx.msk $0xffff, v40  }
0x2fe: {  	v53 =	vadd.s32 v18, v32;
	[tilespmem:v43+s15+$0x0] =	vst.idx.msk $0xffff, v42;
	v52 =	vld [tilespmem:s6+$0xE0]  }
0x2ff: {  	[tilespmem:v60+s15+$0x0] =	vst.idx.msk $0xffff, v37;
	v55 =	vadd.s32 v18, v27;
	v54 =	vld [tilespmem:s6+$0xFFFFFFE0]  }
0x300: {  	v28 =	vadd.s32 v19, v28;
	v57 =	vld [tilespmem:s23+$0xFFFFFFF0];
	[tilespmem:v59+s15+$0x0] =	vst.idx.msk $0xffff, v45  }
0x301: {  	v29 =	vadd.s32 v19, v29;
	v56 =	vld [tilespmem:s23+$0xF0];
	[tilespmem:v49+s15+$0x0] =	vst.idx.msk $0xffff, v20  }
0x302: {  	v58 =	vadd.s32 v19, v33;
	[tilespmem:v51+s15+$0x0] =	vst.idx.msk $0xffff, v50;
	v20 =	vld [tilespmem:s26+$0xF0]  }
0x303: {  	v21 =	vadd.s32 v19, v21;
	v59 =	vld [tilespmem:s26+$0xFFFFFFF0];
	[tilespmem:v53+s15+$0x0] =	vst.idx.msk $0xffff, v52  }
0x304: {  	v61 =	vadd.s32 v19, v32;
	[tilespmem:v55+s15+$0x0] =	vst.idx.msk $0xffff, v54;
	v60 =	vld [tilespmem:s6+$0xF0]  }
0x305: {  	v63 =	vadd.s32 v19, v27;
	[tilespmem:v28+s15+$0x0] =	vst.idx.msk $0xffff, v57;
	v62 =	vld [tilespmem:s6+$0xFFFFFFF0]  }
0x306: {  	[tilespmem:v29+s15+$0x0] =	vst.idx.msk $0xffff, v56  }
0x307: {  	[tilespmem:v58+s15+$0x0] =	vst.idx.msk $0xffff, v20  }
0x308: {  	[tilespmem:v21+s15+$0x0] =	vst.idx.msk $0xffff, v59  }
0x309: {  	s7 =	sadd.s32 $0x0, s19;
	[tilespmem:v61+s15+$0x0] =	vst.idx.msk $0xffff, v60  }
0x30a: {  	s1 =	simm.s32 $0x800;
	s0 =	simm.s32 $0xE800;
	s6 =	simm.s32 $0xEA08;
	[tilespmem:v63+s15+$0x0] =	vst.idx.msk $0xffff, v62  }
.LBB2_22:
0x30b: {  	[hbm4b:s7+s2] =	stream.linear.scatter [tilespmem:s0], [sflag:$0x3], $0x200, $0x38;
	[tilespmem:$0x16A00] =	vst v63  }
0x30c: {  	s7 =	smov.u32 s1;
	s0 =	smov.u32 s6;
	p0 =	sne.s32 s1, $0xF800  }
.Ltmp10:
0x30d: {  	s1 =	sadd.s32 $0x800, s1;
	(pc) =	sbr.rel @p0 .LBB2_22-.Ltmp10, $2  }
0x30e: {  	_ =	sdelay $0x2  }
0x30f: {  	s6 =	sadd.s32 $0x208, s6;
	s7 =	sadd.s32 s7, s19  }
0x310: {  	[hbm4b:s7+s2] =	stream.linear.scatter [tilespmem:s0], [sflag:$0x3], $0x200, $0x38;
	[tilespmem:$0x16A00] =	vst v63  }
0x311: {  	s6 =	simm.s32 $0x8;
	_ =	swait.ge [sflag:s16], $0x4000  }
0x312: {  	s1 =	simm.s32 $0x0;
	v20 =	vmov s6;
	[sflag:s16] =	ssyncset.done $0x0  }
0x313: {  	v21 =	vmov s1;
	v20 =	vshrl.u32 v20, $0x3;
	[sflag:s16] =	ssyncadd.s32 $0xFFFFC000  }
0x314: {  	v21 =	vshrl.u32 v21, $0x3;
	v20 =	vshll.u32 v20, v4;
	_ =	swait.ge [sflag:s20], $0x4000  }
0x315: {  	v21 =	vshll.u32 v21, v4;
	v20 =	vbroadcast v20, $0x0;
	[sflag:s20] =	ssyncset.done $0x0  }
0x316: {  	s25 =	simm.s32 $0xA900;
	v21 =	vbroadcast v21, $0x0;
	[sflag:s20] =	ssyncadd.s32 $0xFFFFC000  }
0x317: {  	v23 =	vadd.s32 v1, v20;
	v22 =	vld [tilespmem:s25+$0x0]  }
0x318: {  	v25 =	vadd.s32 v1, v21;
	v24 =	vld [tilespmem:s25+$0xFFFFFF00];
	_ =	sdelay $0x3  }
0x319: {  	[tilespmem:v23+s17+$0x0] =	vst.idx.msk $0xffff, v22  }
0x31a: {  	s7 =	simm.s32 $0x9;
	v20 =	vadd.s32 v5, v20;
	[tilespmem:v25+s17+$0x0] =	vst.idx.msk $0xffff, v24;
	v22 =	vld [tilespmem:s25+$0x10]  }
0x31b: {  	s8 =	simm.s32 $0x1;
	v21 =	vadd.s32 v5, v21;
	v24 =	vmov s7;
	v23 =	vld [tilespmem:s25+$0xFFFFFF10]  }
0x31c: {  	v25 =	vmov s8;
	v24 =	vshrl.u32 v24, $0x3  }
0x31d: {  	v25 =	vshrl.u32 v25, $0x3;
	v24 =	vshll.u32 v24, v4  }
0x31e: {  	v25 =	vshll.u32 v25, v4;
	v24 =	vbroadcast v24, $0x0  }
0x31f: {  	v25 =	vbroadcast v25, $0x0;
	[tilespmem:v20+s17+$0x0] =	vst.idx.msk $0xffff, v22  }
0x320: {  	[tilespmem:v21+s17+$0x0] =	vst.idx.msk $0xffff, v23;
	v21 =	vadd.s32 v6, v24;
	v20 =	vld [tilespmem:s25+$0x20]  }
0x321: {  	v23 =	vadd.s32 v6, v25;
	v22 =	vld [tilespmem:s25+$0xFFFFFF20];
	_ =	sdelay $0x3  }
0x322: {  	[tilespmem:v21+s17+$0x0] =	vst.idx.msk $0xffff, v20  }
0x323: {  	s23 =	simm.s32 $0xA;
	[tilespmem:v23+s17+$0x0] =	vst.idx.msk $0xffff, v22;
	v21 =	vadd.s32 v7, v24;
	v20 =	vld [tilespmem:s25+$0x30]  }
0x324: {  	s24 =	simm.s32 $0x2;
	v23 =	vadd.s32 v7, v25;
	v24 =	vmov s23;
	v22 =	vld [tilespmem:s25+$0xFFFFFF30]  }
0x325: {  	v25 =	vmov s24;
	v24 =	vshrl.u32 v24, $0x3  }
0x326: {  	v25 =	vshrl.u32 v25, $0x3;
	v24 =	vshll.u32 v24, v4  }
0x327: {  	v25 =	vshll.u32 v25, v4;
	v24 =	vbroadcast v24, $0x0  }
0x328: {  	v25 =	vbroadcast v25, $0x0;
	[tilespmem:v21+s17+$0x0] =	vst.idx.msk $0xffff, v20  }
0x329: {  	[tilespmem:v23+s17+$0x0] =	vst.idx.msk $0xffff, v22;
	v21 =	vadd.s32 v8, v24;
	v20 =	vld [tilespmem:s25+$0x40]  }
0x32a: {  	v23 =	vadd.s32 v8, v25;
	v22 =	vld [tilespmem:s25+$0xFFFFFF40]  }
0x32b: {  	s26 =	simm.s32 $0x18  }
0x32c: {  	v26 =	vmov s26;
	s24 =	simm.s32 $0x10  }
0x32d: {  	v26 =	vshrl.u32 v26, $0x3;
	v27 =	vmov s24  }
0x32e: {  	v26 =	vshll.u32 v26, v4;
	v27 =	vshrl.u32 v27, $0x3;
	[tilespmem:v21+s17+$0x0] =	vst.idx.msk $0xffff, v20  }
0x32f: {  	s28 =	simm.s32 $0xB;
	v20 =	vshll.u32 v27, v4;
	v21 =	vbroadcast v26, $0x0;
	[tilespmem:v23+s17+$0x0] =	vst.idx.msk $0xffff, v22;
	v23 =	vadd.s32 v9, v24;
	v22 =	vld [tilespmem:s25+$0x50]  }
0x330: {  	s29 =	simm.s32 $0x3;
	s23 =	simm.s32 $0xAB00;
	v25 =	vadd.s32 v9, v25;
	v26 =	vmov s28;
	v20 =	vbroadcast v20, $0x0;
	v24 =	vld [tilespmem:s25+$0xFFFFFF50]  }
0x331: {  	v29 =	vmov s29;
	v27 =	vld [tilespmem:s23+$0x0];
	v26 =	vshrl.u32 v26, $0x3;
	v28 =	vadd.s32 v1, v21  }
0x332: {  	v29 =	vshrl.u32 v29, $0x3;
	v30 =	vld [tilespmem:s23+$0xFFFFFF00];
	v26 =	vshll.u32 v26, v4;
	v31 =	vadd.s32 v1, v20  }
0x333: {  	v29 =	vshll.u32 v29, v4;
	v26 =	vbroadcast v26, $0x0  }
0x334: {  	v29 =	vbroadcast v29, $0x0;
	[tilespmem:v23+s17+$0x0] =	vst.idx.msk $0xffff, v22  }
0x335: {  	[tilespmem:v25+s17+$0x0] =	vst.idx.msk $0xffff, v24;
	v23 =	vadd.s32 v10, v26;
	v22 =	vld [tilespmem:s25+$0x60]  }
0x336: {  	v25 =	vadd.s32 v10, v29;
	[tilespmem:v28+s17+$0x0] =	vst.idx.msk $0xffff, v27;
	v24 =	vld [tilespmem:s25+$0xFFFFFF60]  }
0x337: {  	s30 =	simm.s32 $0x19;
	v21 =	vadd.s32 v5, v21;
	[tilespmem:v31+s17+$0x0] =	vst.idx.msk $0xffff, v30;
	v27 =	vld [tilespmem:s23+$0x10]  }
0x338: {  	s31 =	simm.s32 $0x11;
	v20 =	vadd.s32 v5, v20;
	v30 =	vmov s30;
	v28 =	vld [tilespmem:s23+$0xFFFFFF10]  }
0x339: {  	v31 =	vmov s31;
	v30 =	vshrl.u32 v30, $0x3  }
0x33a: {  	v31 =	vshrl.u32 v31, $0x3;
	v30 =	vshll.u32 v30, v4;
	[tilespmem:v23+s17+$0x0] =	vst.idx.msk $0xffff, v22  }
0x33b: {  	s6 =	simm.s32 $0xC;
	v22 =	vshll.u32 v31, v4;
	v23 =	vbroadcast v30, $0x0;
	[tilespmem:v25+s17+$0x0] =	vst.idx.msk $0xffff, v24;
	v25 =	vadd.s32 v11, v26;
	v24 =	vld [tilespmem:s25+$0x70]  }
0x33c: {  	s7 =	simm.s32 $0x4;
	v26 =	vadd.s32 v11, v29;
	v22 =	vbroadcast v22, $0x0;
	[tilespmem:v21+s17+$0x0] =	vst.idx.msk $0xffff, v27;
	v21 =	vld [tilespmem:s25+$0xFFFFFF70];
	v27 =	vmov s6  }
0x33d: {  	v29 =	vmov s7;
	[tilespmem:v20+s17+$0x0] =	vst.idx.msk $0xffff, v28;
	v20 =	vld [tilespmem:s23+$0x20];
	v28 =	vadd.s32 v6, v23;
	v27 =	vshrl.u32 v27, $0x3  }
0x33e: {  	v29 =	vshrl.u32 v29, $0x3;
	v30 =	vld [tilespmem:s23+$0xFFFFFF20];
	v31 =	vadd.s32 v6, v22;
	v27 =	vshll.u32 v27, v4  }
0x33f: {  	v29 =	vshll.u32 v29, v4;
	v27 =	vbroadcast v27, $0x0  }
0x340: {  	v29 =	vbroadcast v29, $0x0;
	[tilespmem:v25+s17+$0x0] =	vst.idx.msk $0xffff, v24  }
0x341: {  	[tilespmem:v26+s17+$0x0] =	vst.idx.msk $0xffff, v21;
	v24 =	vadd.s32 v12, v27;
	v21 =	vld [tilespmem:s25+$0x80]  }
0x342: {  	v25 =	vadd.s32 v12, v29;
	[tilespmem:v28+s17+$0x0] =	vst.idx.msk $0xffff, v20;
	v20 =	vld [tilespmem:s25+$0xFFFFFF80]  }
0x343: {  	s8 =	simm.s32 $0x1A;
	v23 =	vadd.s32 v7, v23;
	[tilespmem:v31+s17+$0x0] =	vst.idx.msk $0xffff, v30;
	v26 =	vld [tilespmem:s23+$0x30]  }
0x344: {  	s26 =	simm.s32 $0x12;
	v22 =	vadd.s32 v7, v22;
	v30 =	vmov s8;
	v28 =	vld [tilespmem:s23+$0xFFFFFF30]  }
0x345: {  	v31 =	vmov s26;
	v30 =	vshrl.u32 v30, $0x3  }
0x346: {  	v31 =	vshrl.u32 v31, $0x3;
	v30 =	vshll.u32 v30, v4;
	[tilespmem:v24+s17+$0x0] =	vst.idx.msk $0xffff, v21  }
0x347: {  	s28 =	simm.s32 $0xD;
	v21 =	vshll.u32 v31, v4;
	v24 =	vbroadcast v30, $0x0;
	[tilespmem:v25+s17+$0x0] =	vst.idx.msk $0xffff, v20;
	v25 =	vadd.s32 v13, v27;
	v20 =	vld [tilespmem:s25+$0x90]  }
0x348: {  	s29 =	simm.s32 $0x5;
	v27 =	vmov s28;
	v21 =	vbroadcast v21, $0x0;
	[tilespmem:v23+s17+$0x0] =	vst.idx.msk $0xffff, v26;
	v23 =	vld [tilespmem:s25+$0xFFFFFF90];
	v26 =	vadd.s32 v13, v29  }
0x349: {  	v29 =	vmov s29;
	v27 =	vshrl.u32 v27, $0x3;
	[tilespmem:v22+s17+$0x0] =	vst.idx.msk $0xffff, v28;
	v22 =	vld [tilespmem:s23+$0x40];
	v28 =	vadd.s32 v8, v24  }
0x34a: {  	v29 =	vshrl.u32 v29, $0x3;
	v27 =	vshll.u32 v27, v4;
	v30 =	vld [tilespmem:s23+$0xFFFFFF40];
	v31 =	vadd.s32 v8, v21  }
0x34b: {  	s30 =	simm.s32 $0x28;
	v29 =	vshll.u32 v29, v4;
	v27 =	vbroadcast v27, $0x0  }
0x34c: {  	s0 =	simm.s32 $0x20;
	v32 =	vmov s30;
	v29 =	vbroadcast v29, $0x0;
	[tilespmem:v25+s17+$0x0] =	vst.idx.msk $0xffff, v20  }
0x34d: {  	v20 =	vmov s0;
	v25 =	vshrl.u32 v32, $0x3;
	[tilespmem:v26+s17+$0x0] =	vst.idx.msk $0xffff, v23;
	v26 =	vadd.s32 v14, v27;
	v23 =	vld [tilespmem:s25+$0xA0]  }
0x34e: {  	v20 =	vshrl.u32 v20, $0x3;
	v25 =	vshll.u32 v25, v4;
	[tilespmem:v28+s17+$0x0] =	vst.idx.msk $0xffff, v22;
	v22 =	vld [tilespmem:s25+$0xFFFFFFA0];
	v28 =	vadd.s32 v14, v29  }
0x34f: {  	s31 =	simm.s32 $0x1B;
	v24 =	vadd.s32 v9, v24;
	v20 =	vshll.u32 v20, v4;
	v25 =	vbroadcast v25, $0x0;
	[tilespmem:v31+s17+$0x0] =	vst.idx.msk $0xffff, v30;
	v30 =	vld [tilespmem:s23+$0x50]  }
0x350: {  	v47 =	vmov s31;
	s6 =	simm.s32 $0x13;
	s26 =	simm.s32 $0xAD00;
	v21 =	vadd.s32 v9, v21;
	v20 =	vbroadcast v20, $0x0;
	v31 =	vld [tilespmem:s23+$0xFFFFFF50]  }
0x351: {  	v35 =	vmov s6;
	v33 =	vld [tilespmem:s26+$0x0];
	v32 =	vshrl.u32 v47, $0x3;
	v34 =	vadd.s32 v1, v25  }
0x352: {  	v35 =	vshrl.u32 v35, $0x3;
	v36 =	vld [tilespmem:s26+$0xFFFFFF00];
	v32 =	vshll.u32 v32, v4;
	v37 =	vadd.s32 v1, v20;
	[tilespmem:v26+s17+$0x0] =	vst.idx.msk $0xffff, v23  }
0x353: {  	s7 =	simm.s32 $0xE;
	v27 =	vadd.s32 v15, v27;
	v23 =	vshll.u32 v35, v4;
	v26 =	vbroadcast v32, $0x0;
	[tilespmem:v28+s17+$0x0] =	vst.idx.msk $0xffff, v22;
	v22 =	vld [tilespmem:s25+$0xB0]  }
0x354: {  	s8 =	simm.s32 $0x6;
	v28 =	vadd.s32 v15, v29;
	v29 =	vmov s7;
	v23 =	vbroadcast v23, $0x0;
	[tilespmem:v24+s17+$0x0] =	vst.idx.msk $0xffff, v30;
	v24 =	vld [tilespmem:s25+$0xFFFFFFB0]  }
0x355: {  	v29 =	vshrl.u32 v29, $0x3;
	[tilespmem:v21+s17+$0x0] =	vst.idx.msk $0xffff, v31;
	v21 =	vld [tilespmem:s23+$0x60];
	v30 =	vadd.s32 v10, v26;
	v31 =	vmov s8  }
0x356: {  	v29 =	vshll.u32 v29, v4;
	[tilespmem:v34+s17+$0x0] =	vst.idx.msk $0xffff, v33;
	v48 =	vld [tilespmem:s23+$0xFFFFFF60];
	v49 =	vadd.s32 v10, v23;
	v31 =	vshrl.u32 v31, $0x3  }
0x357: {  	s28 =	simm.s32 $0x29;
	v25 =	vadd.s32 v5, v25;
	v29 =	vbroadcast v29, $0x0;
	[tilespmem:v37+s17+$0x0] =	vst.idx.msk $0xffff, v36;
	v34 =	vld [tilespmem:s26+$0x10];
	v31 =	vshll.u32 v31, v4  }
0x358: {  	s29 =	simm.s32 $0x21;
	v51 =	vmov s28;
	v20 =	vadd.s32 v5, v20;
	v50 =	vld [tilespmem:s26+$0xFFFFFF10];
	v31 =	vbroadcast v31, $0x0;
	[tilespmem:v27+s17+$0x0] =	vst.idx.msk $0xffff, v22  }
0x359: {  	v22 =	vmov s29;
	v27 =	vshrl.u32 v51, $0x3;
	[tilespmem:v28+s17+$0x0] =	vst.idx.msk $0xffff, v24;
	v28 =	vadd.s32 v16, v29;
	v24 =	vld [tilespmem:s25+$0xC0]  }
0x35a: {  	v22 =	vshrl.u32 v22, $0x3;
	v27 =	vshll.u32 v27, v4;
	[tilespmem:v30+s17+$0x0] =	vst.idx.msk $0xffff, v21;
	v21 =	vld [tilespmem:s25+$0xFFFFFFC0];
	v30 =	vadd.s32 v16, v31  }
0x35b: {  	s30 =	simm.s32 $0x1C;
	v26 =	vadd.s32 v11, v26;
	v22 =	vshll.u32 v22, v4;
	v27 =	vbroadcast v27, $0x0;
	[tilespmem:v49+s17+$0x0] =	vst.idx.msk $0xffff, v48;
	v52 =	vld [tilespmem:s23+$0x70]  }
0x35c: {  	s31 =	simm.s32 $0x14;
	v53 =	vmov s30;
	v23 =	vadd.s32 v11, v23;
	v22 =	vbroadcast v22, $0x0;
	[tilespmem:v25+s17+$0x0] =	vst.idx.msk $0xffff, v34;
	v25 =	vld [tilespmem:s23+$0xFFFFFF70]  }
0x35d: {  	v55 =	vmov s31;
	v33 =	vshrl.u32 v53, $0x3;
	[tilespmem:v20+s17+$0x0] =	vst.idx.msk $0xffff, v50;
	v20 =	vld [tilespmem:s26+$0x20];
	v54 =	vadd.s32 v6, v27  }
0x35e: {  	v35 =	vshrl.u32 v55, $0x3;
	v33 =	vshll.u32 v33, v4;
	v56 =	vld [tilespmem:s26+$0xFFFFFF20];
	v57 =	vadd.s32 v6, v22;
	[tilespmem:v28+s17+$0x0] =	vst.idx.msk $0xffff, v24  }
0x35f: {  	s7 =	simm.s32 $0xF;
	v29 =	vadd.s32 v17, v29;
	v24 =	vshll.u32 v35, v4;
	v28 =	vbroadcast v33, $0x0;
	[tilespmem:v30+s17+$0x0] =	vst.idx.msk $0xffff, v21;
	v30 =	vld [tilespmem:s25+$0xD0]  }
0x360: {  	s8 =	simm.s32 $0x7;
	v21 =	vmov s7;
	v58 =	vbroadcast v24, $0x0;
	[tilespmem:v26+s17+$0x0] =	vst.idx.msk $0xffff, v52;
	v24 =	vld [tilespmem:s25+$0xFFFFFFD0];
	v26 =	vadd.s32 v17, v31  }
0x361: {  	v31 =	vmov s8;
	v21 =	vshrl.u32 v21, $0x3;
	[tilespmem:v23+s17+$0x0] =	vst.idx.msk $0xffff, v25;
	v23 =	vld [tilespmem:s23+$0x80];
	v25 =	vadd.s32 v12, v28  }
0x362: {  	v31 =	vshrl.u32 v31, $0x3;
	v21 =	vshll.u32 v21, v4;
	[tilespmem:v54+s17+$0x0] =	vst.idx.msk $0xffff, v20;
	v20 =	vld [tilespmem:s23+$0xFFFFFF80];
	v59 =	vadd.s32 v12, v58  }
0x363: {  	s28 =	simm.s32 $0x2A;
	v60 =	vadd.s32 v7, v27;
	v27 =	vshll.u32 v31, v4;
	v61 =	vbroadcast v21, $0x0;
	[tilespmem:v57+s17+$0x0] =	vst.idx.msk $0xffff, v56;
	v34 =	vld [tilespmem:s26+$0x30]  }
0x364: {  	v62 =	vmov s28;
	s29 =	simm.s32 $0x22;
	v22 =	vadd.s32 v7, v22;
	v21 =	vbroadcast v27, $0x0;
	v31 =	vld [tilespmem:s26+$0xFFFFFF30];
	[tilespmem:v29+s17+$0x0] =	vst.idx.msk $0xffff, v30  }
0x365: {  	v27 =	vmov s29;
	v38 =	vadd.s32 v18, v61;
	v29 =	vshrl.u32 v62, $0x3;
	[tilespmem:v26+s17+$0x0] =	vst.idx.msk $0xffff, v24;
	v63 =	vld [tilespmem:s25+$0xE0]  }
0x366: {  	v24 =	vshrl.u32 v27, $0x3;
	v39 =	vadd.s32 v18, v21;
	v26 =	vshll.u32 v29, v4;
	[tilespmem:v25+s17+$0x0] =	vst.idx.msk $0xffff, v23;
	v23 =	vld [tilespmem:s25+$0xFFFFFFE0]  }
0x367: {  	s30 =	simm.s32 $0x1D;
	v27 =	vadd.s32 v13, v28;
	v24 =	vshll.u32 v24, v4;
	v29 =	vbroadcast v26, $0x0;
	[tilespmem:v59+s17+$0x0] =	vst.idx.msk $0xffff, v20;
	v25 =	vld [tilespmem:s23+$0x90]  }
0x368: {  	s31 =	simm.s32 $0x15;
	v30 =	vbroadcast v24, $0x0;
	v26 =	vadd.s32 v13, v58;
	v20 =	vmov s30;
	[tilespmem:v60+s17+$0x0] =	vst.idx.msk $0xffff, v34;
	v24 =	vld [tilespmem:s23+$0xFFFFFF90]  }
0x369: {  	v20 =	vshrl.u32 v20, $0x3;
	[tilespmem:v22+s17+$0x0] =	vst.idx.msk $0xffff, v31;
	v31 =	vld [tilespmem:s26+$0x40];
	v33 =	vadd.s32 v8, v29;
	v22 =	vmov s31  }
0x36a: {  	v34 =	vadd.s32 v8, v30;
	v20 =	vshll.u32 v20, v4;
	v32 =	vld [tilespmem:s26+$0xFFFFFF40];
	v22 =	vshrl.u32 v22, $0x3;
	[tilespmem:v38+s17+$0x0] =	vst.idx.msk $0xffff, v63  }
0x36b: {  	s1 =	simm.s32 $0x30;
	s6 =	simm.s32 $0x40;
	s7 =	simm.s32 $0x38;
	v20 =	vbroadcast v20, $0x0;
	v28 =	vshll.u32 v22, v4;
	[tilespmem:v39+s17+$0x0] =	vst.idx.msk $0xffff, v23;
	v23 =	vadd.s32 v19, v61;
	v22 =	vld [tilespmem:s25+$0xF0]  }
.LBB2_24:
0x36c: {  	p0 =	slt.u32 s6, $0x1F0;
	v35 =	vmov s7;
	v28 =	vbroadcast v28, $0x0;
	[tilespmem:v27+s17+$0x0] =	vst.idx.msk $0xffff, v25;
	v25 =	vld [tilespmem:s25+$0xFFFFFFF0];
	v21 =	vadd.s32 v19, v21;
	s25 =	smov.u32 s23;
	s23 =	smov.u32 s26  }
0x36d: {  	v27 =	vmov s1;
	v35 =	vshrl.u32 v35, $0x3;
	[tilespmem:v26+s17+$0x0] =	vst.idx.msk $0xffff, v24;
	v24 =	vld [tilespmem:s25+$0xA0];
	v26 =	vadd.s32 v14, v20  }
0x36e: {  	v27 =	vshrl.u32 v27, $0x3;
	v35 =	vshll.u32 v35, v4;
	[tilespmem:v33+s17+$0x0] =	vst.idx.msk $0xffff, v31;
	v31 =	vld [tilespmem:s25+$0xFFFFFFA0];
	v33 =	vadd.s32 v14, v28  }
0x36f: {  	v29 =	vadd.s32 v9, v29;
	s7 =	sadd.s32 $0xB, s0;
	v27 =	vshll.u32 v27, v4;
	v35 =	vbroadcast v35, $0x0;
	[tilespmem:v34+s17+$0x0] =	vst.idx.msk $0xffff, v32;
	v32 =	vld [tilespmem:s26+$0x50]  }
0x370: {  	v30 =	vadd.s32 v9, v30;
	s8 =	sadd.s32 $0x3, s0;
	v36 =	vmov s7;
	v27 =	vbroadcast v27, $0x0;
	s26 =	sadd.s32 $0x200, s26;
	v34 =	vld [tilespmem:s23+$0xFFFFFF50];
	[tilespmem:v23+s17+$0x0] =	vst.idx.msk $0xffff, v22  }
0x371: {  	v37 =	vmov s8;
	v36 =	vshrl.u32 v36, $0x3;
	v22 =	vld [tilespmem:s26+$0x0];
	v23 =	vadd.s32 v1, v35;
	[tilespmem:v21+s17+$0x0] =	vst.idx.msk $0xffff, v25  }
0x372: {  	v37 =	vshrl.u32 v37, $0x3;
	v36 =	vshll.u32 v36, v4;
	v25 =	vadd.s32 v1, v27;
	v21 =	vld [tilespmem:s26+$0xFFFFFF00];
	[tilespmem:v26+s17+$0x0] =	vst.idx.msk $0xffff, v24  }
0x373: {  	v20 =	vadd.s32 v15, v20;
	s7 =	sadd.s32 $0xE, s24;
	v24 =	vshll.u32 v37, v4;
	v26 =	vbroadcast v36, $0x0;
	[tilespmem:v33+s17+$0x0] =	vst.idx.msk $0xffff, v31;
	v31 =	vld [tilespmem:s25+$0xB0]  }
0x374: {  	s8 =	sadd.s32 $0x6, s24;
	v28 =	vadd.s32 v15, v28;
	v24 =	vbroadcast v24, $0x0;
	[tilespmem:v29+s17+$0x0] =	vst.idx.msk $0xffff, v32;
	v29 =	vld [tilespmem:s25+$0xFFFFFFB0];
	v32 =	vmov s7  }
0x375: {  	v33 =	vadd.s32 v10, v26;
	[tilespmem:v30+s17+$0x0] =	vst.idx.msk $0xffff, v34;
	v30 =	vld [tilespmem:s23+$0x60];
	v34 =	vmov s8;
	v32 =	vshrl.u32 v32, $0x3  }
0x376: {  	[tilespmem:v23+s17+$0x0] =	vst.idx.msk $0xffff, v22;
	v22 =	vld [tilespmem:s23+$0xFFFFFF60];
	v23 =	vadd.s32 v10, v24;
	v34 =	vshrl.u32 v34, $0x3;
	v32 =	vshll.u32 v32, v4  }
0x377: {  	s7 =	sadd.s32 $0x9, s1;
	[tilespmem:v25+s17+$0x0] =	vst.idx.msk $0xffff, v21;
	v21 =	vld [tilespmem:s26+$0x10];
	v25 =	vadd.s32 v5, v35;
	v34 =	vshll.u32 v34, v4;
	v32 =	vbroadcast v32, $0x0  }
0x378: {  	v27 =	vadd.s32 v5, v27;
	s8 =	sadd.s32 $0x1, s1;
	v36 =	vmov s7;
	v35 =	vld [tilespmem:s26+$0xFFFFFF10];
	v34 =	vbroadcast v34, $0x0;
	[tilespmem:v20+s17+$0x0] =	vst.idx.msk $0xffff, v31  }
0x379: {  	v20 =	vmov s8;
	v31 =	vshrl.u32 v36, $0x3;
	[tilespmem:v28+s17+$0x0] =	vst.idx.msk $0xffff, v29;
	v28 =	vld [tilespmem:s25+$0xC0];
	v29 =	vadd.s32 v16, v32  }
0x37a: {  	v20 =	vshrl.u32 v20, $0x3;
	v31 =	vshll.u32 v31, v4;
	[tilespmem:v33+s17+$0x0] =	vst.idx.msk $0xffff, v30;
	v30 =	vld [tilespmem:s25+$0xFFFFFFC0];
	v33 =	vadd.s32 v16, v34  }
0x37b: {  	s7 =	sadd.s32 $0xC, s0;
	v20 =	vshll.u32 v20, v4;
	v31 =	vbroadcast v31, $0x0;
	[tilespmem:v23+s17+$0x0] =	vst.idx.msk $0xffff, v22;
	v22 =	vld [tilespmem:s23+$0x70];
	v23 =	vadd.s32 v11, v26  }
0x37c: {  	v24 =	vadd.s32 v11, v24;
	s8 =	sadd.s32 $0x4, s0;
	v20 =	vbroadcast v20, $0x0;
	[tilespmem:v25+s17+$0x0] =	vst.idx.msk $0xffff, v21;
	v21 =	vld [tilespmem:s23+$0xFFFFFF70];
	v25 =	vmov s7  }
0x37d: {  	[tilespmem:v27+s17+$0x0] =	vst.idx.msk $0xffff, v35;
	v26 =	vld [tilespmem:s26+$0x20];
	v27 =	vadd.s32 v6, v31;
	v35 =	vmov s8;
	v25 =	vshrl.u32 v25, $0x3  }
0x37e: {  	v37 =	vadd.s32 v6, v20;
	v36 =	vld [tilespmem:s26+$0xFFFFFF20];
	v35 =	vshrl.u32 v35, $0x3;
	v25 =	vshll.u32 v25, v4;
	[tilespmem:v29+s17+$0x0] =	vst.idx.msk $0xffff, v28  }
0x37f: {  	s7 =	sadd.s32 $0xF, s24;
	v29 =	vadd.s32 v17, v32;
	v28 =	vshll.u32 v35, v4;
	v35 =	vbroadcast v25, $0x0;
	[tilespmem:v33+s17+$0x0] =	vst.idx.msk $0xffff, v30;
	v25 =	vld [tilespmem:s25+$0xD0]  }
0x380: {  	s8 =	sadd.s32 $0x7, s24;
	s24 =	smov.u32 s0;
	s0 =	smov.u32 s1;
	v30 =	vmov s7;
	v28 =	vbroadcast v28, $0x0;
	[tilespmem:v23+s17+$0x0] =	vst.idx.msk $0xffff, v22;
	v22 =	vld [tilespmem:s25+$0xFFFFFFD0];
	v23 =	vadd.s32 v17, v34  }
0x381: {  	s1 =	smov.u32 s6;
	v30 =	vshrl.u32 v30, $0x3;
	[tilespmem:v24+s17+$0x0] =	vst.idx.msk $0xffff, v21;
	v24 =	vld [tilespmem:s23+$0x80];
	v32 =	vadd.s32 v12, v35;
	v21 =	vmov s8  }
0x382: {  	v30 =	vshll.u32 v30, v4;
	[tilespmem:v27+s17+$0x0] =	vst.idx.msk $0xffff, v26;
	v26 =	vld [tilespmem:s23+$0xFFFFFF80];
	v27 =	vadd.s32 v12, v28;
	v21 =	vshrl.u32 v21, $0x3  }
0x383: {  	v31 =	vadd.s32 v7, v31;
	s7 =	sadd.s32 $0xA, s0;
	[tilespmem:v37+s17+$0x0] =	vst.idx.msk $0xffff, v36;
	v33 =	vld [tilespmem:s26+$0x30];
	v21 =	vshll.u32 v21, v4;
	v36 =	vbroadcast v30, $0x0  }
0x384: {  	v20 =	vadd.s32 v7, v20;
	s8 =	sadd.s32 $0x2, s0;
	v30 =	vmov s7;
	v34 =	vld [tilespmem:s26+$0xFFFFFF30];
	v21 =	vbroadcast v21, $0x0;
	[tilespmem:v29+s17+$0x0] =	vst.idx.msk $0xffff, v25  }
0x385: {  	v25 =	vmov s8;
	v29 =	vshrl.u32 v30, $0x3;
	[tilespmem:v23+s17+$0x0] =	vst.idx.msk $0xffff, v22;
	v22 =	vld [tilespmem:s25+$0xE0];
	v23 =	vadd.s32 v18, v36  }
0x386: {  	v25 =	vshrl.u32 v25, $0x3;
	v29 =	vshll.u32 v29, v4;
	[tilespmem:v32+s17+$0x0] =	vst.idx.msk $0xffff, v24;
	v37 =	vld [tilespmem:s25+$0xFFFFFFE0];
	v38 =	vadd.s32 v18, v21  }
.Ltmp11:
0x387: {  	s7 =	sadd.s32 $0xD, s24;
	v24 =	vshll.u32 v25, v4;
	v29 =	vbroadcast v29, $0x0;
	[tilespmem:v27+s17+$0x0] =	vst.idx.msk $0xffff, v26;
	v25 =	vld [tilespmem:s23+$0x90];
	v27 =	vadd.s32 v13, v35;
	(pc) =	sbr.rel @p0 .LBB2_24-.Ltmp11, $4  }
0x388: {  	s8 =	sadd.s32 $0x5, s24;
	v30 =	vbroadcast v24, $0x0;
	v26 =	vadd.s32 v13, v28;
	v28 =	vmov s7;
	[tilespmem:v31+s17+$0x0] =	vst.idx.msk $0xffff, v33;
	v24 =	vld [tilespmem:s23+$0xFFFFFF90]  }
0x389: {  	v33 =	vadd.s32 v8, v29;
	v28 =	vshrl.u32 v28, $0x3;
	[tilespmem:v20+s17+$0x0] =	vst.idx.msk $0xffff, v34;
	v31 =	vld [tilespmem:s26+$0x40];
	v20 =	vmov s8  }
0x38a: {  	v34 =	vadd.s32 v8, v30;
	v35 =	vshll.u32 v28, v4;
	v32 =	vld [tilespmem:s26+$0xFFFFFF40];
	v20 =	vshrl.u32 v20, $0x3;
	[tilespmem:v23+s17+$0x0] =	vst.idx.msk $0xffff, v22  }
0x38b: {  	s6 =	sadd.s32 $0x10, s6;
	s7 =	sadd.s32 $0x8, s1;
	v23 =	vadd.s32 v19, v36;
	v28 =	vshll.u32 v20, v4;
	v20 =	vbroadcast v35, $0x0;
	[tilespmem:v38+s17+$0x0] =	vst.idx.msk $0xffff, v37;
	v22 =	vld [tilespmem:s25+$0xF0]  }
0x38c: {  	v35 =	vmov s7  }
0x38d: {  	v36 =	vmov s1;
	v35 =	vshrl.u32 v35, $0x3  }
0x38e: {  	v36 =	vshrl.u32 v36, $0x3;
	v35 =	vshll.u32 v35, v4  }
0x38f: {  	v36 =	vshll.u32 v36, v4;
	v35 =	vbroadcast v35, $0x0  }
0x390: {  	s6 =	sadd.s32 $0x200, s26;
	v36 =	vbroadcast v36, $0x0  }
0x391: {  	v37 =	vld [tilespmem:s6+$0x0];
	v38 =	vadd.s32 v1, v35  }
0x392: {  	v39 =	vld [tilespmem:s6+$0xFFFFFF00];
	v40 =	vadd.s32 v1, v36;
	_ =	sdelay $0x3  }
0x393: {  	[tilespmem:v38+s17+$0x0] =	vst.idx.msk $0xffff, v37  }
0x394: {  	s8 =	sadd.s32 $0x9, s1;
	v35 =	vadd.s32 v5, v35;
	[tilespmem:v40+s17+$0x0] =	vst.idx.msk $0xffff, v39;
	v37 =	vld [tilespmem:s6+$0x10]  }
0x395: {  	s28 =	sadd.s32 $0x1, s1;
	v55 =	vmov s8;
	v36 =	vadd.s32 v5, v36;
	v54 =	vld [tilespmem:s6+$0xFFFFFF10]  }
0x396: {  	v56 =	vmov s28;
	v39 =	vshrl.u32 v55, $0x3  }
0x397: {  	v40 =	vshrl.u32 v56, $0x3;
	v39 =	vshll.u32 v39, v4  }
0x398: {  	v40 =	vshll.u32 v40, v4;
	v39 =	vbroadcast v39, $0x0  }
0x399: {  	v40 =	vbroadcast v40, $0x0;
	[tilespmem:v35+s17+$0x0] =	vst.idx.msk $0xffff, v37  }
0x39a: {  	v57 =	vadd.s32 v6, v39;
	[tilespmem:v36+s17+$0x0] =	vst.idx.msk $0xffff, v54;
	v35 =	vld [tilespmem:s6+$0x20]  }
0x39b: {  	v59 =	vadd.s32 v6, v40;
	v58 =	vld [tilespmem:s6+$0xFFFFFF20];
	_ =	sdelay $0x3  }
0x39c: {  	[tilespmem:v57+s17+$0x0] =	vst.idx.msk $0xffff, v35  }
0x39d: {  	s29 =	sadd.s32 $0xA, s1;
	v60 =	vadd.s32 v7, v39;
	[tilespmem:v59+s17+$0x0] =	vst.idx.msk $0xffff, v58;
	v35 =	vld [tilespmem:s6+$0x30]  }
0x39e: {  	s30 =	sadd.s32 $0x2, s1;
	v62 =	vmov s29;
	v61 =	vadd.s32 v7, v40;
	v37 =	vld [tilespmem:s6+$0xFFFFFF30]  }
0x39f: {  	v63 =	vmov s30;
	v39 =	vshrl.u32 v62, $0x3  }
0x3a0: {  	v40 =	vshrl.u32 v63, $0x3;
	v39 =	vshll.u32 v39, v4  }
0x3a1: {  	v40 =	vshll.u32 v40, v4;
	v39 =	vbroadcast v39, $0x0  }
0x3a2: {  	v40 =	vbroadcast v40, $0x0;
	[tilespmem:v60+s17+$0x0] =	vst.idx.msk $0xffff, v35  }
0x3a3: {  	v41 =	vadd.s32 v8, v39;
	[tilespmem:v61+s17+$0x0] =	vst.idx.msk $0xffff, v37;
	v35 =	vld [tilespmem:s6+$0x40]  }
0x3a4: {  	v42 =	vadd.s32 v8, v40;
	v37 =	vld [tilespmem:s6+$0xFFFFFF40];
	_ =	sdelay $0x1  }
0x3a5: {  	s31 =	sadd.s32 $0xB, s0;
	[tilespmem:v33+s17+$0x0] =	vst.idx.msk $0xffff, v31  }
0x3a6: {  	v29 =	vadd.s32 v9, v29;
	v43 =	vmov s31;
	s8 =	sadd.s32 $0x3, s0;
	s28 =	sadd.s32 $0xB, s1;
	[tilespmem:v34+s17+$0x0] =	vst.idx.msk $0xffff, v32;
	v31 =	vld [tilespmem:s26+$0x50]  }
0x3a7: {  	v30 =	vadd.s32 v9, v30;
	s29 =	sadd.s32 $0x3, s1;
	v45 =	vmov s8;
	v48 =	vmov s28;
	v44 =	vld [tilespmem:s26+$0xFFFFFF50];
	[tilespmem:v41+s17+$0x0] =	vst.idx.msk $0xffff, v35  }
0x3a8: {  	v49 =	vmov s29;
	v32 =	vshrl.u32 v43, $0x3;
	v46 =	vadd.s32 v9, v39;
	[tilespmem:v42+s17+$0x0] =	vst.idx.msk $0xffff, v37;
	v35 =	vld [tilespmem:s6+$0x50]  }
0x3a9: {  	v34 =	vshrl.u32 v45, $0x3;
	v32 =	vshll.u32 v32, v4;
	v47 =	vadd.s32 v9, v40;
	v37 =	vld [tilespmem:s6+$0xFFFFFF50]  }
0x3aa: {  	v34 =	vshll.u32 v34, v4;
	v32 =	vbroadcast v32, $0x0;
	v39 =	vshrl.u32 v48, $0x3  }
0x3ab: {  	v50 =	vshrl.u32 v49, $0x3;
	v34 =	vbroadcast v34, $0x0;
	[tilespmem:v29+s17+$0x0] =	vst.idx.msk $0xffff, v31;
	v51 =	vshll.u32 v39, v4  }
0x3ac: {  	v53 =	vadd.s32 v10, v32;
	v29 =	vshll.u32 v50, v4;
	[tilespmem:v30+s17+$0x0] =	vst.idx.msk $0xffff, v44;
	v52 =	vld [tilespmem:s26+$0x60];
	v31 =	vbroadcast v51, $0x0  }
0x3ad: {  	v29 =	vbroadcast v29, $0x0;
	v55 =	vadd.s32 v10, v34;
	v54 =	vld [tilespmem:s26+$0xFFFFFF60];
	[tilespmem:v46+s17+$0x0] =	vst.idx.msk $0xffff, v35  }
0x3ae: {  	v56 =	vadd.s32 v10, v31;
	[tilespmem:v47+s17+$0x0] =	vst.idx.msk $0xffff, v37;
	v35 =	vld [tilespmem:s6+$0x60]  }
0x3af: {  	v57 =	vadd.s32 v10, v29;
	v37 =	vld [tilespmem:s6+$0xFFFFFF60];
	_ =	sdelay $0x1  }
0x3b0: {  	s28 =	sadd.s32 $0x4, s1;
	[tilespmem:v53+s17+$0x0] =	vst.idx.msk $0xffff, v52  }
0x3b1: {  	s30 =	sadd.s32 $0xC, s0;
	s31 =	sadd.s32 $0x4, s0;
	v32 =	vadd.s32 v11, v32;
	v62 =	vmov s28;
	v30 =	vld [tilespmem:s26+$0x70];
	[tilespmem:v55+s17+$0x0] =	vst.idx.msk $0xffff, v54  }
0x3b2: {  	v34 =	vadd.s32 v11, v34;
	v58 =	vmov s30;
	v39 =	vld [tilespmem:s26+$0xFFFFFF70];
	v59 =	vmov s31;
	[tilespmem:v56+s17+$0x0] =	vst.idx.msk $0xffff, v35  }
0x3b3: {  	s8 =	sadd.s32 $0xC, s1;
	v31 =	vadd.s32 v11, v31;
	v29 =	vadd.s32 v11, v29;
	v33 =	vshrl.u32 v58, $0x3;
	[tilespmem:v57+s17+$0x0] =	vst.idx.msk $0xffff, v37;
	v36 =	vld [tilespmem:s6+$0x70]  }
0x3b4: {  	v33 =	vshll.u32 v33, v4;
	v60 =	vshrl.u32 v59, $0x3;
	v61 =	vmov s8;
	v37 =	vld [tilespmem:s6+$0xFFFFFF70]  }
0x3b5: {  	[tilespmem:v27+s17+$0x0] =	vst.idx.msk $0xffff, v25;
	v33 =	vbroadcast v33, $0x0;
	v38 =	vshrl.u32 v61, $0x3;
	v35 =	vshll.u32 v60, v4  }
0x3b6: {  	v40 =	vshrl.u32 v62, $0x3;
	[tilespmem:v32+s17+$0x0] =	vst.idx.msk $0xffff, v30;
	v41 =	vshll.u32 v38, v4;
	v63 =	vbroadcast v35, $0x0  }
0x3b7: {  	v32 =	vshll.u32 v40, v4;
	[tilespmem:v34+s17+$0x0] =	vst.idx.msk $0xffff, v39;
	v43 =	vadd.s32 v12, v33;
	v42 =	vld [tilespmem:s26+$0x80];
	v35 =	vbroadcast v41, $0x0  }
0x3b8: {  	v32 =	vbroadcast v32, $0x0;
	v39 =	vld [tilespmem:s26+$0xFFFFFF80];
	v44 =	vadd.s32 v12, v63;
	[tilespmem:v31+s17+$0x0] =	vst.idx.msk $0xffff, v36  }
0x3b9: {  	v46 =	vadd.s32 v12, v35;
	[tilespmem:v29+s17+$0x0] =	vst.idx.msk $0xffff, v37;
	v45 =	vld [tilespmem:s6+$0x80]  }
0x3ba: {  	v28 =	vbroadcast v28, $0x0;
	[tilespmem:v26+s17+$0x0] =	vst.idx.msk $0xffff, v24;
	v48 =	vadd.s32 v12, v32;
	v47 =	vld [tilespmem:s6+$0xFFFFFF80]  }
0x3bb: {  	v21 =	vadd.s32 v19, v21;
	v24 =	vadd.s32 v14, v20;
	s29 =	sadd.s32 $0xE, s24;
	[tilespmem:v23+s17+$0x0] =	vst.idx.msk $0xffff, v22;
	v50 =	vld [tilespmem:s25+$0xFFFFFFF0];
	s30 =	sadd.s32 $0x6, s24  }
0x3bc: {  	v49 =	vmov s29;
	s31 =	sadd.s32 $0xD, s0;
	v51 =	vmov s30;
	v34 =	vadd.s32 v14, v28;
	[tilespmem:v43+s17+$0x0] =	vst.idx.msk $0xffff, v42;
	v42 =	vld [tilespmem:s23+$0xFFFFFFA0]  }
0x3bd: {  	v53 =	vmov s31;
	v32 =	vadd.s32 v13, v32;
	v33 =	vadd.s32 v13, v33;
	s8 =	sadd.s32 $0x5, s0;
	v52 =	vld [tilespmem:s26+$0x90];
	[tilespmem:v44+s17+$0x0] =	vst.idx.msk $0xffff, v39  }
0x3be: {  	v28 =	vadd.s32 v15, v28;
	v55 =	vmov s8;
	s8 =	sadd.s32 $0xD, s1;
	v30 =	vadd.s32 v13, v63;
	v54 =	vld [tilespmem:s26+$0xFFFFFF90];
	[tilespmem:v46+s17+$0x0] =	vst.idx.msk $0xffff, v45  }
0x3bf: {  	s25 =	sadd.s32 $0x5, s1;
	v60 =	vmov s8;
	v57 =	vadd.s32 v13, v35;
	v39 =	vshrl.u32 v53, $0x3;
	[tilespmem:v48+s17+$0x0] =	vst.idx.msk $0xffff, v47;
	v56 =	vld [tilespmem:s6+$0x90]  }
0x3c0: {  	[tilespmem:v21+s17+$0x0] =	vst.idx.msk $0xffff, v50;
	v63 =	vmov s25;
	v36 =	vshrl.u32 v55, $0x3;
	v39 =	vshll.u32 v39, v4;
	v59 =	vld [tilespmem:s6+$0xFFFFFF90]  }
0x3c1: {  	v61 =	vld [tilespmem:s23+$0xA0];
	[tilespmem:v34+s17+$0x0] =	vst.idx.msk $0xffff, v42;
	v35 =	vshrl.u32 v60, $0x3;
	v58 =	vshll.u32 v36, v4;
	v62 =	vbroadcast v39, $0x0  }
0x3c2: {  	[tilespmem:v33+s17+$0x0] =	vst.idx.msk $0xffff, v52;
	v43 =	vshrl.u32 v63, $0x3;
	v55 =	vld [tilespmem:s23+$0xFFFFFFB0];
	v22 =	vbroadcast v58, $0x0;
	v44 =	vshll.u32 v35, v4  }
0x3c3: {  	v31 =	vshll.u32 v43, v4;
	v33 =	vbroadcast v44, $0x0;
	v45 =	vld [tilespmem:s26+$0xA0];
	v46 =	vadd.s32 v14, v62;
	[tilespmem:v30+s17+$0x0] =	vst.idx.msk $0xffff, v54  }
0x3c4: {  	v38 =	vshrl.u32 v51, $0x3;
	v31 =	vbroadcast v31, $0x0;
	v48 =	vadd.s32 v14, v22;
	v47 =	vld [tilespmem:s26+$0xFFFFFFA0];
	[tilespmem:v57+s17+$0x0] =	vst.idx.msk $0xffff, v56  }
0x3c5: {  	v26 =	vshrl.u32 v49, $0x3;
	v49 =	vshll.u32 v38, v4;
	v51 =	vadd.s32 v14, v33;
	[tilespmem:v32+s17+$0x0] =	vst.idx.msk $0xffff, v59;
	v50 =	vld [tilespmem:s6+$0xA0]  }
0x3c6: {  	[tilespmem:v24+s17+$0x0] =	vst.idx.msk $0xffff, v61;
	v25 =	vbroadcast v49, $0x0;
	v53 =	vadd.s32 v14, v31;
	v52 =	vld [tilespmem:s6+$0xFFFFFFA0]  }
0x3c7: {  	v20 =	vadd.s32 v15, v20;
	s30 =	sadd.s32 $0xE, s0;
	[tilespmem:v28+s17+$0x0] =	vst.idx.msk $0xffff, v55;
	v54 =	vld [tilespmem:s23+$0xB0]  }
0x3c8: {  	v26 =	vshll.u32 v26, v4;
	v60 =	vmov s30;
	v39 =	vadd.s32 v16, v25;
	[tilespmem:v46+s17+$0x0] =	vst.idx.msk $0xffff, v45;
	v46 =	vld [tilespmem:s23+$0xFFFFFFC0]  }
0x3c9: {  	s29 =	sadd.s32 $0x7, s24;
	s28 =	sadd.s32 $0xF, s24;
	s24 =	sadd.s32 $0xE, s1;
	v24 =	vbroadcast v26, $0x0;
	v37 =	vshrl.u32 v60, $0x3;
	v21 =	vadd.s32 v15, v62;
	v59 =	vld [tilespmem:s26+$0xB0];
	[tilespmem:v48+s17+$0x0] =	vst.idx.msk $0xffff, v47  }
0x3ca: {  	s31 =	sadd.s32 $0x6, s0;
	v43 =	vmov s24;
	v40 =	vshll.u32 v37, v4;
	v22 =	vadd.s32 v15, v22;
	v61 =	vld [tilespmem:s26+$0xFFFFFFB0];
	[tilespmem:v51+s17+$0x0] =	vst.idx.msk $0xffff, v50  }
0x3cb: {  	v34 =	vshrl.u32 v43, $0x3;
	v33 =	vadd.s32 v15, v33;
	v62 =	vmov s31;
	[tilespmem:v53+s17+$0x0] =	vst.idx.msk $0xffff, v52;
	v41 =	vld [tilespmem:s6+$0xB0]  }
0x3cc: {  	s25 =	sadd.s32 $0x6, s1;
	v27 =	vbroadcast v40, $0x0;
	v31 =	vadd.s32 v15, v31;
	v63 =	vshrl.u32 v62, $0x3;
	[tilespmem:v20+s17+$0x0] =	vst.idx.msk $0xffff, v54;
	v42 =	vld [tilespmem:s6+$0xFFFFFFB0]  }
0x3cd: {  	v45 =	vmov s25;
	v56 =	vadd.s32 v16, v24;
	v20 =	vshll.u32 v63, v4;
	v44 =	vld [tilespmem:s23+$0xC0];
	[tilespmem:v39+s17+$0x0] =	vst.idx.msk $0xffff, v46  }
0x3ce: {  	v34 =	vshll.u32 v34, v4;
	v20 =	vbroadcast v20, $0x0;
	v47 =	vshrl.u32 v45, $0x3;
	[tilespmem:v21+s17+$0x0] =	vst.idx.msk $0xffff, v59  }
0x3cf: {  	v34 =	vbroadcast v34, $0x0;
	v49 =	vadd.s32 v16, v27;
	v35 =	vshll.u32 v47, v4;
	v48 =	vld [tilespmem:s26+$0xC0];
	[tilespmem:v22+s17+$0x0] =	vst.idx.msk $0xffff, v61  }
0x3d0: {  	v58 =	vmov s29;
	v35 =	vbroadcast v35, $0x0;
	v51 =	vadd.s32 v16, v20;
	v50 =	vld [tilespmem:s26+$0xFFFFFFC0];
	[tilespmem:v33+s17+$0x0] =	vst.idx.msk $0xffff, v41  }
0x3d1: {  	v30 =	vshrl.u32 v58, $0x3;
	v57 =	vmov s28;
	v53 =	vadd.s32 v16, v34;
	[tilespmem:v31+s17+$0x0] =	vst.idx.msk $0xffff, v42;
	v52 =	vld [tilespmem:s6+$0xC0]  }
0x3d2: {  	v29 =	vshrl.u32 v57, $0x3;
	v54 =	vshll.u32 v30, v4;
	[tilespmem:v56+s17+$0x0] =	vst.idx.msk $0xffff, v44;
	v56 =	vadd.s32 v16, v35;
	v55 =	vld [tilespmem:s6+$0xFFFFFFC0]  }
0x3d3: {  	v25 =	vadd.s32 v17, v25;
	v29 =	vshll.u32 v29, v4;
	v28 =	vbroadcast v54, $0x0;
	v58 =	vld [tilespmem:s23+$0xFFFFFFD0]  }
0x3d4: {  	s29 =	sadd.s32 $0x7, s0;
	v27 =	vadd.s32 v17, v27;
	v24 =	vadd.s32 v17, v24;
	s28 =	sadd.s32 $0xF, s0;
	v29 =	vbroadcast v29, $0x0;
	v57 =	vld [tilespmem:s23+$0xD0];
	[tilespmem:v49+s17+$0x0] =	vst.idx.msk $0xffff, v48  }
0x3d5: {  	s31 =	sadd.s32 $0x7, s1;
	v62 =	vmov s28;
	v60 =	vadd.s32 v18, v28;
	v39 =	vmov s29;
	v61 =	vld [tilespmem:s26+$0xD0];
	[tilespmem:v51+s17+$0x0] =	vst.idx.msk $0xffff, v50  }
0x3d6: {  	v46 =	vmov s31;
	v59 =	vadd.s32 v18, v29;
	v20 =	vadd.s32 v17, v20;
	v63 =	vld [tilespmem:s26+$0xFFFFFFD0];
	[tilespmem:v53+s17+$0x0] =	vst.idx.msk $0xffff, v52  }
0x3d7: {  	s30 =	sadd.s32 $0xF, s1;
	v34 =	vadd.s32 v17, v34;
	v43 =	vadd.s32 v17, v35;
	v33 =	vshrl.u32 v62, $0x3;
	[tilespmem:v56+s17+$0x0] =	vst.idx.msk $0xffff, v55;
	v40 =	vld [tilespmem:s6+$0xD0]  }
0x3d8: {  	v44 =	vmov s30;
	[tilespmem:v25+s17+$0x0] =	vst.idx.msk $0xffff, v58;
	v31 =	vshrl.u32 v39, $0x3;
	v33 =	vshll.u32 v33, v4;
	v42 =	vld [tilespmem:s6+$0xFFFFFFD0]  }
0x3d9: {  	v35 =	vshrl.u32 v44, $0x3;
	v37 =	vld [tilespmem:s23+$0xFFFFFFE0];
	[tilespmem:v24+s17+$0x0] =	vst.idx.msk $0xffff, v57;
	v41 =	vshll.u32 v31, v4;
	v33 =	vbroadcast v33, $0x0  }
0x3da: {  	v47 =	vshrl.u32 v46, $0x3;
	v48 =	vshll.u32 v35, v4;
	v45 =	vld [tilespmem:s23+$0xE0];
	v21 =	vbroadcast v41, $0x0;
	[tilespmem:v27+s17+$0x0] =	vst.idx.msk $0xffff, v61  }
0x3db: {  	v32 =	vbroadcast v48, $0x0;
	v49 =	vadd.s32 v18, v33;
	v27 =	vshll.u32 v47, v4;
	[tilespmem:v20+s17+$0x0] =	vst.idx.msk $0xffff, v63;
	v20 =	vld [tilespmem:s26+$0xE0]  }
0x3dc: {  	v51 =	vadd.s32 v18, v21;
	v27 =	vbroadcast v27, $0x0;
	v50 =	vld [tilespmem:s26+$0xFFFFFFE0];
	[tilespmem:v34+s17+$0x0] =	vst.idx.msk $0xffff, v40  }
0x3dd: {  	v53 =	vadd.s32 v18, v32;
	[tilespmem:v43+s17+$0x0] =	vst.idx.msk $0xffff, v42;
	v52 =	vld [tilespmem:s6+$0xE0]  }
0x3de: {  	[tilespmem:v60+s17+$0x0] =	vst.idx.msk $0xffff, v37;
	v55 =	vadd.s32 v18, v27;
	v54 =	vld [tilespmem:s6+$0xFFFFFFE0]  }
0x3df: {  	v28 =	vadd.s32 v19, v28;
	v57 =	vld [tilespmem:s23+$0xFFFFFFF0];
	[tilespmem:v59+s17+$0x0] =	vst.idx.msk $0xffff, v45  }
0x3e0: {  	v29 =	vadd.s32 v19, v29;
	v56 =	vld [tilespmem:s23+$0xF0];
	[tilespmem:v49+s17+$0x0] =	vst.idx.msk $0xffff, v20  }
0x3e1: {  	v58 =	vadd.s32 v19, v33;
	[tilespmem:v51+s17+$0x0] =	vst.idx.msk $0xffff, v50;
	v20 =	vld [tilespmem:s26+$0xF0]  }
0x3e2: {  	v21 =	vadd.s32 v19, v21;
	v59 =	vld [tilespmem:s26+$0xFFFFFFF0];
	[tilespmem:v53+s17+$0x0] =	vst.idx.msk $0xffff, v52  }
0x3e3: {  	v61 =	vadd.s32 v19, v32;
	[tilespmem:v55+s17+$0x0] =	vst.idx.msk $0xffff, v54;
	v60 =	vld [tilespmem:s6+$0xF0]  }
0x3e4: {  	v63 =	vadd.s32 v19, v27;
	[tilespmem:v28+s17+$0x0] =	vst.idx.msk $0xffff, v57;
	v62 =	vld [tilespmem:s6+$0xFFFFFFF0]  }
0x3e5: {  	[tilespmem:v29+s17+$0x0] =	vst.idx.msk $0xffff, v56  }
0x3e6: {  	[tilespmem:v58+s17+$0x0] =	vst.idx.msk $0xffff, v20  }
0x3e7: {  	[tilespmem:v21+s17+$0x0] =	vst.idx.msk $0xffff, v59  }
0x3e8: {  	s7 =	sadd.s32 $0x0, s21;
	[tilespmem:v61+s17+$0x0] =	vst.idx.msk $0xffff, v60  }
0x3e9: {  	s1 =	simm.s32 $0x800;
	s0 =	simm.s32 $0x12900;
	s6 =	simm.s32 $0x12B08;
	[tilespmem:v63+s17+$0x0] =	vst.idx.msk $0xffff, v62  }
.LBB2_26:
0x3ea: {  	[hbm4b:s7+s2] =	stream.linear.scatter [tilespmem:s0], [sflag:$0x4], $0x200, $0x38;
	[tilespmem:$0x16A00] =	vst v63  }
0x3eb: {  	s7 =	smov.u32 s1;
	s0 =	smov.u32 s6;
	p0 =	sne.s32 s1, $0xF800  }
.Ltmp12:
0x3ec: {  	s1 =	sadd.s32 $0x800, s1;
	(pc) =	sbr.rel @p0 .LBB2_26-.Ltmp12, $2  }
0x3ed: {  	_ =	sdelay $0x2  }
0x3ee: {  	s6 =	sadd.s32 $0x208, s6;
	s7 =	sadd.s32 s7, s21  }
0x3ef: {  	[hbm4b:s7+s2] =	stream.linear.scatter [tilespmem:s0], [sflag:$0x4], $0x200, $0x38;
	[tilespmem:$0x16A00] =	vst v63  }
0x3f0: {  	_ =	swait.ge [sflag:s18], $0x4000  }
0x3f1: {  	[sflag:s18] =	ssyncset.done $0x0  }
0x3f2: {  	[sflag:s18] =	ssyncadd.s32 $0xFFFFC000  }
0x3f3: {  	_ =	swait.ge [sflag:s20], $0x4000  }
0x3f4: {  	s22 =	sadd.s32 $0x1, s22;
	s31 =	rddreg [dreg:$0x4]  }
0x3f5: {  	p0 =	sne.s32 s22, s31  }
.Ltmp13:
0x3f6: {  	_ = 	snop;
	(pc) =	sbr.rel @p0 .LBB2_1-.Ltmp13, $3  }
0x3f7: {  	_ =	sdelay $0x1  }
0x3f8: {  	[sflag:s20] =	ssyncset.done $0x0  }
0x3f9: {  	[sflag:s20] =	ssyncadd.s32 $0xFFFFC000  }
0x3fa: {  	_ =	sfence.sel $0x180000  }
0x3fb: {  	[bflag:$0x0] =	sbarrier.arrive $0xFFFF  }
0x3fc: {  	_ =	strace $0x90000047  }
0x3fd: {  	s0 =	stileid.u32;
	[bflag:$0x2] =	sbarrier.arrive $0xFFFF  }
0x3fe: {  	p0 =	sne.s32 s0, $0x0;
	s0 =	rddreg [dreg:$0x2]  }
0x3ff: {  	s0 =	sadd.s32 @!p0 $0x100000, s0  }
0x400: {  	[sflag:s0] =	ssyncadd.tile.s32 @!p0 $0x1;
	_ =	shalt  }
.Lfunc_end2:
_tile_overlayer_lowered:
.L_overlay_start_2:
0x401: {  	(tag) =	ssettag $0x2  }
0x402: {  	s0 =	rddreg [dreg:$0x0];
	s2 =	stileid.u32  }
0x403: {  	s1 =	rddreg [dreg:$0x1];
	p0 =	sne.s32 s2, $0x0  }
0x404: {  	s3 =	rddreg [dreg:$0x2];
	[bflag:$0x3] =	sbarrier.arrive $0xFFFF;
	s2 =	simm.s32 @!p0 $0x1C05  }
0x405: {  	[timem:s3], [sflag:s2] =	dma.local @!p0 [hbm:s0], s1  }
0x406: {  	s0 =	simm.s32 @!p0 $0x5  }
0x407: {  	_ =	swait.ge @!p0 [sflag:s0], s1  }
0x408: {  	s1 =	ssub.s32 @!p0 $0x0, s1;
	[sflag:s0] =	ssyncset.done @!p0 $0x0  }
0x409: {  	[sflag:s0] =	ssyncadd.s32 @!p0 s1  }
0x40a: {  	[bflag:$0x3] =	sbarrier.arrive $0xFFFF  }
0x40b: {  	_ =	shalt  }

</sc_bundles>
